<compile_context>
chip_gen: v7x
topology: tpu7x:2x2x1
jax: 0.10.2.dev20260603
libtpu: 0.0.44.dev20260713+nightly
codegen_flags: <defaults>
</compile_context>

<pallas_src>
import functools

import jax
import jax.numpy as jnp
from jax import lax
from jax.experimental import pallas as pl
from jax.experimental.pallas import tpu as pltpu
from jax.experimental.pallas import tpu_sc as plsc

_F32 = jnp.float32
_I32 = jnp.int32


_MESH = plsc.VectorSubcoreMesh(core_axis_name="c", subcore_axis_name="s")


@functools.partial(
    pl.kernel,
    mesh=_MESH,
    out_type=jax.ShapeDtypeStruct((128, 16), _F32),
    scratch_types=[
        pltpu.VMEM((4, 128), _F32),
        pltpu.VMEM((16,), _I32),
        pltpu.VMEM((16,), _F32),
        pltpu.VMEM((4, 16), _F32),
        pltpu.SemaphoreType.DMA,
    ],
)
def _sc_picks(lsc_hbm, ls1d_hbm, picks_hbm, rows_v, idx_v, vals_v, out_v, sem):
    wid = lax.axis_index("s") * 2 + lax.axis_index("c")
    i0 = wid * 4
    pltpu.sync_copy(lsc_hbm.at[pl.ds(i0, 4)], rows_v)

    lanes = lax.iota(_I32, 16)

    def _bcast_max_f32(x):
        for s in (1, 2, 4, 8):
            x = jnp.maximum(x, x.at[lanes ^ s].get(mode="promise_in_bounds"))
        return x

    def _bcast_min_i32(x):
        for s in (1, 2, 4, 8):
            x = jnp.minimum(x, x.at[lanes ^ s].get(mode="promise_in_bounds"))
        return x

    cvecs = []
    mvecs = []
    for t in range(4):
        bv = rows_v[t, pl.ds(0, 16)]
        bk = jnp.zeros((16,), _I32)
        for k in range(1, 8):
            v = rows_v[t, pl.ds(k * 16, 16)]
            upd = v > bv
            bv = jnp.where(upd, v, bv)
            bk = jnp.where(upd, k, bk)
        m_vec = _bcast_max_f32(bv)
        full_idx = bk * 16 + lanes
        c_vec = _bcast_min_i32(jnp.where(bv == m_vec, full_idx, 999))
        cvecs.append(c_vec)
        mvecs.append(m_vec)

    idxv = jnp.zeros((16,), _I32)
    for t in range(4):
        f_vec = cvecs[t] * 51 + ((i0 + t) * 6528 + 50)
        idxv = jnp.where(lanes == t, f_vec, idxv)
    idx_v[...] = idxv
    pltpu.async_copy(ls1d_hbm.at[idx_v], vals_v, sem).wait()

    vals = vals_v[...]
    neg_big = jnp.float32(-3.0e38)
    for t in range(4):
        sv_vec = _bcast_max_f32(jnp.where(lanes == t, vals, neg_big))
        row = jnp.where(lanes == 0, sv_vec, 0.0)
        row = jnp.where(lanes == 1, mvecs[t], row)
        out_v[t, :] = row
    pltpu.sync_copy(out_v, picks_hbm.at[pl.ds(i0, 4)])


def _tc_body(ls01_ref, lsc01_ref, fws_ref, fwsc_ref, picks_ref, gs_out, gsc_out):
    lsc01 = lsc01_ref[...]
    fws = fws_ref[...]
    fwsc = fwsc_ref[...]
    ls01_last = ls01_ref[:, :, 50]
    picks = picks_ref[...]

    iota_r = jax.lax.broadcasted_iota(_I32, (128, 128), 0)
    iota_c = jax.lax.broadcasted_iota(_I32, (128, 128), 1)

    row_sums = jnp.sum(fwsc, axis=1, keepdims=True)
    lsc0_col = jnp.transpose(lsc01[0:1, :])
    gsum0_col = jnp.concatenate([row_sums, row_sums], axis=0) + lsc0_col
    gsum0_row = jnp.transpose(gsum0_col)

    greater = (gsum0_row > gsum0_col) | ((gsum0_row == gsum0_col) & (iota_c < iota_r))
    rank128 = jnp.sum(greater.astype(_I32), axis=1, keepdims=True)
    selected_col = rank128 < 64
    selected_row = jnp.transpose(selected_col)

    fws2 = jnp.concatenate([fws, fws], axis=0)
    fwsc2 = jnp.concatenate([fwsc, fwsc], axis=0)
    lsl0_col = jnp.transpose(ls01_last[0:1, :])
    data = jnp.concatenate(
        [fws2, lsl0_col, fwsc2, lsc0_col, gsum0_col], axis=1)

    fws_t = jnp.transpose(fws)
    r64 = jnp.zeros((64, 64), _F32)
    nd64 = jnp.ones((64, 64), _F32)
    for c in range(51):
        a_c = fws[:, c:c + 1]
        b_c = fws_t[c:c + 1, :]
        r64 = r64 + nd64 * jnp.sign(a_c - b_c)
        nd64 = nd64 * (a_c == b_c).astype(_F32)
    less64 = (r64 < 0).astype(_F32)
    less64_2 = jnp.concatenate([less64, less64], axis=0)
    less64_4 = jnp.concatenate([less64_2, less64_2], axis=1)
    lessd = (lsl0_col < jnp.transpose(lsl0_col)).astype(_F32)
    same_m = ((iota_r % 64) == (iota_c % 64)).astype(_F32)
    less = same_m * lessd + (1.0 - same_m) * less64_4

    rank_sel = jnp.sum(less * selected_col.astype(_F32), axis=0,
                       keepdims=True).astype(_I32)
    iota64_r = jax.lax.broadcasted_iota(_I32, (64, 128), 0)
    p_mat = ((rank_sel == iota64_r) & selected_row).astype(_F32)
    gs_sorted = jax.lax.dot(p_mat, data[:, 0:52],
                            precision=jax.lax.Precision.HIGHEST)
    gsc_sorted = jax.lax.dot(p_mat, data[:, 52:104],
                             precision=jax.lax.Precision.HIGHEST)
    gsum_sorted = jax.lax.dot(p_mat, data[:, 104:105],
                              precision=jax.lax.Precision.HIGHEST)

    gsum_sorted_row = jnp.transpose(gsum_sorted)
    lsc1_2x64 = jnp.concatenate([lsc01[1:2, 0:64], lsc01[1:2, 64:128]], axis=0)
    v1 = gsum_sorted_row + lsc1_2x64
    idxj = (jax.lax.broadcasted_iota(_I32, (2, 64), 0) * 64
            + jax.lax.broadcasted_iota(_I32, (2, 64), 1))
    v1_max = jnp.max(v1)
    c1 = jnp.min(jnp.where(v1 == v1_max, idxj, 999))
    m1 = c1 % 64

    iota64_c1 = jax.lax.broadcasted_iota(_I32, (64, 1), 0)
    e_col = (iota64_c1 == m1).astype(_F32)
    prefix_gs = jnp.sum(e_col * gs_sorted, axis=0, keepdims=True)
    prefix_gsc = jnp.sum(e_col * gsc_sorted, axis=0, keepdims=True)

    iota128_row = jax.lax.broadcasted_iota(_I32, (1, 128), 1)
    sel_c1 = (iota128_row == c1).astype(_F32)
    lsl1_c1 = jnp.sum(sel_c1 * ls01_last[1:2, :], axis=1, keepdims=True)
    lsc1_c1 = jnp.sum(sel_c1 * lsc01[1:2, :], axis=1, keepdims=True)

    picks_struct_row = jnp.transpose(picks[:, 0:1])
    picks_score_row = jnp.transpose(picks[:, 1:2])

    row_gs = jnp.concatenate(
        [prefix_gs, lsl1_c1, picks_struct_row[:, 2:128]], axis=1)
    row_gsc = jnp.concatenate(
        [prefix_gsc, lsc1_c1, picks_score_row[:, 2:128]], axis=1)
    gs_out[...] = jnp.broadcast_to(row_gs, (64, 179))
    gsc_out[...] = jnp.broadcast_to(row_gsc, (64, 179))


def kernel(local_structs, local_scores, first_window_struct, first_window_scores):
    picks = _sc_picks(local_scores, local_structs.reshape(-1))
    out_shape = (
        jax.ShapeDtypeStruct((64, 179), _F32),
        jax.ShapeDtypeStruct((64, 179), _F32),
    )
    return pl.pallas_call(_tc_body, out_shape=out_shape)(
        local_structs[0:2], local_scores[0:2],
        first_window_struct, first_window_scores, picks)

# --- scband reference (transcript-rebuilt; emitter-appended) ---
"""Pipeline reference for scband-win-decoder-69286412419395 (READ-ONLY COPY).

The authoritative reference and input builder live on the scoring server;
editing this copy changes nothing except your own understanding.
"""

import jax, jax.numpy as jnp
import numpy as np

TOPK = 64

def _lex_row_sort(data):
    # Emulates the row ordering produced by torch.unique(..., dim=0):
    # lexicographic sort of rows (first column most significant).
    # Dedup is omitted: with continuous random scores, duplicate rows
    # occur with probability zero, so unique == lexicographic row sort.
    a = data[:, None, :]
    b = data[None, :, :]
    neq = a != b
    first = jnp.argmax(neq, axis=-1)
    s = jnp.take_along_axis(jnp.sign(a - b), first[..., None], axis=-1)[..., 0]
    less = s < 0  # less[i, j] = row_i < row_j lexicographically
    rank = jnp.sum(less, axis=0)
    perm = jnp.argsort(rank)
    return data[perm]

def _beam_search(local_structs, local_scores, first_window_struct, first_window_scores, topk):
    n_windows = local_structs.shape[0]
    gs = jnp.concatenate((first_window_struct, first_window_struct), axis=0)
    gsc = jnp.concatenate((first_window_scores, first_window_scores), axis=0)
    gs = jnp.concatenate((gs, local_structs[0, :, -1][:, None]), axis=1)
    gsc = jnp.concatenate((gsc, local_scores[0, :].reshape(-1, 1)), axis=1)
    gsum = jnp.sum(gsc, axis=1)
    kk = min(topk, gsum.shape[0])
    gsum, idx = jax.lax.top_k(gsum, kk)
    gs = gs[idx, :]
    gsc = gsc[idx, :]
    data = _lex_row_sort(jnp.concatenate((gs, gsc, gsum[:, None]), axis=1))
    w = gs.shape[1]
    wsc = gsc.shape[1]
    gs = data[:, :w]
    gsc = data[:, w:w + wsc]
    gsum = data[:, -1]
    for i in range(1, n_windows):
        cs = local_structs[i]
        csc = local_scores[i]
        gs0 = gs.shape[0]
        cs0 = cs.shape[0]
        gs = jnp.concatenate((jnp.tile(gs, (cs0, 1)), jnp.tile(cs[:, -1], gs0)[:, None]), axis=1)
        gsc = jnp.concatenate((jnp.tile(gsc, (cs0, 1)), jnp.tile(csc, gs0)[:, None]), axis=1)
        gsum = jnp.tile(gsum, cs0) + jnp.tile(csc, gs0)
        kk = min(topk, gsum.shape[0])
        gsum, idx = jax.lax.top_k(gsum, kk)
        gs = gs[idx]
        gsc = gsc[idx]
        data = _lex_row_sort(jnp.concatenate((gs, gsc, gsum[:, None]), axis=1))
        w = gs.shape[1]
        wsc = gsc.shape[1]
        gs = data[:, :w]
        gsc = data[:, w:w + wsc]
        gsum = data[:, -1]
    return gs, gsc

def setup_inputs(seed: int = 0):
    key = jax.random.key(seed)
    k1, k2, k3, k4 = jax.random.split(key, 4)
    return {
        "local_structs": jax.random.normal(k1, (128, 128, 51), dtype=jnp.float32),
        "local_scores": jax.random.normal(k2, (128, 128), dtype=jnp.float32),
        "first_window_struct": jax.random.normal(k3, (64, 51), dtype=jnp.float32),
        "first_window_scores": jax.random.normal(k4, (64, 51), dtype=jnp.float32),
    }

def reference(local_structs, local_scores, first_window_struct, first_window_scores):
    return _beam_search(local_structs, local_scores, first_window_struct, first_window_scores, TOPK)

if __name__ == "__main__":
    import jax
    _d = setup_inputs()
    print(jax.jit(kernel)(*tuple(_d.values())))

</pallas_src>

<mosaic_0001>
#map = affine_map<(d0, d1) -> (0, 0)>
#map1 = affine_map<(d0, d1) -> (0)>
module attributes {stable_mosaic.version = 14 : i64} {
  func.func @_sc_picks(%arg0: i32, %arg1: i32, %arg2: memref<128x128xf32, #tpu.memory_space<hbm>>, %arg3: memref<835584xf32, #tpu.memory_space<hbm>>, %arg4: memref<128x16xf32, #tpu.memory_space<hbm>>, %arg5: memref<4x128xf32, #tpu.memory_space<vmem>>, %arg6: memref<16xi32, #tpu.memory_space<vmem>>, %arg7: memref<16xf32, #tpu.memory_space<vmem>>, %arg8: memref<4x16xf32, #tpu.memory_space<vmem>>, %arg9: memref<!tpu.dma_semaphore, #tpu.memory_space<semaphore_mem>>) attributes {dimension_semantics = [#tpu.dimension_semantics<core_parallel>, #tpu.dimension_semantics<subcore_parallel>], iteration_bounds = array<i64: 2, 16>, scalar_prefetch = 0 : i64, scratch_operands = 5 : i64, tpu.core_type = #tpu.core_type<sc_vector_subcore>, window_params = [{transform_indices = #map}, {transform_indices = #map1}, {transform_indices = #map}]} {
    %mul3A = arith.constant 2 : i32
    %mul3A_0 = arith.muli %arg1, %mul3A : i32
    %add3A = arith.addi %mul3A_0, %arg0 : i32
    %mul3A_1 = arith.constant 4 : i32
    %mul3A_2 = arith.muli %add3A, %mul3A_1 : i32
    "tpu.region"() ({
      %run_scoped3A = tpu.sem_alloc : memref<!tpu.dma_semaphore, #tpu.memory_space<semaphore_mem>>
      %dma_start3A_1162 = arith.constant 0 : i32
      %dma_start3A_1163 = tpu.memref_slice %arg2[%mul3A_2, %dma_start3A_1162] : memref<128x128xf32, #tpu.memory_space<hbm>> -> memref<4x128xf32, #tpu.memory_space<hbm>>
      %dma_start3A_1164 = arith.constant 0 : i32
      %dma_start3A_1165 = tpu.memref_slice %arg2[%mul3A_2, %dma_start3A_1164] : memref<128x128xf32, #tpu.memory_space<hbm>> -> memref<4x128xf32, #tpu.memory_space<hbm>>
      tpu.enqueue_dma source(%dma_start3A_1165 : memref<4x128xf32, #tpu.memory_space<hbm>>) target(%arg5 : memref<4x128xf32, #tpu.memory_space<vmem>>) target_semaphore(%run_scoped3A : memref<!tpu.dma_semaphore, #tpu.memory_space<semaphore_mem>>)
      %dma_wait3A_1166 = arith.constant 0 : i32
      %dma_wait3A_1167 = tpu.memref_slice %arg2[%mul3A_2, %dma_wait3A_1166] : memref<128x128xf32, #tpu.memory_space<hbm>> -> memref<4x128xf32, #tpu.memory_space<hbm>>
      %dma_wait3A_1168 = arith.constant 0 : i32
      %dma_wait3A_1169 = tpu.memref_slice %arg2[%mul3A_2, %dma_wait3A_1168] : memref<128x128xf32, #tpu.memory_space<hbm>> -> memref<4x128xf32, #tpu.memory_space<hbm>>
      tpu.wait_dma2 semaphore(%run_scoped3A : memref<!tpu.dma_semaphore, #tpu.memory_space<semaphore_mem>>) src(%dma_wait3A_1169 : memref<4x128xf32, #tpu.memory_space<hbm>>) dst(%arg5 : memref<4x128xf32, #tpu.memory_space<vmem>>)
      tpu.yield
    }) : () -> ()
    %iota3A = tpu.iota {dimensions = array<i32: 0>} : vector<16xi32>
    %get3A = arith.constant 0 : i32
    %get3A_3 = arith.index_cast %get3A : i32 to index
    %get3A_4 = arith.constant 0 : index
    %get3A_5 = tpu.vector_load %arg5[%get3A_3, %get3A_4] {strides = array<i32>} : memref<4x128xf32, #tpu.memory_space<vmem>>, vector<1x16xf32>,
    %get3A_6 = vector.shape_cast %get3A_5 : vector<1x16xf32> to vector<16xf32>
    %broadcast_in_dim3A = arith.constant 0 : i32
    %broadcast_in_dim3A_7 = vector.broadcast %broadcast_in_dim3A : i32 to vector<16xi32>
    %get3A_8 = arith.constant 0 : i32
    %get3A_9 = arith.index_cast %get3A_8 : i32 to index
    %get3A_10 = arith.constant 16 : index
    %get3A_11 = tpu.vector_load %arg5[%get3A_9, %get3A_10] {strides = array<i32>} : memref<4x128xf32, #tpu.memory_space<vmem>>, vector<1x16xf32>,
    %get3A_12 = vector.shape_cast %get3A_11 : vector<1x16xf32> to vector<16xf32>
    %gt3A = arith.cmpf ogt, %get3A_12, %get3A_6 : vector<16xf32>
    %select_n3A = arith.select %gt3A, %get3A_12, %get3A_6 : vector<16xi1>, vector<16xf32>
    %jit3A = arith.constant 1 : i32
    %broadcast_in_dim3A_13 = vector.broadcast %jit3A : i32 to vector<16xi32>
    %select_n3A_14 = arith.select %gt3A, %broadcast_in_dim3A_13, %broadcast_in_dim3A_7 : vector<16xi1>, vector<16xi32>
    %get3A_15 = arith.constant 0 : i32
    %get3A_16 = arith.index_cast %get3A_15 : i32 to index
    %get3A_17 = arith.constant 32 : index
    %get3A_18 = tpu.vector_load %arg5[%get3A_16, %get3A_17] {strides = array<i32>} : memref<4x128xf32, #tpu.memory_space<vmem>>, vector<1x16xf32>,
    %get3A_19 = vector.shape_cast %get3A_18 : vector<1x16xf32> to vector<16xf32>
    %gt3A_20 = arith.cmpf ogt, %get3A_19, %select_n3A : vector<16xf32>
    %select_n3A_21 = arith.select %gt3A_20, %get3A_19, %select_n3A : vector<16xi1>, vector<16xf32>
    %jit3A_22 = arith.constant 2 : i32
    %broadcast_in_dim3A_23 = vector.broadcast %jit3A_22 : i32 to vector<16xi32>
    %select_n3A_24 = arith.select %gt3A_20, %broadcast_in_dim3A_23, %select_n3A_14 : vector<16xi1>, vector<16xi32>
    %get3A_25 = arith.constant 0 : i32
    %get3A_26 = arith.index_cast %get3A_25 : i32 to index
    %get3A_27 = arith.constant 48 : index
    %get3A_28 = tpu.vector_load %arg5[%get3A_26, %get3A_27] {strides = array<i32>} : memref<4x128xf32, #tpu.memory_space<vmem>>, vector<1x16xf32>,
    %get3A_29 = vector.shape_cast %get3A_28 : vector<1x16xf32> to vector<16xf32>
    %gt3A_30 = arith.cmpf ogt, %get3A_29, %select_n3A_21 : vector<16xf32>
    %select_n3A_31 = arith.select %gt3A_30, %get3A_29, %select_n3A_21 : vector<16xi1>, vector<16xf32>
    %jit3A_32 = arith.constant 3 : i32
    %broadcast_in_dim3A_33 = vector.broadcast %jit3A_32 : i32 to vector<16xi32>
    %select_n3A_34 = arith.select %gt3A_30, %broadcast_in_dim3A_33, %select_n3A_24 : vector<16xi1>, vector<16xi32>
    %get3A_35 = arith.constant 0 : i32
    %get3A_36 = arith.index_cast %get3A_35 : i32 to index
    %get3A_37 = arith.constant 64 : index
    %get3A_38 = tpu.vector_load %arg5[%get3A_36, %get3A_37] {strides = array<i32>} : memref<4x128xf32, #tpu.memory_space<vmem>>, vector<1x16xf32>,
    %get3A_39 = vector.shape_cast %get3A_38 : vector<1x16xf32> to vector<16xf32>
    %gt3A_40 = arith.cmpf ogt, %get3A_39, %select_n3A_31 : vector<16xf32>
    %select_n3A_41 = arith.select %gt3A_40, %get3A_39, %select_n3A_31 : vector<16xi1>, vector<16xf32>
    %jit3A_42 = arith.constant 4 : i32
    %broadcast_in_dim3A_43 = vector.broadcast %jit3A_42 : i32 to vector<16xi32>
    %select_n3A_44 = arith.select %gt3A_40, %broadcast_in_dim3A_43, %select_n3A_34 : vector<16xi1>, vector<16xi32>
    %get3A_45 = arith.constant 0 : i32
    %get3A_46 = arith.index_cast %get3A_45 : i32 to index
    %get3A_47 = arith.constant 80 : index
    %get3A_48 = tpu.vector_load %arg5[%get3A_46, %get3A_47] {strides = array<i32>} : memref<4x128xf32, #tpu.memory_space<vmem>>, vector<1x16xf32>,
    %get3A_49 = vector.shape_cast %get3A_48 : vector<1x16xf32> to vector<16xf32>
    %gt3A_50 = arith.cmpf ogt, %get3A_49, %select_n3A_41 : vector<16xf32>
    %select_n3A_51 = arith.select %gt3A_50, %get3A_49, %select_n3A_41 : vector<16xi1>, vector<16xf32>
    %jit3A_52 = arith.constant 5 : i32
    %broadcast_in_dim3A_53 = vector.broadcast %jit3A_52 : i32 to vector<16xi32>
    %select_n3A_54 = arith.select %gt3A_50, %broadcast_in_dim3A_53, %select_n3A_44 : vector<16xi1>, vector<16xi32>
    %get3A_55 = arith.constant 0 : i32
    %get3A_56 = arith.index_cast %get3A_55 : i32 to index
    %get3A_57 = arith.constant 96 : index
    %get3A_58 = tpu.vector_load %arg5[%get3A_56, %get3A_57] {strides = array<i32>} : memref<4x128xf32, #tpu.memory_space<vmem>>, vector<1x16xf32>,
    %get3A_59 = vector.shape_cast %get3A_58 : vector<1x16xf32> to vector<16xf32>
    %gt3A_60 = arith.cmpf ogt, %get3A_59, %select_n3A_51 : vector<16xf32>
    %select_n3A_61 = arith.select %gt3A_60, %get3A_59, %select_n3A_51 : vector<16xi1>, vector<16xf32>
    %jit3A_62 = arith.constant 6 : i32
    %broadcast_in_dim3A_63 = vector.broadcast %jit3A_62 : i32 to vector<16xi32>
    %select_n3A_64 = arith.select %gt3A_60, %broadcast_in_dim3A_63, %select_n3A_54 : vector<16xi1>, vector<16xi32>
    %get3A_65 = arith.constant 0 : i32
    %get3A_66 = arith.index_cast %get3A_65 : i32 to index
    %get3A_67 = arith.constant 112 : index
    %get3A_68 = tpu.vector_load %arg5[%get3A_66, %get3A_67] {strides = array<i32>} : memref<4x128xf32, #tpu.memory_space<vmem>>, vector<1x16xf32>,
    %get3A_69 = vector.shape_cast %get3A_68 : vector<1x16xf32> to vector<16xf32>
    %gt3A_70 = arith.cmpf ogt, %get3A_69, %select_n3A_61 : vector<16xf32>
    %select_n3A_71 = arith.select %gt3A_70, %get3A_69, %select_n3A_61 : vector<16xi1>, vector<16xf32>
    %jit3A_72 = arith.constant 7 : i32
    %broadcast_in_dim3A_73 = vector.broadcast %jit3A_72 : i32 to vector<16xi32>
    %select_n3A_74 = arith.select %gt3A_70, %broadcast_in_dim3A_73, %select_n3A_64 : vector<16xi1>, vector<16xi32>
    %xor3A = arith.constant 1 : i32
    %xor3A_75 = vector.broadcast %xor3A : i32 to vector<16xi32>
    %xor3A_76 = arith.xori %iota3A, %xor3A_75 : vector<16xi32>
    %lt3A = arith.constant 0 : i32
    %lt3A_77 = vector.broadcast %lt3A : i32 to vector<16xi32>
    %lt3A_78 = arith.cmpi slt, %xor3A_76, %lt3A_77 : vector<16xi32>
    %add3A_79 = arith.constant 16 : i32
    %add3A_80 = vector.broadcast %add3A_79 : i32 to vector<16xi32>
    %add3A_81 = arith.addi %xor3A_76, %add3A_80 : vector<16xi32>
    %select_n3A_82 = arith.select %lt3A_78, %add3A_81, %xor3A_76 : vector<16xi1>, vector<16xi32>
    %broadcast_in_dim3A_83 = vector.shape_cast %select_n3A_82 : vector<16xi32> to vector<16x1xi32>
    %gather3A = vector.shape_cast %broadcast_in_dim3A_83 : vector<16x1xi32> to vector<16xi32>
    %gather3A_84 = tpu.dynamic_gather %select_n3A_71[%gather3A] in [0] : vector<16xf32>, vector<16xi32> -> vector<16xf32>
    %max3A = arith.maximumf %select_n3A_71, %gather3A_84 : vector<16xf32>
    %xor3A_85 = arith.constant 2 : i32
    %xor3A_86 = vector.broadcast %xor3A_85 : i32 to vector<16xi32>
    %xor3A_87 = arith.xori %iota3A, %xor3A_86 : vector<16xi32>
    %lt3A_88 = arith.constant 0 : i32
    %lt3A_89 = vector.broadcast %lt3A_88 : i32 to vector<16xi32>
    %lt3A_90 = arith.cmpi slt, %xor3A_87, %lt3A_89 : vector<16xi32>
    %add3A_91 = arith.constant 16 : i32
    %add3A_92 = vector.broadcast %add3A_91 : i32 to vector<16xi32>
    %add3A_93 = arith.addi %xor3A_87, %add3A_92 : vector<16xi32>
    %select_n3A_94 = arith.select %lt3A_90, %add3A_93, %xor3A_87 : vector<16xi1>, vector<16xi32>
    %broadcast_in_dim3A_95 = vector.shape_cast %select_n3A_94 : vector<16xi32> to vector<16x1xi32>
    %gather3A_96 = vector.shape_cast %broadcast_in_dim3A_95 : vector<16x1xi32> to vector<16xi32>
    %gather3A_97 = tpu.dynamic_gather %max3A[%gather3A_96] in [0] : vector<16xf32>, vector<16xi32> -> vector<16xf32>
    %max3A_98 = arith.maximumf %max3A, %gather3A_97 : vector<16xf32>
    %xor3A_99 = arith.constant 4 : i32
    %xor3A_100 = vector.broadcast %xor3A_99 : i32 to vector<16xi32>
    %xor3A_101 = arith.xori %iota3A, %xor3A_100 : vector<16xi32>
    %lt3A_102 = arith.constant 0 : i32
    %lt3A_103 = vector.broadcast %lt3A_102 : i32 to vector<16xi32>
    %lt3A_104 = arith.cmpi slt, %xor3A_101, %lt3A_103 : vector<16xi32>
    %add3A_105 = arith.constant 16 : i32
    %add3A_106 = vector.broadcast %add3A_105 : i32 to vector<16xi32>
    %add3A_107 = arith.addi %xor3A_101, %add3A_106 : vector<16xi32>
    %select_n3A_108 = arith.select %lt3A_104, %add3A_107, %xor3A_101 : vector<16xi1>, vector<16xi32>
    %broadcast_in_dim3A_109 = vector.shape_cast %select_n3A_108 : vector<16xi32> to vector<16x1xi32>
    %gather3A_110 = vector.shape_cast %broadcast_in_dim3A_109 : vector<16x1xi32> to vector<16xi32>
    %gather3A_111 = tpu.dynamic_gather %max3A_98[%gather3A_110] in [0] : vector<16xf32>, vector<16xi32> -> vector<16xf32>
    %max3A_112 = arith.maximumf %max3A_98, %gather3A_111 : vector<16xf32>
    %xor3A_113 = arith.constant 8 : i32
    %xor3A_114 = vector.broadcast %xor3A_113 : i32 to vector<16xi32>
    %xor3A_115 = arith.xori %iota3A, %xor3A_114 : vector<16xi32>
    %lt3A_116 = arith.constant 0 : i32
    %lt3A_117 = vector.broadcast %lt3A_116 : i32 to vector<16xi32>
    %lt3A_118 = arith.cmpi slt, %xor3A_115, %lt3A_117 : vector<16xi32>
    %add3A_119 = arith.constant 16 : i32
    %add3A_120 = vector.broadcast %add3A_119 : i32 to vector<16xi32>
    %add3A_121 = arith.addi %xor3A_115, %add3A_120 : vector<16xi32>
    %select_n3A_122 = arith.select %lt3A_118, %add3A_121, %xor3A_115 : vector<16xi1>, vector<16xi32>
    %broadcast_in_dim3A_123 = vector.shape_cast %select_n3A_122 : vector<16xi32> to vector<16x1xi32>
    %gather3A_124 = vector.shape_cast %broadcast_in_dim3A_123 : vector<16x1xi32> to vector<16xi32>
    %gather3A_125 = tpu.dynamic_gather %max3A_112[%gather3A_124] in [0] : vector<16xf32>, vector<16xi32> -> vector<16xf32>
    %max3A_126 = arith.maximumf %max3A_112, %gather3A_125 : vector<16xf32>
    %mul3A_127 = arith.constant 16 : i32
    %mul3A_128 = vector.broadcast %mul3A_127 : i32 to vector<16xi32>
    %mul3A_129 = arith.muli %select_n3A_74, %mul3A_128 : vector<16xi32>
    %add3A_130 = arith.addi %mul3A_129, %iota3A : vector<16xi32>
    %eq3A = arith.cmpf oeq, %select_n3A_71, %max3A_126 : vector<16xf32>
    %jit3A_131 = arith.constant 999 : i32
    %broadcast_in_dim3A_132 = vector.broadcast %jit3A_131 : i32 to vector<16xi32>
    %select_n3A_133 = arith.select %eq3A, %add3A_130, %broadcast_in_dim3A_132 : vector<16xi1>, vector<16xi32>
    %xor3A_134 = arith.constant 1 : i32
    %xor3A_135 = vector.broadcast %xor3A_134 : i32 to vector<16xi32>
    %xor3A_136 = arith.xori %iota3A, %xor3A_135 : vector<16xi32>
    %lt3A_137 = arith.constant 0 : i32
    %lt3A_138 = vector.broadcast %lt3A_137 : i32 to vector<16xi32>
    %lt3A_139 = arith.cmpi slt, %xor3A_136, %lt3A_138 : vector<16xi32>
    %add3A_140 = arith.constant 16 : i32
    %add3A_141 = vector.broadcast %add3A_140 : i32 to vector<16xi32>
    %add3A_142 = arith.addi %xor3A_136, %add3A_141 : vector<16xi32>
    %select_n3A_143 = arith.select %lt3A_139, %add3A_142, %xor3A_136 : vector<16xi1>, vector<16xi32>
    %broadcast_in_dim3A_144 = vector.shape_cast %select_n3A_143 : vector<16xi32> to vector<16x1xi32>
    %gather3A_145 = vector.shape_cast %broadcast_in_dim3A_144 : vector<16x1xi32> to vector<16xi32>
    %gather3A_146 = tpu.dynamic_gather %select_n3A_133[%gather3A_145] in [0] : vector<16xi32>, vector<16xi32> -> vector<16xi32>
    %min3A = arith.minsi %select_n3A_133, %gather3A_146 : vector<16xi32>
    %xor3A_147 = arith.constant 2 : i32
    %xor3A_148 = vector.broadcast %xor3A_147 : i32 to vector<16xi32>
    %xor3A_149 = arith.xori %iota3A, %xor3A_148 : vector<16xi32>
    %lt3A_150 = arith.constant 0 : i32
    %lt3A_151 = vector.broadcast %lt3A_150 : i32 to vector<16xi32>
    %lt3A_152 = arith.cmpi slt, %xor3A_149, %lt3A_151 : vector<16xi32>
    %add3A_153 = arith.constant 16 : i32
    %add3A_154 = vector.broadcast %add3A_153 : i32 to vector<16xi32>
    %add3A_155 = arith.addi %xor3A_149, %add3A_154 : vector<16xi32>
    %select_n3A_156 = arith.select %lt3A_152, %add3A_155, %xor3A_149 : vector<16xi1>, vector<16xi32>
    %broadcast_in_dim3A_157 = vector.shape_cast %select_n3A_156 : vector<16xi32> to vector<16x1xi32>
    %gather3A_158 = vector.shape_cast %broadcast_in_dim3A_157 : vector<16x1xi32> to vector<16xi32>
    %gather3A_159 = tpu.dynamic_gather %min3A[%gather3A_158] in [0] : vector<16xi32>, vector<16xi32> -> vector<16xi32>
    %min3A_160 = arith.minsi %min3A, %gather3A_159 : vector<16xi32>
    %xor3A_161 = arith.constant 4 : i32
    %xor3A_162 = vector.broadcast %xor3A_161 : i32 to vector<16xi32>
    %xor3A_163 = arith.xori %iota3A, %xor3A_162 : vector<16xi32>
    %lt3A_164 = arith.constant 0 : i32
    %lt3A_165 = vector.broadcast %lt3A_164 : i32 to vector<16xi32>
    %lt3A_166 = arith.cmpi slt, %xor3A_163, %lt3A_165 : vector<16xi32>
    %add3A_167 = arith.constant 16 : i32
    %add3A_168 = vector.broadcast %add3A_167 : i32 to vector<16xi32>
    %add3A_169 = arith.addi %xor3A_163, %add3A_168 : vector<16xi32>
    %select_n3A_170 = arith.select %lt3A_166, %add3A_169, %xor3A_163 : vector<16xi1>, vector<16xi32>
    %broadcast_in_dim3A_171 = vector.shape_cast %select_n3A_170 : vector<16xi32> to vector<16x1xi32>
    %gather3A_172 = vector.shape_cast %broadcast_in_dim3A_171 : vector<16x1xi32> to vector<16xi32>
    %gather3A_173 = tpu.dynamic_gather %min3A_160[%gather3A_172] in [0] : vector<16xi32>, vector<16xi32> -> vector<16xi32>
    %min3A_174 = arith.minsi %min3A_160, %gather3A_173 : vector<16xi32>
    %xor3A_175 = arith.constant 8 : i32
    %xor3A_176 = vector.broadcast %xor3A_175 : i32 to vector<16xi32>
    %xor3A_177 = arith.xori %iota3A, %xor3A_176 : vector<16xi32>
    %lt3A_178 = arith.constant 0 : i32
    %lt3A_179 = vector.broadcast %lt3A_178 : i32 to vector<16xi32>
    %lt3A_180 = arith.cmpi slt, %xor3A_177, %lt3A_179 : vector<16xi32>
    %add3A_181 = arith.constant 16 : i32
    %add3A_182 = vector.broadcast %add3A_181 : i32 to vector<16xi32>
    %add3A_183 = arith.addi %xor3A_177, %add3A_182 : vector<16xi32>
    %select_n3A_184 = arith.select %lt3A_180, %add3A_183, %xor3A_177 : vector<16xi1>, vector<16xi32>
    %broadcast_in_dim3A_185 = vector.shape_cast %select_n3A_184 : vector<16xi32> to vector<16x1xi32>
    %gather3A_186 = vector.shape_cast %broadcast_in_dim3A_185 : vector<16x1xi32> to vector<16xi32>
    %gather3A_187 = tpu.dynamic_gather %min3A_174[%gather3A_186] in [0] : vector<16xi32>, vector<16xi32> -> vector<16xi32>
    %min3A_188 = arith.minsi %min3A_174, %gather3A_187 : vector<16xi32>
    %get3A_189 = arith.constant 1 : i32
    %get3A_190 = arith.index_cast %get3A_189 : i32 to index
    %get3A_191 = arith.constant 0 : index
    %get3A_192 = tpu.vector_load %arg5[%get3A_190, %get3A_191] {strides = array<i32>} : memref<4x128xf32, #tpu.memory_space<vmem>>, vector<1x16xf32>,
    %get3A_193 = vector.shape_cast %get3A_192 : vector<1x16xf32> to vector<16xf32>
    %broadcast_in_dim3A_194 = arith.constant 0 : i32
    %broadcast_in_dim3A_195 = vector.broadcast %broadcast_in_dim3A_194 : i32 to vector<16xi32>
    %get3A_196 = arith.constant 1 : i32
    %get3A_197 = arith.index_cast %get3A_196 : i32 to index
    %get3A_198 = arith.constant 16 : index
    %get3A_199 = tpu.vector_load %arg5[%get3A_197, %get3A_198] {strides = array<i32>} : memref<4x128xf32, #tpu.memory_space<vmem>>, vector<1x16xf32>,
    %get3A_200 = vector.shape_cast %get3A_199 : vector<1x16xf32> to vector<16xf32>
    %gt3A_201 = arith.cmpf ogt, %get3A_200, %get3A_193 : vector<16xf32>
    %select_n3A_202 = arith.select %gt3A_201, %get3A_200, %get3A_193 : vector<16xi1>, vector<16xf32>
    %jit3A_203 = arith.constant 1 : i32
    %broadcast_in_dim3A_204 = vector.broadcast %jit3A_203 : i32 to vector<16xi32>
    %select_n3A_205 = arith.select %gt3A_201, %broadcast_in_dim3A_204, %broadcast_in_dim3A_195 : vector<16xi1>, vector<16xi32>
    %get3A_206 = arith.constant 1 : i32
    %get3A_207 = arith.index_cast %get3A_206 : i32 to index
    %get3A_208 = arith.constant 32 : index
    %get3A_209 = tpu.vector_load %arg5[%get3A_207, %get3A_208] {strides = array<i32>} : memref<4x128xf32, #tpu.memory_space<vmem>>, vector<1x16xf32>,
    %get3A_210 = vector.shape_cast %get3A_209 : vector<1x16xf32> to vector<16xf32>
    %gt3A_211 = arith.cmpf ogt, %get3A_210, %select_n3A_202 : vector<16xf32>
    %select_n3A_212 = arith.select %gt3A_211, %get3A_210, %select_n3A_202 : vector<16xi1>, vector<16xf32>
    %jit3A_213 = arith.constant 2 : i32
    %broadcast_in_dim3A_214 = vector.broadcast %jit3A_213 : i32 to vector<16xi32>
    %select_n3A_215 = arith.select %gt3A_211, %broadcast_in_dim3A_214, %select_n3A_205 : vector<16xi1>, vector<16xi32>
    %get3A_216 = arith.constant 1 : i32
    %get3A_217 = arith.index_cast %get3A_216 : i32 to index
    %get3A_218 = arith.constant 48 : index
    %get3A_219 = tpu.vector_load %arg5[%get3A_217, %get3A_218] {strides = array<i32>} : memref<4x128xf32, #tpu.memory_space<vmem>>, vector<1x16xf32>,
    %get3A_220 = vector.shape_cast %get3A_219 : vector<1x16xf32> to vector<16xf32>
    %gt3A_221 = arith.cmpf ogt, %get3A_220, %select_n3A_212 : vector<16xf32>
    %select_n3A_222 = arith.select %gt3A_221, %get3A_220, %select_n3A_212 : vector<16xi1>, vector<16xf32>
    %jit3A_223 = arith.constant 3 : i32
    %broadcast_in_dim3A_224 = vector.broadcast %jit3A_223 : i32 to vector<16xi32>
    %select_n3A_225 = arith.select %gt3A_221, %broadcast_in_dim3A_224, %select_n3A_215 : vector<16xi1>, vector<16xi32>
    %get3A_226 = arith.constant 1 : i32
    %get3A_227 = arith.index_cast %get3A_226 : i32 to index
    %get3A_228 = arith.constant 64 : index
    %get3A_229 = tpu.vector_load %arg5[%get3A_227, %get3A_228] {strides = array<i32>} : memref<4x128xf32, #tpu.memory_space<vmem>>, vector<1x16xf32>,
    %get3A_230 = vector.shape_cast %get3A_229 : vector<1x16xf32> to vector<16xf32>
    %gt3A_231 = arith.cmpf ogt, %get3A_230, %select_n3A_222 : vector<16xf32>
    %select_n3A_232 = arith.select %gt3A_231, %get3A_230, %select_n3A_222 : vector<16xi1>, vector<16xf32>
    %jit3A_233 = arith.constant 4 : i32
    %broadcast_in_dim3A_234 = vector.broadcast %jit3A_233 : i32 to vector<16xi32>
    %select_n3A_235 = arith.select %gt3A_231, %broadcast_in_dim3A_234, %select_n3A_225 : vector<16xi1>, vector<16xi32>
    %get3A_236 = arith.constant 1 : i32
    %get3A_237 = arith.index_cast %get3A_236 : i32 to index
    %get3A_238 = arith.constant 80 : index
    %get3A_239 = tpu.vector_load %arg5[%get3A_237, %get3A_238] {strides = array<i32>} : memref<4x128xf32, #tpu.memory_space<vmem>>, vector<1x16xf32>,
    %get3A_240 = vector.shape_cast %get3A_239 : vector<1x16xf32> to vector<16xf32>
    %gt3A_241 = arith.cmpf ogt, %get3A_240, %select_n3A_232 : vector<16xf32>
    %select_n3A_242 = arith.select %gt3A_241, %get3A_240, %select_n3A_232 : vector<16xi1>, vector<16xf32>
    %jit3A_243 = arith.constant 5 : i32
    %broadcast_in_dim3A_244 = vector.broadcast %jit3A_243 : i32 to vector<16xi32>
    %select_n3A_245 = arith.select %gt3A_241, %broadcast_in_dim3A_244, %select_n3A_235 : vector<16xi1>, vector<16xi32>
    %get3A_246 = arith.constant 1 : i32
    %get3A_247 = arith.index_cast %get3A_246 : i32 to index
    %get3A_248 = arith.constant 96 : index
    %get3A_249 = tpu.vector_load %arg5[%get3A_247, %get3A_248] {strides = array<i32>} : memref<4x128xf32, #tpu.memory_space<vmem>>, vector<1x16xf32>,
    %get3A_250 = vector.shape_cast %get3A_249 : vector<1x16xf32> to vector<16xf32>
    %gt3A_251 = arith.cmpf ogt, %get3A_250, %select_n3A_242 : vector<16xf32>
    %select_n3A_252 = arith.select %gt3A_251, %get3A_250, %select_n3A_242 : vector<16xi1>, vector<16xf32>
    %jit3A_253 = arith.constant 6 : i32
    %broadcast_in_dim3A_254 = vector.broadcast %jit3A_253 : i32 to vector<16xi32>
    %select_n3A_255 = arith.select %gt3A_251, %broadcast_in_dim3A_254, %select_n3A_245 : vector<16xi1>, vector<16xi32>
    %get3A_256 = arith.constant 1 : i32
    %get3A_257 = arith.index_cast %get3A_256 : i32 to index
    %get3A_258 = arith.constant 112 : index
    %get3A_259 = tpu.vector_load %arg5[%get3A_257, %get3A_258] {strides = array<i32>} : memref<4x128xf32, #tpu.memory_space<vmem>>, vector<1x16xf32>,
    %get3A_260 = vector.shape_cast %get3A_259 : vector<1x16xf32> to vector<16xf32>
    %gt3A_261 = arith.cmpf ogt, %get3A_260, %select_n3A_252 : vector<16xf32>
    %select_n3A_262 = arith.select %gt3A_261, %get3A_260, %select_n3A_252 : vector<16xi1>, vector<16xf32>
    %jit3A_263 = arith.constant 7 : i32
    %broadcast_in_dim3A_264 = vector.broadcast %jit3A_263 : i32 to vector<16xi32>
    %select_n3A_265 = arith.select %gt3A_261, %broadcast_in_dim3A_264, %select_n3A_255 : vector<16xi1>, vector<16xi32>
    %xor3A_266 = arith.constant 1 : i32
    %xor3A_267 = vector.broadcast %xor3A_266 : i32 to vector<16xi32>
    %xor3A_268 = arith.xori %iota3A, %xor3A_267 : vector<16xi32>
    %lt3A_269 = arith.constant 0 : i32
    %lt3A_270 = vector.broadcast %lt3A_269 : i32 to vector<16xi32>
    %lt3A_271 = arith.cmpi slt, %xor3A_268, %lt3A_270 : vector<16xi32>
    %add3A_272 = arith.constant 16 : i32
    %add3A_273 = vector.broadcast %add3A_272 : i32 to vector<16xi32>
    %add3A_274 = arith.addi %xor3A_268, %add3A_273 : vector<16xi32>
    %select_n3A_275 = arith.select %lt3A_271, %add3A_274, %xor3A_268 : vector<16xi1>, vector<16xi32>
    %broadcast_in_dim3A_276 = vector.shape_cast %select_n3A_275 : vector<16xi32> to vector<16x1xi32>
    %gather3A_277 = vector.shape_cast %broadcast_in_dim3A_276 : vector<16x1xi32> to vector<16xi32>
    %gather3A_278 = tpu.dynamic_gather %select_n3A_262[%gather3A_277] in [0] : vector<16xf32>, vector<16xi32> -> vector<16xf32>
    %max3A_279 = arith.maximumf %select_n3A_262, %gather3A_278 : vector<16xf32>
    %xor3A_280 = arith.constant 2 : i32
    %xor3A_281 = vector.broadcast %xor3A_280 : i32 to vector<16xi32>
    %xor3A_282 = arith.xori %iota3A, %xor3A_281 : vector<16xi32>
    %lt3A_283 = arith.constant 0 : i32
    %lt3A_284 = vector.broadcast %lt3A_283 : i32 to vector<16xi32>
    %lt3A_285 = arith.cmpi slt, %xor3A_282, %lt3A_284 : vector<16xi32>
    %add3A_286 = arith.constant 16 : i32
    %add3A_287 = vector.broadcast %add3A_286 : i32 to vector<16xi32>
    %add3A_288 = arith.addi %xor3A_282, %add3A_287 : vector<16xi32>
    %select_n3A_289 = arith.select %lt3A_285, %add3A_288, %xor3A_282 : vector<16xi1>, vector<16xi32>
    %broadcast_in_dim3A_290 = vector.shape_cast %select_n3A_289 : vector<16xi32> to vector<16x1xi32>
    %gather3A_291 = vector.shape_cast %broadcast_in_dim3A_290 : vector<16x1xi32> to vector<16xi32>
    %gather3A_292 = tpu.dynamic_gather %max3A_279[%gather3A_291] in [0] : vector<16xf32>, vector<16xi32> -> vector<16xf32>
    %max3A_293 = arith.maximumf %max3A_279, %gather3A_292 : vector<16xf32>
    %xor3A_294 = arith.constant 4 : i32
    %xor3A_295 = vector.broadcast %xor3A_294 : i32 to vector<16xi32>
    %xor3A_296 = arith.xori %iota3A, %xor3A_295 : vector<16xi32>
    %lt3A_297 = arith.constant 0 : i32
    %lt3A_298 = vector.broadcast %lt3A_297 : i32 to vector<16xi32>
    %lt3A_299 = arith.cmpi slt, %xor3A_296, %lt3A_298 : vector<16xi32>
    %add3A_300 = arith.constant 16 : i32
    %add3A_301 = vector.broadcast %add3A_300 : i32 to vector<16xi32>
    %add3A_302 = arith.addi %xor3A_296, %add3A_301 : vector<16xi32>
    %select_n3A_303 = arith.select %lt3A_299, %add3A_302, %xor3A_296 : vector<16xi1>, vector<16xi32>
    %broadcast_in_dim3A_304 = vector.shape_cast %select_n3A_303 : vector<16xi32> to vector<16x1xi32>
    %gather3A_305 = vector.shape_cast %broadcast_in_dim3A_304 : vector<16x1xi32> to vector<16xi32>
    %gather3A_306 = tpu.dynamic_gather %max3A_293[%gather3A_305] in [0] : vector<16xf32>, vector<16xi32> -> vector<16xf32>
    %max3A_307 = arith.maximumf %max3A_293, %gather3A_306 : vector<16xf32>
    %xor3A_308 = arith.constant 8 : i32
    %xor3A_309 = vector.broadcast %xor3A_308 : i32 to vector<16xi32>
    %xor3A_310 = arith.xori %iota3A, %xor3A_309 : vector<16xi32>
    %lt3A_311 = arith.constant 0 : i32
    %lt3A_312 = vector.broadcast %lt3A_311 : i32 to vector<16xi32>
    %lt3A_313 = arith.cmpi slt, %xor3A_310, %lt3A_312 : vector<16xi32>
    %add3A_314 = arith.constant 16 : i32
    %add3A_315 = vector.broadcast %add3A_314 : i32 to vector<16xi32>
    %add3A_316 = arith.addi %xor3A_310, %add3A_315 : vector<16xi32>
    %select_n3A_317 = arith.select %lt3A_313, %add3A_316, %xor3A_310 : vector<16xi1>, vector<16xi32>
    %broadcast_in_dim3A_318 = vector.shape_cast %select_n3A_317 : vector<16xi32> to vector<16x1xi32>
    %gather3A_319 = vector.shape_cast %broadcast_in_dim3A_318 : vector<16x1xi32> to vector<16xi32>
    %gather3A_320 = tpu.dynamic_gather %max3A_307[%gather3A_319] in [0] : vector<16xf32>, vector<16xi32> -> vector<16xf32>
    %max3A_321 = arith.maximumf %max3A_307, %gather3A_320 : vector<16xf32>
    %mul3A_322 = arith.constant 16 : i32
    %mul3A_323 = vector.broadcast %mul3A_322 : i32 to vector<16xi32>
    %mul3A_324 = arith.muli %select_n3A_265, %mul3A_323 : vector<16xi32>
    %add3A_325 = arith.addi %mul3A_324, %iota3A : vector<16xi32>
    %eq3A_326 = arith.cmpf oeq, %select_n3A_262, %max3A_321 : vector<16xf32>
    %jit3A_327 = arith.constant 999 : i32
    %broadcast_in_dim3A_328 = vector.broadcast %jit3A_327 : i32 to vector<16xi32>
    %select_n3A_329 = arith.select %eq3A_326, %add3A_325, %broadcast_in_dim3A_328 : vector<16xi1>, vector<16xi32>
    %xor3A_330 = arith.constant 1 : i32
    %xor3A_331 = vector.broadcast %xor3A_330 : i32 to vector<16xi32>
    %xor3A_332 = arith.xori %iota3A, %xor3A_331 : vector<16xi32>
    %lt3A_333 = arith.constant 0 : i32
    %lt3A_334 = vector.broadcast %lt3A_333 : i32 to vector<16xi32>
    %lt3A_335 = arith.cmpi slt, %xor3A_332, %lt3A_334 : vector<16xi32>
    %add3A_336 = arith.constant 16 : i32
    %add3A_337 = vector.broadcast %add3A_336 : i32 to vector<16xi32>
    %add3A_338 = arith.addi %xor3A_332, %add3A_337 : vector<16xi32>
    %select_n3A_339 = arith.select %lt3A_335, %add3A_338, %xor3A_332 : vector<16xi1>, vector<16xi32>
    %broadcast_in_dim3A_340 = vector.shape_cast %select_n3A_339 : vector<16xi32> to vector<16x1xi32>
    %gather3A_341 = vector.shape_cast %broadcast_in_dim3A_340 : vector<16x1xi32> to vector<16xi32>
    %gather3A_342 = tpu.dynamic_gather %select_n3A_329[%gather3A_341] in [0] : vector<16xi32>, vector<16xi32> -> vector<16xi32>
    %min3A_343 = arith.minsi %select_n3A_329, %gather3A_342 : vector<16xi32>
    %xor3A_344 = arith.constant 2 : i32
    %xor3A_345 = vector.broadcast %xor3A_344 : i32 to vector<16xi32>
    %xor3A_346 = arith.xori %iota3A, %xor3A_345 : vector<16xi32>
    %lt3A_347 = arith.constant 0 : i32
    %lt3A_348 = vector.broadcast %lt3A_347 : i32 to vector<16xi32>
    %lt3A_349 = arith.cmpi slt, %xor3A_346, %lt3A_348 : vector<16xi32>
    %add3A_350 = arith.constant 16 : i32
    %add3A_351 = vector.broadcast %add3A_350 : i32 to vector<16xi32>
    %add3A_352 = arith.addi %xor3A_346, %add3A_351 : vector<16xi32>
    %select_n3A_353 = arith.select %lt3A_349, %add3A_352, %xor3A_346 : vector<16xi1>, vector<16xi32>
    %broadcast_in_dim3A_354 = vector.shape_cast %select_n3A_353 : vector<16xi32> to vector<16x1xi32>
    %gather3A_355 = vector.shape_cast %broadcast_in_dim3A_354 : vector<16x1xi32> to vector<16xi32>
    %gather3A_356 = tpu.dynamic_gather %min3A_343[%gather3A_355] in [0] : vector<16xi32>, vector<16xi32> -> vector<16xi32>
    %min3A_357 = arith.minsi %min3A_343, %gather3A_356 : vector<16xi32>
    %xor3A_358 = arith.constant 4 : i32
    %xor3A_359 = vector.broadcast %xor3A_358 : i32 to vector<16xi32>
    %xor3A_360 = arith.xori %iota3A, %xor3A_359 : vector<16xi32>
    %lt3A_361 = arith.constant 0 : i32
    %lt3A_362 = vector.broadcast %lt3A_361 : i32 to vector<16xi32>
    %lt3A_363 = arith.cmpi slt, %xor3A_360, %lt3A_362 : vector<16xi32>
    %add3A_364 = arith.constant 16 : i32
    %add3A_365 = vector.broadcast %add3A_364 : i32 to vector<16xi32>
    %add3A_366 = arith.addi %xor3A_360, %add3A_365 : vector<16xi32>
    %select_n3A_367 = arith.select %lt3A_363, %add3A_366, %xor3A_360 : vector<16xi1>, vector<16xi32>
    %broadcast_in_dim3A_368 = vector.shape_cast %select_n3A_367 : vector<16xi32> to vector<16x1xi32>
    %gather3A_369 = vector.shape_cast %broadcast_in_dim3A_368 : vector<16x1xi32> to vector<16xi32>
    %gather3A_370 = tpu.dynamic_gather %min3A_357[%gather3A_369] in [0] : vector<16xi32>, vector<16xi32> -> vector<16xi32>
    %min3A_371 = arith.minsi %min3A_357, %gather3A_370 : vector<16xi32>
    %xor3A_372 = arith.constant 8 : i32
    %xor3A_373 = vector.broadcast %xor3A_372 : i32 to vector<16xi32>
    %xor3A_374 = arith.xori %iota3A, %xor3A_373 : vector<16xi32>
    %lt3A_375 = arith.constant 0 : i32
    %lt3A_376 = vector.broadcast %lt3A_375 : i32 to vector<16xi32>
    %lt3A_377 = arith.cmpi slt, %xor3A_374, %lt3A_376 : vector<16xi32>
    %add3A_378 = arith.constant 16 : i32
    %add3A_379 = vector.broadcast %add3A_378 : i32 to vector<16xi32>
    %add3A_380 = arith.addi %xor3A_374, %add3A_379 : vector<16xi32>
    %select_n3A_381 = arith.select %lt3A_377, %add3A_380, %xor3A_374 : vector<16xi1>, vector<16xi32>
    %broadcast_in_dim3A_382 = vector.shape_cast %select_n3A_381 : vector<16xi32> to vector<16x1xi32>
    %gather3A_383 = vector.shape_cast %broadcast_in_dim3A_382 : vector<16x1xi32> to vector<16xi32>
    %gather3A_384 = tpu.dynamic_gather %min3A_371[%gather3A_383] in [0] : vector<16xi32>, vector<16xi32> -> vector<16xi32>
    %min3A_385 = arith.minsi %min3A_371, %gather3A_384 : vector<16xi32>
    %get3A_386 = arith.constant 2 : i32
    %get3A_387 = arith.index_cast %get3A_386 : i32 to index
    %get3A_388 = arith.constant 0 : index
    %get3A_389 = tpu.vector_load %arg5[%get3A_387, %get3A_388] {strides = array<i32>} : memref<4x128xf32, #tpu.memory_space<vmem>>, vector<1x16xf32>,
    %get3A_390 = vector.shape_cast %get3A_389 : vector<1x16xf32> to vector<16xf32>
    %broadcast_in_dim3A_391 = arith.constant 0 : i32
    %broadcast_in_dim3A_392 = vector.broadcast %broadcast_in_dim3A_391 : i32 to vector<16xi32>
    %get3A_393 = arith.constant 2 : i32
    %get3A_394 = arith.index_cast %get3A_393 : i32 to index
    %get3A_395 = arith.constant 16 : index
    %get3A_396 = tpu.vector_load %arg5[%get3A_394, %get3A_395] {strides = array<i32>} : memref<4x128xf32, #tpu.memory_space<vmem>>, vector<1x16xf32>,
    %get3A_397 = vector.shape_cast %get3A_396 : vector<1x16xf32> to vector<16xf32>
    %gt3A_398 = arith.cmpf ogt, %get3A_397, %get3A_390 : vector<16xf32>
    %select_n3A_399 = arith.select %gt3A_398, %get3A_397, %get3A_390 : vector<16xi1>, vector<16xf32>
    %jit3A_400 = arith.constant 1 : i32
    %broadcast_in_dim3A_401 = vector.broadcast %jit3A_400 : i32 to vector<16xi32>
    %select_n3A_402 = arith.select %gt3A_398, %broadcast_in_dim3A_401, %broadcast_in_dim3A_392 : vector<16xi1>, vector<16xi32>
    %get3A_403 = arith.constant 2 : i32
    %get3A_404 = arith.index_cast %get3A_403 : i32 to index
    %get3A_405 = arith.constant 32 : index
    %get3A_406 = tpu.vector_load %arg5[%get3A_404, %get3A_405] {strides = array<i32>} : memref<4x128xf32, #tpu.memory_space<vmem>>, vector<1x16xf32>,
    %get3A_407 = vector.shape_cast %get3A_406 : vector<1x16xf32> to vector<16xf32>
    %gt3A_408 = arith.cmpf ogt, %get3A_407, %select_n3A_399 : vector<16xf32>
    %select_n3A_409 = arith.select %gt3A_408, %get3A_407, %select_n3A_399 : vector<16xi1>, vector<16xf32>
    %jit3A_410 = arith.constant 2 : i32
    %broadcast_in_dim3A_411 = vector.broadcast %jit3A_410 : i32 to vector<16xi32>
    %select_n3A_412 = arith.select %gt3A_408, %broadcast_in_dim3A_411, %select_n3A_402 : vector<16xi1>, vector<16xi32>
    %get3A_413 = arith.constant 2 : i32
    %get3A_414 = arith.index_cast %get3A_413 : i32 to index
    %get3A_415 = arith.constant 48 : index
    %get3A_416 = tpu.vector_load %arg5[%get3A_414, %get3A_415] {strides = array<i32>} : memref<4x128xf32, #tpu.memory_space<vmem>>, vector<1x16xf32>,
    %get3A_417 = vector.shape_cast %get3A_416 : vector<1x16xf32> to vector<16xf32>
    %gt3A_418 = arith.cmpf ogt, %get3A_417, %select_n3A_409 : vector<16xf32>
    %select_n3A_419 = arith.select %gt3A_418, %get3A_417, %select_n3A_409 : vector<16xi1>, vector<16xf32>
    %jit3A_420 = arith.constant 3 : i32
    %broadcast_in_dim3A_421 = vector.broadcast %jit3A_420 : i32 to vector<16xi32>
    %select_n3A_422 = arith.select %gt3A_418, %broadcast_in_dim3A_421, %select_n3A_412 : vector<16xi1>, vector<16xi32>
    %get3A_423 = arith.constant 2 : i32
    %get3A_424 = arith.index_cast %get3A_423 : i32 to index
    %get3A_425 = arith.constant 64 : index
    %get3A_426 = tpu.vector_load %arg5[%get3A_424, %get3A_425] {strides = array<i32>} : memref<4x128xf32, #tpu.memory_space<vmem>>, vector<1x16xf32>,
    %get3A_427 = vector.shape_cast %get3A_426 : vector<1x16xf32> to vector<16xf32>
    %gt3A_428 = arith.cmpf ogt, %get3A_427, %select_n3A_419 : vector<16xf32>
    %select_n3A_429 = arith.select %gt3A_428, %get3A_427, %select_n3A_419 : vector<16xi1>, vector<16xf32>
    %jit3A_430 = arith.constant 4 : i32
    %broadcast_in_dim3A_431 = vector.broadcast %jit3A_430 : i32 to vector<16xi32>
    %select_n3A_432 = arith.select %gt3A_428, %broadcast_in_dim3A_431, %select_n3A_422 : vector<16xi1>, vector<16xi32>
    %get3A_433 = arith.constant 2 : i32
    %get3A_434 = arith.index_cast %get3A_433 : i32 to index
    %get3A_435 = arith.constant 80 : index
    %get3A_436 = tpu.vector_load %arg5[%get3A_434, %get3A_435] {strides = array<i32>} : memref<4x128xf32, #tpu.memory_space<vmem>>, vector<1x16xf32>,
    %get3A_437 = vector.shape_cast %get3A_436 : vector<1x16xf32> to vector<16xf32>
    %gt3A_438 = arith.cmpf ogt, %get3A_437, %select_n3A_429 : vector<16xf32>
    %select_n3A_439 = arith.select %gt3A_438, %get3A_437, %select_n3A_429 : vector<16xi1>, vector<16xf32>
    %jit3A_440 = arith.constant 5 : i32
    %broadcast_in_dim3A_441 = vector.broadcast %jit3A_440 : i32 to vector<16xi32>
    %select_n3A_442 = arith.select %gt3A_438, %broadcast_in_dim3A_441, %select_n3A_432 : vector<16xi1>, vector<16xi32>
    %get3A_443 = arith.constant 2 : i32
    %get3A_444 = arith.index_cast %get3A_443 : i32 to index
    %get3A_445 = arith.constant 96 : index
    %get3A_446 = tpu.vector_load %arg5[%get3A_444, %get3A_445] {strides = array<i32>} : memref<4x128xf32, #tpu.memory_space<vmem>>, vector<1x16xf32>,
    %get3A_447 = vector.shape_cast %get3A_446 : vector<1x16xf32> to vector<16xf32>
    %gt3A_448 = arith.cmpf ogt, %get3A_447, %select_n3A_439 : vector<16xf32>
    %select_n3A_449 = arith.select %gt3A_448, %get3A_447, %select_n3A_439 : vector<16xi1>, vector<16xf32>
    %jit3A_450 = arith.constant 6 : i32
    %broadcast_in_dim3A_451 = vector.broadcast %jit3A_450 : i32 to vector<16xi32>
    %select_n3A_452 = arith.select %gt3A_448, %broadcast_in_dim3A_451, %select_n3A_442 : vector<16xi1>, vector<16xi32>
    %get3A_453 = arith.constant 2 : i32
    %get3A_454 = arith.index_cast %get3A_453 : i32 to index
    %get3A_455 = arith.constant 112 : index
    %get3A_456 = tpu.vector_load %arg5[%get3A_454, %get3A_455] {strides = array<i32>} : memref<4x128xf32, #tpu.memory_space<vmem>>, vector<1x16xf32>,
    %get3A_457 = vector.shape_cast %get3A_456 : vector<1x16xf32> to vector<16xf32>
    %gt3A_458 = arith.cmpf ogt, %get3A_457, %select_n3A_449 : vector<16xf32>
    %select_n3A_459 = arith.select %gt3A_458, %get3A_457, %select_n3A_449 : vector<16xi1>, vector<16xf32>
    %jit3A_460 = arith.constant 7 : i32
    %broadcast_in_dim3A_461 = vector.broadcast %jit3A_460 : i32 to vector<16xi32>
    %select_n3A_462 = arith.select %gt3A_458, %broadcast_in_dim3A_461, %select_n3A_452 : vector<16xi1>, vector<16xi32>
    %xor3A_463 = arith.constant 1 : i32
    %xor3A_464 = vector.broadcast %xor3A_463 : i32 to vector<16xi32>
    %xor3A_465 = arith.xori %iota3A, %xor3A_464 : vector<16xi32>
    %lt3A_466 = arith.constant 0 : i32
    %lt3A_467 = vector.broadcast %lt3A_466 : i32 to vector<16xi32>
    %lt3A_468 = arith.cmpi slt, %xor3A_465, %lt3A_467 : vector<16xi32>
    %add3A_469 = arith.constant 16 : i32
    %add3A_470 = vector.broadcast %add3A_469 : i32 to vector<16xi32>
    %add3A_471 = arith.addi %xor3A_465, %add3A_470 : vector<16xi32>
    %select_n3A_472 = arith.select %lt3A_468, %add3A_471, %xor3A_465 : vector<16xi1>, vector<16xi32>
    %broadcast_in_dim3A_473 = vector.shape_cast %select_n3A_472 : vector<16xi32> to vector<16x1xi32>
    %gather3A_474 = vector.shape_cast %broadcast_in_dim3A_473 : vector<16x1xi32> to vector<16xi32>
    %gather3A_475 = tpu.dynamic_gather %select_n3A_459[%gather3A_474] in [0] : vector<16xf32>, vector<16xi32> -> vector<16xf32>
    %max3A_476 = arith.maximumf %select_n3A_459, %gather3A_475 : vector<16xf32>
    %xor3A_477 = arith.constant 2 : i32
    %xor3A_478 = vector.broadcast %xor3A_477 : i32 to vector<16xi32>
    %xor3A_479 = arith.xori %iota3A, %xor3A_478 : vector<16xi32>
    %lt3A_480 = arith.constant 0 : i32
    %lt3A_481 = vector.broadcast %lt3A_480 : i32 to vector<16xi32>
    %lt3A_482 = arith.cmpi slt, %xor3A_479, %lt3A_481 : vector<16xi32>
    %add3A_483 = arith.constant 16 : i32
    %add3A_484 = vector.broadcast %add3A_483 : i32 to vector<16xi32>
    %add3A_485 = arith.addi %xor3A_479, %add3A_484 : vector<16xi32>
    %select_n3A_486 = arith.select %lt3A_482, %add3A_485, %xor3A_479 : vector<16xi1>, vector<16xi32>
    %broadcast_in_dim3A_487 = vector.shape_cast %select_n3A_486 : vector<16xi32> to vector<16x1xi32>
    %gather3A_488 = vector.shape_cast %broadcast_in_dim3A_487 : vector<16x1xi32> to vector<16xi32>
    %gather3A_489 = tpu.dynamic_gather %max3A_476[%gather3A_488] in [0] : vector<16xf32>, vector<16xi32> -> vector<16xf32>
    %max3A_490 = arith.maximumf %max3A_476, %gather3A_489 : vector<16xf32>
    %xor3A_491 = arith.constant 4 : i32
    %xor3A_492 = vector.broadcast %xor3A_491 : i32 to vector<16xi32>
    %xor3A_493 = arith.xori %iota3A, %xor3A_492 : vector<16xi32>
    %lt3A_494 = arith.constant 0 : i32
    %lt3A_495 = vector.broadcast %lt3A_494 : i32 to vector<16xi32>
    %lt3A_496 = arith.cmpi slt, %xor3A_493, %lt3A_495 : vector<16xi32>
    %add3A_497 = arith.constant 16 : i32
    %add3A_498 = vector.broadcast %add3A_497 : i32 to vector<16xi32>
    %add3A_499 = arith.addi %xor3A_493, %add3A_498 : vector<16xi32>
    %select_n3A_500 = arith.select %lt3A_496, %add3A_499, %xor3A_493 : vector<16xi1>, vector<16xi32>
    %broadcast_in_dim3A_501 = vector.shape_cast %select_n3A_500 : vector<16xi32> to vector<16x1xi32>
    %gather3A_502 = vector.shape_cast %broadcast_in_dim3A_501 : vector<16x1xi32> to vector<16xi32>
    %gather3A_503 = tpu.dynamic_gather %max3A_490[%gather3A_502] in [0] : vector<16xf32>, vector<16xi32> -> vector<16xf32>
    %max3A_504 = arith.maximumf %max3A_490, %gather3A_503 : vector<16xf32>
    %xor3A_505 = arith.constant 8 : i32
    %xor3A_506 = vector.broadcast %xor3A_505 : i32 to vector<16xi32>
    %xor3A_507 = arith.xori %iota3A, %xor3A_506 : vector<16xi32>
    %lt3A_508 = arith.constant 0 : i32
    %lt3A_509 = vector.broadcast %lt3A_508 : i32 to vector<16xi32>
    %lt3A_510 = arith.cmpi slt, %xor3A_507, %lt3A_509 : vector<16xi32>
    %add3A_511 = arith.constant 16 : i32
    %add3A_512 = vector.broadcast %add3A_511 : i32 to vector<16xi32>
    %add3A_513 = arith.addi %xor3A_507, %add3A_512 : vector<16xi32>
    %select_n3A_514 = arith.select %lt3A_510, %add3A_513, %xor3A_507 : vector<16xi1>, vector<16xi32>
    %broadcast_in_dim3A_515 = vector.shape_cast %select_n3A_514 : vector<16xi32> to vector<16x1xi32>
    %gather3A_516 = vector.shape_cast %broadcast_in_dim3A_515 : vector<16x1xi32> to vector<16xi32>
    %gather3A_517 = tpu.dynamic_gather %max3A_504[%gather3A_516] in [0] : vector<16xf32>, vector<16xi32> -> vector<16xf32>
    %max3A_518 = arith.maximumf %max3A_504, %gather3A_517 : vector<16xf32>
    %mul3A_519 = arith.constant 16 : i32
    %mul3A_520 = vector.broadcast %mul3A_519 : i32 to vector<16xi32>
    %mul3A_521 = arith.muli %select_n3A_462, %mul3A_520 : vector<16xi32>
    %add3A_522 = arith.addi %mul3A_521, %iota3A : vector<16xi32>
    %eq3A_523 = arith.cmpf oeq, %select_n3A_459, %max3A_518 : vector<16xf32>
    %jit3A_524 = arith.constant 999 : i32
    %broadcast_in_dim3A_525 = vector.broadcast %jit3A_524 : i32 to vector<16xi32>
    %select_n3A_526 = arith.select %eq3A_523, %add3A_522, %broadcast_in_dim3A_525 : vector<16xi1>, vector<16xi32>
    %xor3A_527 = arith.constant 1 : i32
    %xor3A_528 = vector.broadcast %xor3A_527 : i32 to vector<16xi32>
    %xor3A_529 = arith.xori %iota3A, %xor3A_528 : vector<16xi32>
    %lt3A_530 = arith.constant 0 : i32
    %lt3A_531 = vector.broadcast %lt3A_530 : i32 to vector<16xi32>
    %lt3A_532 = arith.cmpi slt, %xor3A_529, %lt3A_531 : vector<16xi32>
    %add3A_533 = arith.constant 16 : i32
    %add3A_534 = vector.broadcast %add3A_533 : i32 to vector<16xi32>
    %add3A_535 = arith.addi %xor3A_529, %add3A_534 : vector<16xi32>
    %select_n3A_536 = arith.select %lt3A_532, %add3A_535, %xor3A_529 : vector<16xi1>, vector<16xi32>
    %broadcast_in_dim3A_537 = vector.shape_cast %select_n3A_536 : vector<16xi32> to vector<16x1xi32>
    %gather3A_538 = vector.shape_cast %broadcast_in_dim3A_537 : vector<16x1xi32> to vector<16xi32>
    %gather3A_539 = tpu.dynamic_gather %select_n3A_526[%gather3A_538] in [0] : vector<16xi32>, vector<16xi32> -> vector<16xi32>
    %min3A_540 = arith.minsi %select_n3A_526, %gather3A_539 : vector<16xi32>
    %xor3A_541 = arith.constant 2 : i32
    %xor3A_542 = vector.broadcast %xor3A_541 : i32 to vector<16xi32>
    %xor3A_543 = arith.xori %iota3A, %xor3A_542 : vector<16xi32>
    %lt3A_544 = arith.constant 0 : i32
    %lt3A_545 = vector.broadcast %lt3A_544 : i32 to vector<16xi32>
    %lt3A_546 = arith.cmpi slt, %xor3A_543, %lt3A_545 : vector<16xi32>
    %add3A_547 = arith.constant 16 : i32
    %add3A_548 = vector.broadcast %add3A_547 : i32 to vector<16xi32>
    %add3A_549 = arith.addi %xor3A_543, %add3A_548 : vector<16xi32>
    %select_n3A_550 = arith.select %lt3A_546, %add3A_549, %xor3A_543 : vector<16xi1>, vector<16xi32>
    %broadcast_in_dim3A_551 = vector.shape_cast %select_n3A_550 : vector<16xi32> to vector<16x1xi32>
    %gather3A_552 = vector.shape_cast %broadcast_in_dim3A_551 : vector<16x1xi32> to vector<16xi32>
    %gather3A_553 = tpu.dynamic_gather %min3A_540[%gather3A_552] in [0] : vector<16xi32>, vector<16xi32> -> vector<16xi32>
    %min3A_554 = arith.minsi %min3A_540, %gather3A_553 : vector<16xi32>
    %xor3A_555 = arith.constant 4 : i32
    %xor3A_556 = vector.broadcast %xor3A_555 : i32 to vector<16xi32>
    %xor3A_557 = arith.xori %iota3A, %xor3A_556 : vector<16xi32>
    %lt3A_558 = arith.constant 0 : i32
    %lt3A_559 = vector.broadcast %lt3A_558 : i32 to vector<16xi32>
    %lt3A_560 = arith.cmpi slt, %xor3A_557, %lt3A_559 : vector<16xi32>
    %add3A_561 = arith.constant 16 : i32
    %add3A_562 = vector.broadcast %add3A_561 : i32 to vector<16xi32>
    %add3A_563 = arith.addi %xor3A_557, %add3A_562 : vector<16xi32>
    %select_n3A_564 = arith.select %lt3A_560, %add3A_563, %xor3A_557 : vector<16xi1>, vector<16xi32>
    %broadcast_in_dim3A_565 = vector.shape_cast %select_n3A_564 : vector<16xi32> to vector<16x1xi32>
    %gather3A_566 = vector.shape_cast %broadcast_in_dim3A_565 : vector<16x1xi32> to vector<16xi32>
    %gather3A_567 = tpu.dynamic_gather %min3A_554[%gather3A_566] in [0] : vector<16xi32>, vector<16xi32> -> vector<16xi32>
    %min3A_568 = arith.minsi %min3A_554, %gather3A_567 : vector<16xi32>
    %xor3A_569 = arith.constant 8 : i32
    %xor3A_570 = vector.broadcast %xor3A_569 : i32 to vector<16xi32>
    %xor3A_571 = arith.xori %iota3A, %xor3A_570 : vector<16xi32>
    %lt3A_572 = arith.constant 0 : i32
    %lt3A_573 = vector.broadcast %lt3A_572 : i32 to vector<16xi32>
    %lt3A_574 = arith.cmpi slt, %xor3A_571, %lt3A_573 : vector<16xi32>
    %add3A_575 = arith.constant 16 : i32
    %add3A_576 = vector.broadcast %add3A_575 : i32 to vector<16xi32>
    %add3A_577 = arith.addi %xor3A_571, %add3A_576 : vector<16xi32>
    %select_n3A_578 = arith.select %lt3A_574, %add3A_577, %xor3A_571 : vector<16xi1>, vector<16xi32>
    %broadcast_in_dim3A_579 = vector.shape_cast %select_n3A_578 : vector<16xi32> to vector<16x1xi32>
    %gather3A_580 = vector.shape_cast %broadcast_in_dim3A_579 : vector<16x1xi32> to vector<16xi32>
    %gather3A_581 = tpu.dynamic_gather %min3A_568[%gather3A_580] in [0] : vector<16xi32>, vector<16xi32> -> vector<16xi32>
    %min3A_582 = arith.minsi %min3A_568, %gather3A_581 : vector<16xi32>
    %get3A_583 = arith.constant 3 : i32
    %get3A_584 = arith.index_cast %get3A_583 : i32 to index
    %get3A_585 = arith.constant 0 : index
    %get3A_586 = tpu.vector_load %arg5[%get3A_584, %get3A_585] {strides = array<i32>} : memref<4x128xf32, #tpu.memory_space<vmem>>, vector<1x16xf32>,
    %get3A_587 = vector.shape_cast %get3A_586 : vector<1x16xf32> to vector<16xf32>
    %broadcast_in_dim3A_588 = arith.constant 0 : i32
    %broadcast_in_dim3A_589 = vector.broadcast %broadcast_in_dim3A_588 : i32 to vector<16xi32>
    %get3A_590 = arith.constant 3 : i32
    %get3A_591 = arith.index_cast %get3A_590 : i32 to index
    %get3A_592 = arith.constant 16 : index
    %get3A_593 = tpu.vector_load %arg5[%get3A_591, %get3A_592] {strides = array<i32>} : memref<4x128xf32, #tpu.memory_space<vmem>>, vector<1x16xf32>,
    %get3A_594 = vector.shape_cast %get3A_593 : vector<1x16xf32> to vector<16xf32>
    %gt3A_595 = arith.cmpf ogt, %get3A_594, %get3A_587 : vector<16xf32>
    %select_n3A_596 = arith.select %gt3A_595, %get3A_594, %get3A_587 : vector<16xi1>, vector<16xf32>
    %jit3A_597 = arith.constant 1 : i32
    %broadcast_in_dim3A_598 = vector.broadcast %jit3A_597 : i32 to vector<16xi32>
    %select_n3A_599 = arith.select %gt3A_595, %broadcast_in_dim3A_598, %broadcast_in_dim3A_589 : vector<16xi1>, vector<16xi32>
    %get3A_600 = arith.constant 3 : i32
    %get3A_601 = arith.index_cast %get3A_600 : i32 to index
    %get3A_602 = arith.constant 32 : index
    %get3A_603 = tpu.vector_load %arg5[%get3A_601, %get3A_602] {strides = array<i32>} : memref<4x128xf32, #tpu.memory_space<vmem>>, vector<1x16xf32>,
    %get3A_604 = vector.shape_cast %get3A_603 : vector<1x16xf32> to vector<16xf32>
    %gt3A_605 = arith.cmpf ogt, %get3A_604, %select_n3A_596 : vector<16xf32>
    %select_n3A_606 = arith.select %gt3A_605, %get3A_604, %select_n3A_596 : vector<16xi1>, vector<16xf32>
    %jit3A_607 = arith.constant 2 : i32
    %broadcast_in_dim3A_608 = vector.broadcast %jit3A_607 : i32 to vector<16xi32>
    %select_n3A_609 = arith.select %gt3A_605, %broadcast_in_dim3A_608, %select_n3A_599 : vector<16xi1>, vector<16xi32>
    %get3A_610 = arith.constant 3 : i32
    %get3A_611 = arith.index_cast %get3A_610 : i32 to index
    %get3A_612 = arith.constant 48 : index
    %get3A_613 = tpu.vector_load %arg5[%get3A_611, %get3A_612] {strides = array<i32>} : memref<4x128xf32, #tpu.memory_space<vmem>>, vector<1x16xf32>,
    %get3A_614 = vector.shape_cast %get3A_613 : vector<1x16xf32> to vector<16xf32>
    %gt3A_615 = arith.cmpf ogt, %get3A_614, %select_n3A_606 : vector<16xf32>
    %select_n3A_616 = arith.select %gt3A_615, %get3A_614, %select_n3A_606 : vector<16xi1>, vector<16xf32>
    %jit3A_617 = arith.constant 3 : i32
    %broadcast_in_dim3A_618 = vector.broadcast %jit3A_617 : i32 to vector<16xi32>
    %select_n3A_619 = arith.select %gt3A_615, %broadcast_in_dim3A_618, %select_n3A_609 : vector<16xi1>, vector<16xi32>
    %get3A_620 = arith.constant 3 : i32
    %get3A_621 = arith.index_cast %get3A_620 : i32 to index
    %get3A_622 = arith.constant 64 : index
    %get3A_623 = tpu.vector_load %arg5[%get3A_621, %get3A_622] {strides = array<i32>} : memref<4x128xf32, #tpu.memory_space<vmem>>, vector<1x16xf32>,
    %get3A_624 = vector.shape_cast %get3A_623 : vector<1x16xf32> to vector<16xf32>
    %gt3A_625 = arith.cmpf ogt, %get3A_624, %select_n3A_616 : vector<16xf32>
    %select_n3A_626 = arith.select %gt3A_625, %get3A_624, %select_n3A_616 : vector<16xi1>, vector<16xf32>
    %jit3A_627 = arith.constant 4 : i32
    %broadcast_in_dim3A_628 = vector.broadcast %jit3A_627 : i32 to vector<16xi32>
    %select_n3A_629 = arith.select %gt3A_625, %broadcast_in_dim3A_628, %select_n3A_619 : vector<16xi1>, vector<16xi32>
    %get3A_630 = arith.constant 3 : i32
    %get3A_631 = arith.index_cast %get3A_630 : i32 to index
    %get3A_632 = arith.constant 80 : index
    %get3A_633 = tpu.vector_load %arg5[%get3A_631, %get3A_632] {strides = array<i32>} : memref<4x128xf32, #tpu.memory_space<vmem>>, vector<1x16xf32>,
    %get3A_634 = vector.shape_cast %get3A_633 : vector<1x16xf32> to vector<16xf32>
    %gt3A_635 = arith.cmpf ogt, %get3A_634, %select_n3A_626 : vector<16xf32>
    %select_n3A_636 = arith.select %gt3A_635, %get3A_634, %select_n3A_626 : vector<16xi1>, vector<16xf32>
    %jit3A_637 = arith.constant 5 : i32
    %broadcast_in_dim3A_638 = vector.broadcast %jit3A_637 : i32 to vector<16xi32>
    %select_n3A_639 = arith.select %gt3A_635, %broadcast_in_dim3A_638, %select_n3A_629 : vector<16xi1>, vector<16xi32>
    %get3A_640 = arith.constant 3 : i32
    %get3A_641 = arith.index_cast %get3A_640 : i32 to index
    %get3A_642 = arith.constant 96 : index
    %get3A_643 = tpu.vector_load %arg5[%get3A_641, %get3A_642] {strides = array<i32>} : memref<4x128xf32, #tpu.memory_space<vmem>>, vector<1x16xf32>,
    %get3A_644 = vector.shape_cast %get3A_643 : vector<1x16xf32> to vector<16xf32>
    %gt3A_645 = arith.cmpf ogt, %get3A_644, %select_n3A_636 : vector<16xf32>
    %select_n3A_646 = arith.select %gt3A_645, %get3A_644, %select_n3A_636 : vector<16xi1>, vector<16xf32>
    %jit3A_647 = arith.constant 6 : i32
    %broadcast_in_dim3A_648 = vector.broadcast %jit3A_647 : i32 to vector<16xi32>
    %select_n3A_649 = arith.select %gt3A_645, %broadcast_in_dim3A_648, %select_n3A_639 : vector<16xi1>, vector<16xi32>
    %get3A_650 = arith.constant 3 : i32
    %get3A_651 = arith.index_cast %get3A_650 : i32 to index
    %get3A_652 = arith.constant 112 : index
    %get3A_653 = tpu.vector_load %arg5[%get3A_651, %get3A_652] {strides = array<i32>} : memref<4x128xf32, #tpu.memory_space<vmem>>, vector<1x16xf32>,
    %get3A_654 = vector.shape_cast %get3A_653 : vector<1x16xf32> to vector<16xf32>
    %gt3A_655 = arith.cmpf ogt, %get3A_654, %select_n3A_646 : vector<16xf32>
    %select_n3A_656 = arith.select %gt3A_655, %get3A_654, %select_n3A_646 : vector<16xi1>, vector<16xf32>
    %jit3A_657 = arith.constant 7 : i32
    %broadcast_in_dim3A_658 = vector.broadcast %jit3A_657 : i32 to vector<16xi32>
    %select_n3A_659 = arith.select %gt3A_655, %broadcast_in_dim3A_658, %select_n3A_649 : vector<16xi1>, vector<16xi32>
    %xor3A_660 = arith.constant 1 : i32
    %xor3A_661 = vector.broadcast %xor3A_660 : i32 to vector<16xi32>
    %xor3A_662 = arith.xori %iota3A, %xor3A_661 : vector<16xi32>
    %lt3A_663 = arith.constant 0 : i32
    %lt3A_664 = vector.broadcast %lt3A_663 : i32 to vector<16xi32>
    %lt3A_665 = arith.cmpi slt, %xor3A_662, %lt3A_664 : vector<16xi32>
    %add3A_666 = arith.constant 16 : i32
    %add3A_667 = vector.broadcast %add3A_666 : i32 to vector<16xi32>
    %add3A_668 = arith.addi %xor3A_662, %add3A_667 : vector<16xi32>
    %select_n3A_669 = arith.select %lt3A_665, %add3A_668, %xor3A_662 : vector<16xi1>, vector<16xi32>
    %broadcast_in_dim3A_670 = vector.shape_cast %select_n3A_669 : vector<16xi32> to vector<16x1xi32>
    %gather3A_671 = vector.shape_cast %broadcast_in_dim3A_670 : vector<16x1xi32> to vector<16xi32>
    %gather3A_672 = tpu.dynamic_gather %select_n3A_656[%gather3A_671] in [0] : vector<16xf32>, vector<16xi32> -> vector<16xf32>
    %max3A_673 = arith.maximumf %select_n3A_656, %gather3A_672 : vector<16xf32>
    %xor3A_674 = arith.constant 2 : i32
    %xor3A_675 = vector.broadcast %xor3A_674 : i32 to vector<16xi32>
    %xor3A_676 = arith.xori %iota3A, %xor3A_675 : vector<16xi32>
    %lt3A_677 = arith.constant 0 : i32
    %lt3A_678 = vector.broadcast %lt3A_677 : i32 to vector<16xi32>
    %lt3A_679 = arith.cmpi slt, %xor3A_676, %lt3A_678 : vector<16xi32>
    %add3A_680 = arith.constant 16 : i32
    %add3A_681 = vector.broadcast %add3A_680 : i32 to vector<16xi32>
    %add3A_682 = arith.addi %xor3A_676, %add3A_681 : vector<16xi32>
    %select_n3A_683 = arith.select %lt3A_679, %add3A_682, %xor3A_676 : vector<16xi1>, vector<16xi32>
    %broadcast_in_dim3A_684 = vector.shape_cast %select_n3A_683 : vector<16xi32> to vector<16x1xi32>
    %gather3A_685 = vector.shape_cast %broadcast_in_dim3A_684 : vector<16x1xi32> to vector<16xi32>
    %gather3A_686 = tpu.dynamic_gather %max3A_673[%gather3A_685] in [0] : vector<16xf32>, vector<16xi32> -> vector<16xf32>
    %max3A_687 = arith.maximumf %max3A_673, %gather3A_686 : vector<16xf32>
    %xor3A_688 = arith.constant 4 : i32
    %xor3A_689 = vector.broadcast %xor3A_688 : i32 to vector<16xi32>
    %xor3A_690 = arith.xori %iota3A, %xor3A_689 : vector<16xi32>
    %lt3A_691 = arith.constant 0 : i32
    %lt3A_692 = vector.broadcast %lt3A_691 : i32 to vector<16xi32>
    %lt3A_693 = arith.cmpi slt, %xor3A_690, %lt3A_692 : vector<16xi32>
    %add3A_694 = arith.constant 16 : i32
    %add3A_695 = vector.broadcast %add3A_694 : i32 to vector<16xi32>
    %add3A_696 = arith.addi %xor3A_690, %add3A_695 : vector<16xi32>
    %select_n3A_697 = arith.select %lt3A_693, %add3A_696, %xor3A_690 : vector<16xi1>, vector<16xi32>
    %broadcast_in_dim3A_698 = vector.shape_cast %select_n3A_697 : vector<16xi32> to vector<16x1xi32>
    %gather3A_699 = vector.shape_cast %broadcast_in_dim3A_698 : vector<16x1xi32> to vector<16xi32>
    %gather3A_700 = tpu.dynamic_gather %max3A_687[%gather3A_699] in [0] : vector<16xf32>, vector<16xi32> -> vector<16xf32>
    %max3A_701 = arith.maximumf %max3A_687, %gather3A_700 : vector<16xf32>
    %xor3A_702 = arith.constant 8 : i32
    %xor3A_703 = vector.broadcast %xor3A_702 : i32 to vector<16xi32>
    %xor3A_704 = arith.xori %iota3A, %xor3A_703 : vector<16xi32>
    %lt3A_705 = arith.constant 0 : i32
    %lt3A_706 = vector.broadcast %lt3A_705 : i32 to vector<16xi32>
    %lt3A_707 = arith.cmpi slt, %xor3A_704, %lt3A_706 : vector<16xi32>
    %add3A_708 = arith.constant 16 : i32
    %add3A_709 = vector.broadcast %add3A_708 : i32 to vector<16xi32>
    %add3A_710 = arith.addi %xor3A_704, %add3A_709 : vector<16xi32>
    %select_n3A_711 = arith.select %lt3A_707, %add3A_710, %xor3A_704 : vector<16xi1>, vector<16xi32>
    %broadcast_in_dim3A_712 = vector.shape_cast %select_n3A_711 : vector<16xi32> to vector<16x1xi32>
    %gather3A_713 = vector.shape_cast %broadcast_in_dim3A_712 : vector<16x1xi32> to vector<16xi32>
    %gather3A_714 = tpu.dynamic_gather %max3A_701[%gather3A_713] in [0] : vector<16xf32>, vector<16xi32> -> vector<16xf32>
    %max3A_715 = arith.maximumf %max3A_701, %gather3A_714 : vector<16xf32>
    %mul3A_716 = arith.constant 16 : i32
    %mul3A_717 = vector.broadcast %mul3A_716 : i32 to vector<16xi32>
    %mul3A_718 = arith.muli %select_n3A_659, %mul3A_717 : vector<16xi32>
    %add3A_719 = arith.addi %mul3A_718, %iota3A : vector<16xi32>
    %eq3A_720 = arith.cmpf oeq, %select_n3A_656, %max3A_715 : vector<16xf32>
    %jit3A_721 = arith.constant 999 : i32
    %broadcast_in_dim3A_722 = vector.broadcast %jit3A_721 : i32 to vector<16xi32>
    %select_n3A_723 = arith.select %eq3A_720, %add3A_719, %broadcast_in_dim3A_722 : vector<16xi1>, vector<16xi32>
    %xor3A_724 = arith.constant 1 : i32
    %xor3A_725 = vector.broadcast %xor3A_724 : i32 to vector<16xi32>
    %xor3A_726 = arith.xori %iota3A, %xor3A_725 : vector<16xi32>
    %lt3A_727 = arith.constant 0 : i32
    %lt3A_728 = vector.broadcast %lt3A_727 : i32 to vector<16xi32>
    %lt3A_729 = arith.cmpi slt, %xor3A_726, %lt3A_728 : vector<16xi32>
    %add3A_730 = arith.constant 16 : i32
    %add3A_731 = vector.broadcast %add3A_730 : i32 to vector<16xi32>
    %add3A_732 = arith.addi %xor3A_726, %add3A_731 : vector<16xi32>
    %select_n3A_733 = arith.select %lt3A_729, %add3A_732, %xor3A_726 : vector<16xi1>, vector<16xi32>
    %broadcast_in_dim3A_734 = vector.shape_cast %select_n3A_733 : vector<16xi32> to vector<16x1xi32>
    %gather3A_735 = vector.shape_cast %broadcast_in_dim3A_734 : vector<16x1xi32> to vector<16xi32>
    %gather3A_736 = tpu.dynamic_gather %select_n3A_723[%gather3A_735] in [0] : vector<16xi32>, vector<16xi32> -> vector<16xi32>
    %min3A_737 = arith.minsi %select_n3A_723, %gather3A_736 : vector<16xi32>
    %xor3A_738 = arith.constant 2 : i32
    %xor3A_739 = vector.broadcast %xor3A_738 : i32 to vector<16xi32>
    %xor3A_740 = arith.xori %iota3A, %xor3A_739 : vector<16xi32>
    %lt3A_741 = arith.constant 0 : i32
    %lt3A_742 = vector.broadcast %lt3A_741 : i32 to vector<16xi32>
    %lt3A_743 = arith.cmpi slt, %xor3A_740, %lt3A_742 : vector<16xi32>
    %add3A_744 = arith.constant 16 : i32
    %add3A_745 = vector.broadcast %add3A_744 : i32 to vector<16xi32>
    %add3A_746 = arith.addi %xor3A_740, %add3A_745 : vector<16xi32>
    %select_n3A_747 = arith.select %lt3A_743, %add3A_746, %xor3A_740 : vector<16xi1>, vector<16xi32>
    %broadcast_in_dim3A_748 = vector.shape_cast %select_n3A_747 : vector<16xi32> to vector<16x1xi32>
    %gather3A_749 = vector.shape_cast %broadcast_in_dim3A_748 : vector<16x1xi32> to vector<16xi32>
    %gather3A_750 = tpu.dynamic_gather %min3A_737[%gather3A_749] in [0] : vector<16xi32>, vector<16xi32> -> vector<16xi32>
    %min3A_751 = arith.minsi %min3A_737, %gather3A_750 : vector<16xi32>
    %xor3A_752 = arith.constant 4 : i32
    %xor3A_753 = vector.broadcast %xor3A_752 : i32 to vector<16xi32>
    %xor3A_754 = arith.xori %iota3A, %xor3A_753 : vector<16xi32>
    %lt3A_755 = arith.constant 0 : i32
    %lt3A_756 = vector.broadcast %lt3A_755 : i32 to vector<16xi32>
    %lt3A_757 = arith.cmpi slt, %xor3A_754, %lt3A_756 : vector<16xi32>
    %add3A_758 = arith.constant 16 : i32
    %add3A_759 = vector.broadcast %add3A_758 : i32 to vector<16xi32>
    %add3A_760 = arith.addi %xor3A_754, %add3A_759 : vector<16xi32>
    %select_n3A_761 = arith.select %lt3A_757, %add3A_760, %xor3A_754 : vector<16xi1>, vector<16xi32>
    %broadcast_in_dim3A_762 = vector.shape_cast %select_n3A_761 : vector<16xi32> to vector<16x1xi32>
    %gather3A_763 = vector.shape_cast %broadcast_in_dim3A_762 : vector<16x1xi32> to vector<16xi32>
    %gather3A_764 = tpu.dynamic_gather %min3A_751[%gather3A_763] in [0] : vector<16xi32>, vector<16xi32> -> vector<16xi32>
    %min3A_765 = arith.minsi %min3A_751, %gather3A_764 : vector<16xi32>
    %xor3A_766 = arith.constant 8 : i32
    %xor3A_767 = vector.broadcast %xor3A_766 : i32 to vector<16xi32>
    %xor3A_768 = arith.xori %iota3A, %xor3A_767 : vector<16xi32>
    %lt3A_769 = arith.constant 0 : i32
    %lt3A_770 = vector.broadcast %lt3A_769 : i32 to vector<16xi32>
    %lt3A_771 = arith.cmpi slt, %xor3A_768, %lt3A_770 : vector<16xi32>
    %add3A_772 = arith.constant 16 : i32
    %add3A_773 = vector.broadcast %add3A_772 : i32 to vector<16xi32>
    %add3A_774 = arith.addi %xor3A_768, %add3A_773 : vector<16xi32>
    %select_n3A_775 = arith.select %lt3A_771, %add3A_774, %xor3A_768 : vector<16xi1>, vector<16xi32>
    %broadcast_in_dim3A_776 = vector.shape_cast %select_n3A_775 : vector<16xi32> to vector<16x1xi32>
    %gather3A_777 = vector.shape_cast %broadcast_in_dim3A_776 : vector<16x1xi32> to vector<16xi32>
    %gather3A_778 = tpu.dynamic_gather %min3A_765[%gather3A_777] in [0] : vector<16xi32>, vector<16xi32> -> vector<16xi32>
    %min3A_779 = arith.minsi %min3A_765, %gather3A_778 : vector<16xi32>
    %broadcast_in_dim3A_780 = arith.constant 0 : i32
    %broadcast_in_dim3A_781 = vector.broadcast %broadcast_in_dim3A_780 : i32 to vector<16xi32>
    %mul3A_782 = arith.constant 51 : i32
    %mul3A_783 = vector.broadcast %mul3A_782 : i32 to vector<16xi32>
    %mul3A_784 = arith.muli %min3A_188, %mul3A_783 : vector<16xi32>
    %add3A_785 = arith.constant 0 : i32
    %add3A_786 = arith.addi %mul3A_2, %add3A_785 : i32
    %mul3A_787 = arith.constant 6528 : i32
    %mul3A_788 = arith.muli %add3A_786, %mul3A_787 : i32
    %add3A_789 = arith.constant 50 : i32
    %add3A_790 = arith.addi %mul3A_788, %add3A_789 : i32
    %add3A_791 = vector.broadcast %add3A_790 : i32 to vector<16xi32>
    %add3A_792 = arith.addi %mul3A_784, %add3A_791 : vector<16xi32>
    %eq3A_793 = arith.constant 0 : i32
    %eq3A_794 = vector.broadcast %eq3A_793 : i32 to vector<16xi32>
    %eq3A_795 = arith.cmpi eq, %iota3A, %eq3A_794 : vector<16xi32>
    %select_n3A_796 = arith.select %eq3A_795, %add3A_792, %broadcast_in_dim3A_781 : vector<16xi1>, vector<16xi32>
    %mul3A_797 = arith.constant 51 : i32
    %mul3A_798 = vector.broadcast %mul3A_797 : i32 to vector<16xi32>
    %mul3A_799 = arith.muli %min3A_385, %mul3A_798 : vector<16xi32>
    %add3A_800 = arith.constant 1 : i32
    %add3A_801 = arith.addi %mul3A_2, %add3A_800 : i32
    %mul3A_802 = arith.constant 6528 : i32
    %mul3A_803 = arith.muli %add3A_801, %mul3A_802 : i32
    %add3A_804 = arith.constant 50 : i32
    %add3A_805 = arith.addi %mul3A_803, %add3A_804 : i32
    %add3A_806 = vector.broadcast %add3A_805 : i32 to vector<16xi32>
    %add3A_807 = arith.addi %mul3A_799, %add3A_806 : vector<16xi32>
    %eq3A_808 = arith.constant 1 : i32
    %eq3A_809 = vector.broadcast %eq3A_808 : i32 to vector<16xi32>
    %eq3A_810 = arith.cmpi eq, %iota3A, %eq3A_809 : vector<16xi32>
    %select_n3A_811 = arith.select %eq3A_810, %add3A_807, %select_n3A_796 : vector<16xi1>, vector<16xi32>
    %mul3A_812 = arith.constant 51 : i32
    %mul3A_813 = vector.broadcast %mul3A_812 : i32 to vector<16xi32>
    %mul3A_814 = arith.muli %min3A_582, %mul3A_813 : vector<16xi32>
    %add3A_815 = arith.constant 2 : i32
    %add3A_816 = arith.addi %mul3A_2, %add3A_815 : i32
    %mul3A_817 = arith.constant 6528 : i32
    %mul3A_818 = arith.muli %add3A_816, %mul3A_817 : i32
    %add3A_819 = arith.constant 50 : i32
    %add3A_820 = arith.addi %mul3A_818, %add3A_819 : i32
    %add3A_821 = vector.broadcast %add3A_820 : i32 to vector<16xi32>
    %add3A_822 = arith.addi %mul3A_814, %add3A_821 : vector<16xi32>
    %eq3A_823 = arith.constant 2 : i32
    %eq3A_824 = vector.broadcast %eq3A_823 : i32 to vector<16xi32>
    %eq3A_825 = arith.cmpi eq, %iota3A, %eq3A_824 : vector<16xi32>
    %select_n3A_826 = arith.select %eq3A_825, %add3A_822, %select_n3A_811 : vector<16xi1>, vector<16xi32>
    %mul3A_827 = arith.constant 51 : i32
    %mul3A_828 = vector.broadcast %mul3A_827 : i32 to vector<16xi32>
    %mul3A_829 = arith.muli %min3A_779, %mul3A_828 : vector<16xi32>
    %add3A_830 = arith.constant 3 : i32
    %add3A_831 = arith.addi %mul3A_2, %add3A_830 : i32
    %mul3A_832 = arith.constant 6528 : i32
    %mul3A_833 = arith.muli %add3A_831, %mul3A_832 : i32
    %add3A_834 = arith.constant 50 : i32
    %add3A_835 = arith.addi %mul3A_833, %add3A_834 : i32
    %add3A_836 = vector.broadcast %add3A_835 : i32 to vector<16xi32>
    %add3A_837 = arith.addi %mul3A_829, %add3A_836 : vector<16xi32>
    %eq3A_838 = arith.constant 3 : i32
    %eq3A_839 = vector.broadcast %eq3A_838 : i32 to vector<16xi32>
    %eq3A_840 = arith.cmpi eq, %iota3A, %eq3A_839 : vector<16xi32>
    %select_n3A_841 = arith.select %eq3A_840, %add3A_837, %select_n3A_826 : vector<16xi1>, vector<16xi32>
    %swap3A = arith.constant 0 : index
    %swap3A_842 = tpu.vector_load %arg6[%swap3A] {strides = array<i32>} : memref<16xi32, #tpu.memory_space<vmem>>, vector<16xi32>,
    %swap3A_843 = vector.shape_cast %swap3A_842 : vector<16xi32> to vector<16xi32>
    %swap3A_844 = vector.shape_cast %select_n3A_841 : vector<16xi32> to vector<16xi32>
    tpu.vector_store %arg6[%swap3A], %swap3A_844 {strides = array<i32>} : memref<16xi32, #tpu.memory_space<vmem>>, vector<16xi32>,
    %dma_start3A = arith.constant 0 : i32
    %dma_start3A_845 = tpu.memref_slice %arg3[%dma_start3A] : memref<835584xf32, #tpu.memory_space<hbm>> -> memref<835584xf32, #tpu.memory_space<hbm>>
    tpu.enqueue_indirect_dma source(%dma_start3A_845 : memref<835584xf32, #tpu.memory_space<hbm>>) target(%arg7 : memref<16xf32, #tpu.memory_space<vmem>>) offsets(%arg6 : memref<16xi32, #tpu.memory_space<vmem>>) semaphore(%arg9 : memref<!tpu.dma_semaphore, #tpu.memory_space<semaphore_mem>>)
    %dma_wait3A = arith.constant 0 : i32
    %dma_wait3A_846 = tpu.memref_slice %arg3[%dma_wait3A] : memref<835584xf32, #tpu.memory_space<hbm>> -> memref<835584xf32, #tpu.memory_space<hbm>>
    tpu.wait_indirect_dma semaphore(%arg9 : memref<!tpu.dma_semaphore, #tpu.memory_space<semaphore_mem>>) src(%dma_wait3A_846 : memref<835584xf32, #tpu.memory_space<hbm>>) dst(%arg7 : memref<16xf32, #tpu.memory_space<vmem>>)
    %get3A_847 = arith.constant 0 : index
    %get3A_848 = tpu.vector_load %arg7[%get3A_847] {strides = array<i32>} : memref<16xf32, #tpu.memory_space<vmem>>, vector<16xf32>,
    %get3A_849 = vector.shape_cast %get3A_848 : vector<16xf32> to vector<16xf32>
    %eq3A_850 = arith.constant 0 : i32
    %eq3A_851 = vector.broadcast %eq3A_850 : i32 to vector<16xi32>
    %eq3A_852 = arith.cmpi eq, %iota3A, %eq3A_851 : vector<16xi32>
    %jit3A_853 = arith.constant -3.000000e+38 : f32
    %broadcast_in_dim3A_854 = vector.broadcast %jit3A_853 : f32 to vector<16xf32>
    %select_n3A_855 = arith.select %eq3A_852, %get3A_849, %broadcast_in_dim3A_854 : vector<16xi1>, vector<16xf32>
    %xor3A_856 = arith.constant 1 : i32
    %xor3A_857 = vector.broadcast %xor3A_856 : i32 to vector<16xi32>
    %xor3A_858 = arith.xori %iota3A, %xor3A_857 : vector<16xi32>
    %lt3A_859 = arith.constant 0 : i32
    %lt3A_860 = vector.broadcast %lt3A_859 : i32 to vector<16xi32>
    %lt3A_861 = arith.cmpi slt, %xor3A_858, %lt3A_860 : vector<16xi32>
    %add3A_862 = arith.constant 16 : i32
    %add3A_863 = vector.broadcast %add3A_862 : i32 to vector<16xi32>
    %add3A_864 = arith.addi %xor3A_858, %add3A_863 : vector<16xi32>
    %select_n3A_865 = arith.select %lt3A_861, %add3A_864, %xor3A_858 : vector<16xi1>, vector<16xi32>
    %broadcast_in_dim3A_866 = vector.shape_cast %select_n3A_865 : vector<16xi32> to vector<16x1xi32>
    %gather3A_867 = vector.shape_cast %broadcast_in_dim3A_866 : vector<16x1xi32> to vector<16xi32>
    %gather3A_868 = tpu.dynamic_gather %select_n3A_855[%gather3A_867] in [0] : vector<16xf32>, vector<16xi32> -> vector<16xf32>
    %max3A_869 = arith.maximumf %select_n3A_855, %gather3A_868 : vector<16xf32>
    %xor3A_870 = arith.constant 2 : i32
    %xor3A_871 = vector.broadcast %xor3A_870 : i32 to vector<16xi32>
    %xor3A_872 = arith.xori %iota3A, %xor3A_871 : vector<16xi32>
    %lt3A_873 = arith.constant 0 : i32
    %lt3A_874 = vector.broadcast %lt3A_873 : i32 to vector<16xi32>
    %lt3A_875 = arith.cmpi slt, %xor3A_872, %lt3A_874 : vector<16xi32>
    %add3A_876 = arith.constant 16 : i32
    %add3A_877 = vector.broadcast %add3A_876 : i32 to vector<16xi32>
    %add3A_878 = arith.addi %xor3A_872, %add3A_877 : vector<16xi32>
    %select_n3A_879 = arith.select %lt3A_875, %add3A_878, %xor3A_872 : vector<16xi1>, vector<16xi32>
    %broadcast_in_dim3A_880 = vector.shape_cast %select_n3A_879 : vector<16xi32> to vector<16x1xi32>
    %gather3A_881 = vector.shape_cast %broadcast_in_dim3A_880 : vector<16x1xi32> to vector<16xi32>
    %gather3A_882 = tpu.dynamic_gather %max3A_869[%gather3A_881] in [0] : vector<16xf32>, vector<16xi32> -> vector<16xf32>
    %max3A_883 = arith.maximumf %max3A_869, %gather3A_882 : vector<16xf32>
    %xor3A_884 = arith.constant 4 : i32
    %xor3A_885 = vector.broadcast %xor3A_884 : i32 to vector<16xi32>
    %xor3A_886 = arith.xori %iota3A, %xor3A_885 : vector<16xi32>
    %lt3A_887 = arith.constant 0 : i32
    %lt3A_888 = vector.broadcast %lt3A_887 : i32 to vector<16xi32>
    %lt3A_889 = arith.cmpi slt, %xor3A_886, %lt3A_888 : vector<16xi32>
    %add3A_890 = arith.constant 16 : i32
    %add3A_891 = vector.broadcast %add3A_890 : i32 to vector<16xi32>
    %add3A_892 = arith.addi %xor3A_886, %add3A_891 : vector<16xi32>
    %select_n3A_893 = arith.select %lt3A_889, %add3A_892, %xor3A_886 : vector<16xi1>, vector<16xi32>
    %broadcast_in_dim3A_894 = vector.shape_cast %select_n3A_893 : vector<16xi32> to vector<16x1xi32>
    %gather3A_895 = vector.shape_cast %broadcast_in_dim3A_894 : vector<16x1xi32> to vector<16xi32>
    %gather3A_896 = tpu.dynamic_gather %max3A_883[%gather3A_895] in [0] : vector<16xf32>, vector<16xi32> -> vector<16xf32>
    %max3A_897 = arith.maximumf %max3A_883, %gather3A_896 : vector<16xf32>
    %xor3A_898 = arith.constant 8 : i32
    %xor3A_899 = vector.broadcast %xor3A_898 : i32 to vector<16xi32>
    %xor3A_900 = arith.xori %iota3A, %xor3A_899 : vector<16xi32>
    %lt3A_901 = arith.constant 0 : i32
    %lt3A_902 = vector.broadcast %lt3A_901 : i32 to vector<16xi32>
    %lt3A_903 = arith.cmpi slt, %xor3A_900, %lt3A_902 : vector<16xi32>
    %add3A_904 = arith.constant 16 : i32
    %add3A_905 = vector.broadcast %add3A_904 : i32 to vector<16xi32>
    %add3A_906 = arith.addi %xor3A_900, %add3A_905 : vector<16xi32>
    %select_n3A_907 = arith.select %lt3A_903, %add3A_906, %xor3A_900 : vector<16xi1>, vector<16xi32>
    %broadcast_in_dim3A_908 = vector.shape_cast %select_n3A_907 : vector<16xi32> to vector<16x1xi32>
    %gather3A_909 = vector.shape_cast %broadcast_in_dim3A_908 : vector<16x1xi32> to vector<16xi32>
    %gather3A_910 = tpu.dynamic_gather %max3A_897[%gather3A_909] in [0] : vector<16xf32>, vector<16xi32> -> vector<16xf32>
    %max3A_911 = arith.maximumf %max3A_897, %gather3A_910 : vector<16xf32>
    %eq3A_912 = arith.constant 0 : i32
    %eq3A_913 = vector.broadcast %eq3A_912 : i32 to vector<16xi32>
    %eq3A_914 = arith.cmpi eq, %iota3A, %eq3A_913 : vector<16xi32>
    %jit3A_915 = arith.constant 0.000000e+00 : f32
    %broadcast_in_dim3A_916 = vector.broadcast %jit3A_915 : f32 to vector<16xf32>
    %select_n3A_917 = arith.select %eq3A_914, %max3A_911, %broadcast_in_dim3A_916 : vector<16xi1>, vector<16xf32>
    %eq3A_918 = arith.constant 1 : i32
    %eq3A_919 = vector.broadcast %eq3A_918 : i32 to vector<16xi32>
    %eq3A_920 = arith.cmpi eq, %iota3A, %eq3A_919 : vector<16xi32>
    %select_n3A_921 = arith.select %eq3A_920, %max3A_126, %select_n3A_917 : vector<16xi1>, vector<16xf32>
    %swap3A_922 = arith.constant 0 : i32
    %swap3A_923 = arith.index_cast %swap3A_922 : i32 to index
    %swap3A_924 = arith.constant 0 : index
    %swap3A_925 = tpu.vector_load %arg8[%swap3A_923, %swap3A_924] {strides = array<i32>} : memref<4x16xf32, #tpu.memory_space<vmem>>, vector<1x16xf32>,
    %swap3A_926 = vector.shape_cast %swap3A_925 : vector<1x16xf32> to vector<16xf32>
    %swap3A_927 = vector.shape_cast %select_n3A_921 : vector<16xf32> to vector<1x16xf32>
    tpu.vector_store %arg8[%swap3A_923, %swap3A_924], %swap3A_927 {strides = array<i32>} : memref<4x16xf32, #tpu.memory_space<vmem>>, vector<1x16xf32>,
    %eq3A_928 = arith.constant 1 : i32
    %eq3A_929 = vector.broadcast %eq3A_928 : i32 to vector<16xi32>
    %eq3A_930 = arith.cmpi eq, %iota3A, %eq3A_929 : vector<16xi32>
    %jit3A_931 = arith.constant -3.000000e+38 : f32
    %broadcast_in_dim3A_932 = vector.broadcast %jit3A_931 : f32 to vector<16xf32>
    %select_n3A_933 = arith.select %eq3A_930, %get3A_849, %broadcast_in_dim3A_932 : vector<16xi1>, vector<16xf32>
    %xor3A_934 = arith.constant 1 : i32
    %xor3A_935 = vector.broadcast %xor3A_934 : i32 to vector<16xi32>
    %xor3A_936 = arith.xori %iota3A, %xor3A_935 : vector<16xi32>
    %lt3A_937 = arith.constant 0 : i32
    %lt3A_938 = vector.broadcast %lt3A_937 : i32 to vector<16xi32>
    %lt3A_939 = arith.cmpi slt, %xor3A_936, %lt3A_938 : vector<16xi32>
    %add3A_940 = arith.constant 16 : i32
    %add3A_941 = vector.broadcast %add3A_940 : i32 to vector<16xi32>
    %add3A_942 = arith.addi %xor3A_936, %add3A_941 : vector<16xi32>
    %select_n3A_943 = arith.select %lt3A_939, %add3A_942, %xor3A_936 : vector<16xi1>, vector<16xi32>
    %broadcast_in_dim3A_944 = vector.shape_cast %select_n3A_943 : vector<16xi32> to vector<16x1xi32>
    %gather3A_945 = vector.shape_cast %broadcast_in_dim3A_944 : vector<16x1xi32> to vector<16xi32>
    %gather3A_946 = tpu.dynamic_gather %select_n3A_933[%gather3A_945] in [0] : vector<16xf32>, vector<16xi32> -> vector<16xf32>
    %max3A_947 = arith.maximumf %select_n3A_933, %gather3A_946 : vector<16xf32>
    %xor3A_948 = arith.constant 2 : i32
    %xor3A_949 = vector.broadcast %xor3A_948 : i32 to vector<16xi32>
    %xor3A_950 = arith.xori %iota3A, %xor3A_949 : vector<16xi32>
    %lt3A_951 = arith.constant 0 : i32
    %lt3A_952 = vector.broadcast %lt3A_951 : i32 to vector<16xi32>
    %lt3A_953 = arith.cmpi slt, %xor3A_950, %lt3A_952 : vector<16xi32>
    %add3A_954 = arith.constant 16 : i32
    %add3A_955 = vector.broadcast %add3A_954 : i32 to vector<16xi32>
    %add3A_956 = arith.addi %xor3A_950, %add3A_955 : vector<16xi32>
    %select_n3A_957 = arith.select %lt3A_953, %add3A_956, %xor3A_950 : vector<16xi1>, vector<16xi32>
    %broadcast_in_dim3A_958 = vector.shape_cast %select_n3A_957 : vector<16xi32> to vector<16x1xi32>
    %gather3A_959 = vector.shape_cast %broadcast_in_dim3A_958 : vector<16x1xi32> to vector<16xi32>
    %gather3A_960 = tpu.dynamic_gather %max3A_947[%gather3A_959] in [0] : vector<16xf32>, vector<16xi32> -> vector<16xf32>
    %max3A_961 = arith.maximumf %max3A_947, %gather3A_960 : vector<16xf32>
    %xor3A_962 = arith.constant 4 : i32
    %xor3A_963 = vector.broadcast %xor3A_962 : i32 to vector<16xi32>
    %xor3A_964 = arith.xori %iota3A, %xor3A_963 : vector<16xi32>
    %lt3A_965 = arith.constant 0 : i32
    %lt3A_966 = vector.broadcast %lt3A_965 : i32 to vector<16xi32>
    %lt3A_967 = arith.cmpi slt, %xor3A_964, %lt3A_966 : vector<16xi32>
    %add3A_968 = arith.constant 16 : i32
    %add3A_969 = vector.broadcast %add3A_968 : i32 to vector<16xi32>
    %add3A_970 = arith.addi %xor3A_964, %add3A_969 : vector<16xi32>
    %select_n3A_971 = arith.select %lt3A_967, %add3A_970, %xor3A_964 : vector<16xi1>, vector<16xi32>
    %broadcast_in_dim3A_972 = vector.shape_cast %select_n3A_971 : vector<16xi32> to vector<16x1xi32>
    %gather3A_973 = vector.shape_cast %broadcast_in_dim3A_972 : vector<16x1xi32> to vector<16xi32>
    %gather3A_974 = tpu.dynamic_gather %max3A_961[%gather3A_973] in [0] : vector<16xf32>, vector<16xi32> -> vector<16xf32>
    %max3A_975 = arith.maximumf %max3A_961, %gather3A_974 : vector<16xf32>
    %xor3A_976 = arith.constant 8 : i32
    %xor3A_977 = vector.broadcast %xor3A_976 : i32 to vector<16xi32>
    %xor3A_978 = arith.xori %iota3A, %xor3A_977 : vector<16xi32>
    %lt3A_979 = arith.constant 0 : i32
    %lt3A_980 = vector.broadcast %lt3A_979 : i32 to vector<16xi32>
    %lt3A_981 = arith.cmpi slt, %xor3A_978, %lt3A_980 : vector<16xi32>
    %add3A_982 = arith.constant 16 : i32
    %add3A_983 = vector.broadcast %add3A_982 : i32 to vector<16xi32>
    %add3A_984 = arith.addi %xor3A_978, %add3A_983 : vector<16xi32>
    %select_n3A_985 = arith.select %lt3A_981, %add3A_984, %xor3A_978 : vector<16xi1>, vector<16xi32>
    %broadcast_in_dim3A_986 = vector.shape_cast %select_n3A_985 : vector<16xi32> to vector<16x1xi32>
    %gather3A_987 = vector.shape_cast %broadcast_in_dim3A_986 : vector<16x1xi32> to vector<16xi32>
    %gather3A_988 = tpu.dynamic_gather %max3A_975[%gather3A_987] in [0] : vector<16xf32>, vector<16xi32> -> vector<16xf32>
    %max3A_989 = arith.maximumf %max3A_975, %gather3A_988 : vector<16xf32>
    %eq3A_990 = arith.constant 0 : i32
    %eq3A_991 = vector.broadcast %eq3A_990 : i32 to vector<16xi32>
    %eq3A_992 = arith.cmpi eq, %iota3A, %eq3A_991 : vector<16xi32>
    %jit3A_993 = arith.constant 0.000000e+00 : f32
    %broadcast_in_dim3A_994 = vector.broadcast %jit3A_993 : f32 to vector<16xf32>
    %select_n3A_995 = arith.select %eq3A_992, %max3A_989, %broadcast_in_dim3A_994 : vector<16xi1>, vector<16xf32>
    %eq3A_996 = arith.constant 1 : i32
    %eq3A_997 = vector.broadcast %eq3A_996 : i32 to vector<16xi32>
    %eq3A_998 = arith.cmpi eq, %iota3A, %eq3A_997 : vector<16xi32>
    %select_n3A_999 = arith.select %eq3A_998, %max3A_321, %select_n3A_995 : vector<16xi1>, vector<16xf32>
    %swap3A_1000 = arith.constant 1 : i32
    %swap3A_1001 = arith.index_cast %swap3A_1000 : i32 to index
    %swap3A_1002 = arith.constant 0 : index
    %swap3A_1003 = tpu.vector_load %arg8[%swap3A_1001, %swap3A_1002] {strides = array<i32>} : memref<4x16xf32, #tpu.memory_space<vmem>>, vector<1x16xf32>,
    %swap3A_1004 = vector.shape_cast %swap3A_1003 : vector<1x16xf32> to vector<16xf32>
    %swap3A_1005 = vector.shape_cast %select_n3A_999 : vector<16xf32> to vector<1x16xf32>
    tpu.vector_store %arg8[%swap3A_1001, %swap3A_1002], %swap3A_1005 {strides = array<i32>} : memref<4x16xf32, #tpu.memory_space<vmem>>, vector<1x16xf32>,
    %eq3A_1006 = arith.constant 2 : i32
    %eq3A_1007 = vector.broadcast %eq3A_1006 : i32 to vector<16xi32>
    %eq3A_1008 = arith.cmpi eq, %iota3A, %eq3A_1007 : vector<16xi32>
    %jit3A_1009 = arith.constant -3.000000e+38 : f32
    %broadcast_in_dim3A_1010 = vector.broadcast %jit3A_1009 : f32 to vector<16xf32>
    %select_n3A_1011 = arith.select %eq3A_1008, %get3A_849, %broadcast_in_dim3A_1010 : vector<16xi1>, vector<16xf32>
    %xor3A_1012 = arith.constant 1 : i32
    %xor3A_1013 = vector.broadcast %xor3A_1012 : i32 to vector<16xi32>
    %xor3A_1014 = arith.xori %iota3A, %xor3A_1013 : vector<16xi32>
    %lt3A_1015 = arith.constant 0 : i32
    %lt3A_1016 = vector.broadcast %lt3A_1015 : i32 to vector<16xi32>
    %lt3A_1017 = arith.cmpi slt, %xor3A_1014, %lt3A_1016 : vector<16xi32>
    %add3A_1018 = arith.constant 16 : i32
    %add3A_1019 = vector.broadcast %add3A_1018 : i32 to vector<16xi32>
    %add3A_1020 = arith.addi %xor3A_1014, %add3A_1019 : vector<16xi32>
    %select_n3A_1021 = arith.select %lt3A_1017, %add3A_1020, %xor3A_1014 : vector<16xi1>, vector<16xi32>
    %broadcast_in_dim3A_1022 = vector.shape_cast %select_n3A_1021 : vector<16xi32> to vector<16x1xi32>
    %gather3A_1023 = vector.shape_cast %broadcast_in_dim3A_1022 : vector<16x1xi32> to vector<16xi32>
    %gather3A_1024 = tpu.dynamic_gather %select_n3A_1011[%gather3A_1023] in [0] : vector<16xf32>, vector<16xi32> -> vector<16xf32>
    %max3A_1025 = arith.maximumf %select_n3A_1011, %gather3A_1024 : vector<16xf32>
    %xor3A_1026 = arith.constant 2 : i32
    %xor3A_1027 = vector.broadcast %xor3A_1026 : i32 to vector<16xi32>
    %xor3A_1028 = arith.xori %iota3A, %xor3A_1027 : vector<16xi32>
    %lt3A_1029 = arith.constant 0 : i32
    %lt3A_1030 = vector.broadcast %lt3A_1029 : i32 to vector<16xi32>
    %lt3A_1031 = arith.cmpi slt, %xor3A_1028, %lt3A_1030 : vector<16xi32>
    %add3A_1032 = arith.constant 16 : i32
    %add3A_1033 = vector.broadcast %add3A_1032 : i32 to vector<16xi32>
    %add3A_1034 = arith.addi %xor3A_1028, %add3A_1033 : vector<16xi32>
    %select_n3A_1035 = arith.select %lt3A_1031, %add3A_1034, %xor3A_1028 : vector<16xi1>, vector<16xi32>
    %broadcast_in_dim3A_1036 = vector.shape_cast %select_n3A_1035 : vector<16xi32> to vector<16x1xi32>
    %gather3A_1037 = vector.shape_cast %broadcast_in_dim3A_1036 : vector<16x1xi32> to vector<16xi32>
    %gather3A_1038 = tpu.dynamic_gather %max3A_1025[%gather3A_1037] in [0] : vector<16xf32>, vector<16xi32> -> vector<16xf32>
    %max3A_1039 = arith.maximumf %max3A_1025, %gather3A_1038 : vector<16xf32>
    %xor3A_1040 = arith.constant 4 : i32
    %xor3A_1041 = vector.broadcast %xor3A_1040 : i32 to vector<16xi32>
    %xor3A_1042 = arith.xori %iota3A, %xor3A_1041 : vector<16xi32>
    %lt3A_1043 = arith.constant 0 : i32
    %lt3A_1044 = vector.broadcast %lt3A_1043 : i32 to vector<16xi32>
    %lt3A_1045 = arith.cmpi slt, %xor3A_1042, %lt3A_1044 : vector<16xi32>
    %add3A_1046 = arith.constant 16 : i32
    %add3A_1047 = vector.broadcast %add3A_1046 : i32 to vector<16xi32>
    %add3A_1048 = arith.addi %xor3A_1042, %add3A_1047 : vector<16xi32>
    %select_n3A_1049 = arith.select %lt3A_1045, %add3A_1048, %xor3A_1042 : vector<16xi1>, vector<16xi32>
    %broadcast_in_dim3A_1050 = vector.shape_cast %select_n3A_1049 : vector<16xi32> to vector<16x1xi32>
    %gather3A_1051 = vector.shape_cast %broadcast_in_dim3A_1050 : vector<16x1xi32> to vector<16xi32>
    %gather3A_1052 = tpu.dynamic_gather %max3A_1039[%gather3A_1051] in [0] : vector<16xf32>, vector<16xi32> -> vector<16xf32>
    %max3A_1053 = arith.maximumf %max3A_1039, %gather3A_1052 : vector<16xf32>
    %xor3A_1054 = arith.constant 8 : i32
    %xor3A_1055 = vector.broadcast %xor3A_1054 : i32 to vector<16xi32>
    %xor3A_1056 = arith.xori %iota3A, %xor3A_1055 : vector<16xi32>
    %lt3A_1057 = arith.constant 0 : i32
    %lt3A_1058 = vector.broadcast %lt3A_1057 : i32 to vector<16xi32>
    %lt3A_1059 = arith.cmpi slt, %xor3A_1056, %lt3A_1058 : vector<16xi32>
    %add3A_1060 = arith.constant 16 : i32
    %add3A_1061 = vector.broadcast %add3A_1060 : i32 to vector<16xi32>
    %add3A_1062 = arith.addi %xor3A_1056, %add3A_1061 : vector<16xi32>
    %select_n3A_1063 = arith.select %lt3A_1059, %add3A_1062, %xor3A_1056 : vector<16xi1>, vector<16xi32>
    %broadcast_in_dim3A_1064 = vector.shape_cast %select_n3A_1063 : vector<16xi32> to vector<16x1xi32>
    %gather3A_1065 = vector.shape_cast %broadcast_in_dim3A_1064 : vector<16x1xi32> to vector<16xi32>
    %gather3A_1066 = tpu.dynamic_gather %max3A_1053[%gather3A_1065] in [0] : vector<16xf32>, vector<16xi32> -> vector<16xf32>
    %max3A_1067 = arith.maximumf %max3A_1053, %gather3A_1066 : vector<16xf32>
    %eq3A_1068 = arith.constant 0 : i32
    %eq3A_1069 = vector.broadcast %eq3A_1068 : i32 to vector<16xi32>
    %eq3A_1070 = arith.cmpi eq, %iota3A, %eq3A_1069 : vector<16xi32>
    %jit3A_1071 = arith.constant 0.000000e+00 : f32
    %broadcast_in_dim3A_1072 = vector.broadcast %jit3A_1071 : f32 to vector<16xf32>
    %select_n3A_1073 = arith.select %eq3A_1070, %max3A_1067, %broadcast_in_dim3A_1072 : vector<16xi1>, vector<16xf32>
    %eq3A_1074 = arith.constant 1 : i32
    %eq3A_1075 = vector.broadcast %eq3A_1074 : i32 to vector<16xi32>
    %eq3A_1076 = arith.cmpi eq, %iota3A, %eq3A_1075 : vector<16xi32>
    %select_n3A_1077 = arith.select %eq3A_1076, %max3A_518, %select_n3A_1073 : vector<16xi1>, vector<16xf32>
    %swap3A_1078 = arith.constant 2 : i32
    %swap3A_1079 = arith.index_cast %swap3A_1078 : i32 to index
    %swap3A_1080 = arith.constant 0 : index
    %swap3A_1081 = tpu.vector_load %arg8[%swap3A_1079, %swap3A_1080] {strides = array<i32>} : memref<4x16xf32, #tpu.memory_space<vmem>>, vector<1x16xf32>,
    %swap3A_1082 = vector.shape_cast %swap3A_1081 : vector<1x16xf32> to vector<16xf32>
    %swap3A_1083 = vector.shape_cast %select_n3A_1077 : vector<16xf32> to vector<1x16xf32>
    tpu.vector_store %arg8[%swap3A_1079, %swap3A_1080], %swap3A_1083 {strides = array<i32>} : memref<4x16xf32, #tpu.memory_space<vmem>>, vector<1x16xf32>,
    %eq3A_1084 = arith.constant 3 : i32
    %eq3A_1085 = vector.broadcast %eq3A_1084 : i32 to vector<16xi32>
    %eq3A_1086 = arith.cmpi eq, %iota3A, %eq3A_1085 : vector<16xi32>
    %jit3A_1087 = arith.constant -3.000000e+38 : f32
    %broadcast_in_dim3A_1088 = vector.broadcast %jit3A_1087 : f32 to vector<16xf32>
    %select_n3A_1089 = arith.select %eq3A_1086, %get3A_849, %broadcast_in_dim3A_1088 : vector<16xi1>, vector<16xf32>
    %xor3A_1090 = arith.constant 1 : i32
    %xor3A_1091 = vector.broadcast %xor3A_1090 : i32 to vector<16xi32>
    %xor3A_1092 = arith.xori %iota3A, %xor3A_1091 : vector<16xi32>
    %lt3A_1093 = arith.constant 0 : i32
    %lt3A_1094 = vector.broadcast %lt3A_1093 : i32 to vector<16xi32>
    %lt3A_1095 = arith.cmpi slt, %xor3A_1092, %lt3A_1094 : vector<16xi32>
    %add3A_1096 = arith.constant 16 : i32
    %add3A_1097 = vector.broadcast %add3A_1096 : i32 to vector<16xi32>
    %add3A_1098 = arith.addi %xor3A_1092, %add3A_1097 : vector<16xi32>
    %select_n3A_1099 = arith.select %lt3A_1095, %add3A_1098, %xor3A_1092 : vector<16xi1>, vector<16xi32>
    %broadcast_in_dim3A_1100 = vector.shape_cast %select_n3A_1099 : vector<16xi32> to vector<16x1xi32>
    %gather3A_1101 = vector.shape_cast %broadcast_in_dim3A_1100 : vector<16x1xi32> to vector<16xi32>
    %gather3A_1102 = tpu.dynamic_gather %select_n3A_1089[%gather3A_1101] in [0] : vector<16xf32>, vector<16xi32> -> vector<16xf32>
    %max3A_1103 = arith.maximumf %select_n3A_1089, %gather3A_1102 : vector<16xf32>
    %xor3A_1104 = arith.constant 2 : i32
    %xor3A_1105 = vector.broadcast %xor3A_1104 : i32 to vector<16xi32>
    %xor3A_1106 = arith.xori %iota3A, %xor3A_1105 : vector<16xi32>
    %lt3A_1107 = arith.constant 0 : i32
    %lt3A_1108 = vector.broadcast %lt3A_1107 : i32 to vector<16xi32>
    %lt3A_1109 = arith.cmpi slt, %xor3A_1106, %lt3A_1108 : vector<16xi32>
    %add3A_1110 = arith.constant 16 : i32
    %add3A_1111 = vector.broadcast %add3A_1110 : i32 to vector<16xi32>
    %add3A_1112 = arith.addi %xor3A_1106, %add3A_1111 : vector<16xi32>
    %select_n3A_1113 = arith.select %lt3A_1109, %add3A_1112, %xor3A_1106 : vector<16xi1>, vector<16xi32>
    %broadcast_in_dim3A_1114 = vector.shape_cast %select_n3A_1113 : vector<16xi32> to vector<16x1xi32>
    %gather3A_1115 = vector.shape_cast %broadcast_in_dim3A_1114 : vector<16x1xi32> to vector<16xi32>
    %gather3A_1116 = tpu.dynamic_gather %max3A_1103[%gather3A_1115] in [0] : vector<16xf32>, vector<16xi32> -> vector<16xf32>
    %max3A_1117 = arith.maximumf %max3A_1103, %gather3A_1116 : vector<16xf32>
    %xor3A_1118 = arith.constant 4 : i32
    %xor3A_1119 = vector.broadcast %xor3A_1118 : i32 to vector<16xi32>
    %xor3A_1120 = arith.xori %iota3A, %xor3A_1119 : vector<16xi32>
    %lt3A_1121 = arith.constant 0 : i32
    %lt3A_1122 = vector.broadcast %lt3A_1121 : i32 to vector<16xi32>
    %lt3A_1123 = arith.cmpi slt, %xor3A_1120, %lt3A_1122 : vector<16xi32>
    %add3A_1124 = arith.constant 16 : i32
    %add3A_1125 = vector.broadcast %add3A_1124 : i32 to vector<16xi32>
    %add3A_1126 = arith.addi %xor3A_1120, %add3A_1125 : vector<16xi32>
    %select_n3A_1127 = arith.select %lt3A_1123, %add3A_1126, %xor3A_1120 : vector<16xi1>, vector<16xi32>
    %broadcast_in_dim3A_1128 = vector.shape_cast %select_n3A_1127 : vector<16xi32> to vector<16x1xi32>
    %gather3A_1129 = vector.shape_cast %broadcast_in_dim3A_1128 : vector<16x1xi32> to vector<16xi32>
    %gather3A_1130 = tpu.dynamic_gather %max3A_1117[%gather3A_1129] in [0] : vector<16xf32>, vector<16xi32> -> vector<16xf32>
    %max3A_1131 = arith.maximumf %max3A_1117, %gather3A_1130 : vector<16xf32>
    %xor3A_1132 = arith.constant 8 : i32
    %xor3A_1133 = vector.broadcast %xor3A_1132 : i32 to vector<16xi32>
    %xor3A_1134 = arith.xori %iota3A, %xor3A_1133 : vector<16xi32>
    %lt3A_1135 = arith.constant 0 : i32
    %lt3A_1136 = vector.broadcast %lt3A_1135 : i32 to vector<16xi32>
    %lt3A_1137 = arith.cmpi slt, %xor3A_1134, %lt3A_1136 : vector<16xi32>
    %add3A_1138 = arith.constant 16 : i32
    %add3A_1139 = vector.broadcast %add3A_1138 : i32 to vector<16xi32>
    %add3A_1140 = arith.addi %xor3A_1134, %add3A_1139 : vector<16xi32>
    %select_n3A_1141 = arith.select %lt3A_1137, %add3A_1140, %xor3A_1134 : vector<16xi1>, vector<16xi32>
    %broadcast_in_dim3A_1142 = vector.shape_cast %select_n3A_1141 : vector<16xi32> to vector<16x1xi32>
    %gather3A_1143 = vector.shape_cast %broadcast_in_dim3A_1142 : vector<16x1xi32> to vector<16xi32>
    %gather3A_1144 = tpu.dynamic_gather %max3A_1131[%gather3A_1143] in [0] : vector<16xf32>, vector<16xi32> -> vector<16xf32>
    %max3A_1145 = arith.maximumf %max3A_1131, %gather3A_1144 : vector<16xf32>
    %eq3A_1146 = arith.constant 0 : i32
    %eq3A_1147 = vector.broadcast %eq3A_1146 : i32 to vector<16xi32>
    %eq3A_1148 = arith.cmpi eq, %iota3A, %eq3A_1147 : vector<16xi32>
    %jit3A_1149 = arith.constant 0.000000e+00 : f32
    %broadcast_in_dim3A_1150 = vector.broadcast %jit3A_1149 : f32 to vector<16xf32>
    %select_n3A_1151 = arith.select %eq3A_1148, %max3A_1145, %broadcast_in_dim3A_1150 : vector<16xi1>, vector<16xf32>
    %eq3A_1152 = arith.constant 1 : i32
    %eq3A_1153 = vector.broadcast %eq3A_1152 : i32 to vector<16xi32>
    %eq3A_1154 = arith.cmpi eq, %iota3A, %eq3A_1153 : vector<16xi32>
    %select_n3A_1155 = arith.select %eq3A_1154, %max3A_715, %select_n3A_1151 : vector<16xi1>, vector<16xf32>
    %swap3A_1156 = arith.constant 3 : i32
    %swap3A_1157 = arith.index_cast %swap3A_1156 : i32 to index
    %swap3A_1158 = arith.constant 0 : index
    %swap3A_1159 = tpu.vector_load %arg8[%swap3A_1157, %swap3A_1158] {strides = array<i32>} : memref<4x16xf32, #tpu.memory_space<vmem>>, vector<1x16xf32>,
    %swap3A_1160 = vector.shape_cast %swap3A_1159 : vector<1x16xf32> to vector<16xf32>
    %swap3A_1161 = vector.shape_cast %select_n3A_1155 : vector<16xf32> to vector<1x16xf32>
    tpu.vector_store %arg8[%swap3A_1157, %swap3A_1158], %swap3A_1161 {strides = array<i32>} : memref<4x16xf32, #tpu.memory_space<vmem>>, vector<1x16xf32>,
    "tpu.region"() ({
      %run_scoped3A = tpu.sem_alloc : memref<!tpu.dma_semaphore, #tpu.memory_space<semaphore_mem>>
      %dma_start3A_1162 = arith.constant 0 : i32
      %dma_start3A_1163 = tpu.memref_slice %arg4[%mul3A_2, %dma_start3A_1162] : memref<128x16xf32, #tpu.memory_space<hbm>> -> memref<4x16xf32, #tpu.memory_space<hbm>>
      %dma_start3A_1164 = arith.constant 0 : i32
      %dma_start3A_1165 = tpu.memref_slice %arg4[%mul3A_2, %dma_start3A_1164] : memref<128x16xf32, #tpu.memory_space<hbm>> -> memref<4x16xf32, #tpu.memory_space<hbm>>
      tpu.enqueue_dma source(%arg8 : memref<4x16xf32, #tpu.memory_space<vmem>>) target(%dma_start3A_1165 : memref<4x16xf32, #tpu.memory_space<hbm>>) target_semaphore(%run_scoped3A : memref<!tpu.dma_semaphore, #tpu.memory_space<semaphore_mem>>)
      %dma_wait3A_1166 = arith.constant 0 : i32
      %dma_wait3A_1167 = tpu.memref_slice %arg4[%mul3A_2, %dma_wait3A_1166] : memref<128x16xf32, #tpu.memory_space<hbm>> -> memref<4x16xf32, #tpu.memory_space<hbm>>
      %dma_wait3A_1168 = arith.constant 0 : i32
      %dma_wait3A_1169 = tpu.memref_slice %arg4[%mul3A_2, %dma_wait3A_1168] : memref<128x16xf32, #tpu.memory_space<hbm>> -> memref<4x16xf32, #tpu.memory_space<hbm>>
      tpu.wait_dma2 semaphore(%run_scoped3A : memref<!tpu.dma_semaphore, #tpu.memory_space<semaphore_mem>>) src(%arg8 : memref<4x16xf32, #tpu.memory_space<vmem>>) dst(%dma_wait3A_1169 : memref<4x16xf32, #tpu.memory_space<hbm>>)
      tpu.yield
    }) : () -> ()
    return
  }
}

module attributes {stable_mosaic.version = 14 : i64} {
  func.func @_tc_body(%arg0: memref<2x128x51xf32, #tpu.memory_space<vmem>>, %arg1: memref<2x128xf32, #tpu.memory_space<vmem>>, %arg2: memref<64x51xf32, #tpu.memory_space<vmem>>, %arg3: memref<64x51xf32, #tpu.memory_space<vmem>>, %arg4: memref<128x16xf32, #tpu.memory_space<vmem>>, %arg5: memref<64x179xf32, #tpu.memory_space<vmem>>, %arg6: memref<64x179xf32, #tpu.memory_space<vmem>>) attributes {dimension_semantics = [], scalar_prefetch = 0 : i64, scratch_operands = 0 : i64, tpu.core_type = #tpu.core_type<tc>} {
    %get3A = arith.constant 0 : index
    %get3A_0 = arith.constant 0 : index
    %get3A_1 = vector.load %arg1[%get3A, %get3A_0] : memref<2x128xf32, #tpu.memory_space<vmem>>, vector<2x128xf32>
    %get3A_2 = arith.constant 0 : index
    %get3A_3 = arith.constant 0 : index
    %get3A_4 = vector.load %arg2[%get3A_2, %get3A_3] : memref<64x51xf32, #tpu.memory_space<vmem>>, vector<64x51xf32>
    %get3A_5 = arith.constant 0 : index
    %get3A_6 = arith.constant 0 : index
    %get3A_7 = vector.load %arg3[%get3A_5, %get3A_6] : memref<64x51xf32, #tpu.memory_space<vmem>>, vector<64x51xf32>
    %get3A_8 = arith.constant 0 : index
    %get3A_9 = arith.constant 0 : index
    %get3A_10 = arith.constant 50 : index
    %get3A_11 = vector.load %arg0[%get3A_8, %get3A_9, %get3A_10] : memref<2x128x51xf32, #tpu.memory_space<vmem>>, vector<2x128x1xf32>
    %get3A_12 = vector.shape_cast %get3A_11 : vector<2x128x1xf32> to vector<2x128xf32>
    %get3A_13 = arith.constant 0 : index
    %get3A_14 = arith.constant 0 : index
    %get3A_15 = vector.load %arg4[%get3A_13, %get3A_14] : memref<128x16xf32, #tpu.memory_space<vmem>>, vector<128x16xf32>
    %iota3A = tpu.iota {dimensions = array<i32: 0>} : vector<128x128xi32>
    %iota3A_16 = tpu.iota {dimensions = array<i32: 1>} : vector<128x128xi32>
    %reduce_sum3A = arith.constant dense<0.000000e+00> : vector<64xf32>
    %reduce_sum3A_17 = vector.multi_reduction <add>, %get3A_7, %reduce_sum3A [1] : vector<64x51xf32> to vector<64xf32>
    %broadcast_in_dim3A = vector.shape_cast %reduce_sum3A_17 : vector<64xf32> to vector<64x1xf32>
    %slice3A = vector.extract_strided_slice %get3A_1 {offsets = [0, 0], sizes = [1, 128], strides = [1, 1]} : vector<2x128xf32> to vector<1x128xf32>
    %transpose3A = tpu.transpose %slice3A, [1, 0] : vector<1x128xf32> -> vector<128x1xf32>
    %concatenate3A = tpu.concatenate %broadcast_in_dim3A, %broadcast_in_dim3A in 0 : vector<64x1xf32>, vector<64x1xf32> -> vector<128x1xf32>
    %add3A = arith.addf %concatenate3A, %transpose3A : vector<128x1xf32>
    %transpose3A_18 = tpu.transpose %add3A, [1, 0] : vector<128x1xf32> -> vector<1x128xf32>
    %gt3A = vector.broadcast %transpose3A_18 : vector<1x128xf32> to vector<128x128xf32>
    %gt3A_19 = vector.broadcast %add3A : vector<128x1xf32> to vector<128x128xf32>
    %gt3A_20 = arith.cmpf ogt, %gt3A, %gt3A_19 : vector<128x128xf32>
    %eq3A = vector.broadcast %transpose3A_18 : vector<1x128xf32> to vector<128x128xf32>
    %eq3A_21 = vector.broadcast %add3A : vector<128x1xf32> to vector<128x128xf32>
    %eq3A_22 = arith.cmpf oeq, %eq3A, %eq3A_21 : vector<128x128xf32>
    %lt3A = arith.cmpi slt, %iota3A_16, %iota3A : vector<128x128xi32>
    %and3A = arith.andi %eq3A_22, %lt3A : vector<128x128xi1>
    %or3A = arith.ori %gt3A_20, %and3A : vector<128x128xi1>
    %convert_element_type3A = arith.extui %or3A : vector<128x128xi1> to vector<128x128xi32>
    %reduce_sum3A_23 = arith.constant dense<0> : vector<128xi32>
    %reduce_sum3A_24 = vector.multi_reduction <add>, %convert_element_type3A, %reduce_sum3A_23 [1] : vector<128x128xi32> to vector<128xi32>
    %broadcast_in_dim3A_25 = vector.shape_cast %reduce_sum3A_24 : vector<128xi32> to vector<128x1xi32>
    %lt3A_26 = arith.constant 64 : i32
    %lt3A_27 = vector.broadcast %lt3A_26 : i32 to vector<128x1xi32>
    %lt3A_28 = arith.cmpi slt, %broadcast_in_dim3A_25, %lt3A_27 : vector<128x1xi32>
    %transpose3A_29 = tpu.transpose %lt3A_28, [1, 0] : vector<128x1xi1> -> vector<1x128xi1>
    %concatenate3A_30 = tpu.concatenate %get3A_4, %get3A_4 in 0 : vector<64x51xf32>, vector<64x51xf32> -> vector<128x51xf32>
    %concatenate3A_31 = tpu.concatenate %get3A_7, %get3A_7 in 0 : vector<64x51xf32>, vector<64x51xf32> -> vector<128x51xf32>
    %slice3A_32 = vector.extract_strided_slice %get3A_12 {offsets = [0, 0], sizes = [1, 128], strides = [1, 1]} : vector<2x128xf32> to vector<1x128xf32>
    %transpose3A_33 = tpu.transpose %slice3A_32, [1, 0] : vector<1x128xf32> -> vector<128x1xf32>
    %concatenate3A_34 = tpu.concatenate %concatenate3A_30, %transpose3A_33, %concatenate3A_31, %transpose3A, %add3A in 1 : vector<128x51xf32>, vector<128x1xf32>, vector<128x51xf32>, vector<128x1xf32>, vector<128x1xf32> -> vector<128x105xf32>
    %transpose3A_35 = tpu.transpose %get3A_4, [1, 0] : vector<64x51xf32> -> vector<51x64xf32>
    %broadcast_in_dim3A_36 = arith.constant 0.000000e+00 : f32
    %broadcast_in_dim3A_37 = vector.broadcast %broadcast_in_dim3A_36 : f32 to vector<64x64xf32>
    %broadcast_in_dim3A_38 = arith.constant 1.000000e+00 : f32
    %broadcast_in_dim3A_39 = vector.broadcast %broadcast_in_dim3A_38 : f32 to vector<64x64xf32>
    %slice3A_40 = vector.extract_strided_slice %get3A_4 {offsets = [0, 0], sizes = [64, 1], strides = [1, 1]} : vector<64x51xf32> to vector<64x1xf32>
    %slice3A_41 = vector.extract_strided_slice %transpose3A_35 {offsets = [0, 0], sizes = [1, 64], strides = [1, 1]} : vector<51x64xf32> to vector<1x64xf32>
    %sub3A = vector.broadcast %slice3A_40 : vector<64x1xf32> to vector<64x64xf32>
    %sub3A_42 = vector.broadcast %slice3A_41 : vector<1x64xf32> to vector<64x64xf32>
    %sub3A_43 = arith.subf %sub3A, %sub3A_42 : vector<64x64xf32>
    %sign3A = tpu.bitcast %sub3A_43 : vector<64x64xf32> -> vector<64x64xi32>
    %sign3A_44 = arith.constant -2147483648 : i32
    %sign3A_45 = vector.broadcast %sign3A_44 : i32 to vector<64x64xi32>
    %sign3A_46 = arith.andi %sign3A, %sign3A_45 : vector<64x64xi32>
    %sign3A_47 = arith.constant 1065353216 : i32
    %sign3A_48 = vector.broadcast %sign3A_47 : i32 to vector<64x64xi32>
    %sign3A_49 = arith.ori %sign3A_48, %sign3A_46 : vector<64x64xi32>
    %sign3A_50 = tpu.bitcast %sign3A_49 : vector<64x64xi32> -> vector<64x64xf32>
    %sign3A_51 = math.absf %sub3A_43 : vector<64x64xf32>
    %sign3A_52 = arith.constant 0.000000e+00 : f32
    %sign3A_53 = vector.broadcast %sign3A_52 : f32 to vector<64x64xf32>
    %sign3A_54 = arith.cmpf ogt, %sign3A_51, %sign3A_53 : vector<64x64xf32>
    %sign3A_55 = arith.select %sign3A_54, %sign3A_50, %sub3A_43 : vector<64x64xi1>, vector<64x64xf32>
    %mul3A = arith.mulf %broadcast_in_dim3A_39, %sign3A_55 : vector<64x64xf32>
    %add3A_56 = arith.addf %broadcast_in_dim3A_37, %mul3A : vector<64x64xf32>
    %eq3A_57 = vector.broadcast %slice3A_40 : vector<64x1xf32> to vector<64x64xf32>
    %eq3A_58 = vector.broadcast %slice3A_41 : vector<1x64xf32> to vector<64x64xf32>
    %eq3A_59 = arith.cmpf oeq, %eq3A_57, %eq3A_58 : vector<64x64xf32>
    %convert_element_type3A_60 = arith.extui %eq3A_59 : vector<64x64xi1> to vector<64x64xi32>
    %convert_element_type3A_61 = arith.sitofp %convert_element_type3A_60 : vector<64x64xi32> to vector<64x64xf32>
    %mul3A_62 = arith.mulf %broadcast_in_dim3A_39, %convert_element_type3A_61 : vector<64x64xf32>
    %slice3A_63 = vector.extract_strided_slice %get3A_4 {offsets = [0, 1], sizes = [64, 1], strides = [1, 1]} : vector<64x51xf32> to vector<64x1xf32>
    %slice3A_64 = vector.extract_strided_slice %transpose3A_35 {offsets = [1, 0], sizes = [1, 64], strides = [1, 1]} : vector<51x64xf32> to vector<1x64xf32>
    %sub3A_65 = vector.broadcast %slice3A_63 : vector<64x1xf32> to vector<64x64xf32>
    %sub3A_66 = vector.broadcast %slice3A_64 : vector<1x64xf32> to vector<64x64xf32>
    %sub3A_67 = arith.subf %sub3A_65, %sub3A_66 : vector<64x64xf32>
    %sign3A_68 = tpu.bitcast %sub3A_67 : vector<64x64xf32> -> vector<64x64xi32>
    %sign3A_69 = arith.constant -2147483648 : i32
    %sign3A_70 = vector.broadcast %sign3A_69 : i32 to vector<64x64xi32>
    %sign3A_71 = arith.andi %sign3A_68, %sign3A_70 : vector<64x64xi32>
    %sign3A_72 = arith.constant 1065353216 : i32
    %sign3A_73 = vector.broadcast %sign3A_72 : i32 to vector<64x64xi32>
    %sign3A_74 = arith.ori %sign3A_73, %sign3A_71 : vector<64x64xi32>
    %sign3A_75 = tpu.bitcast %sign3A_74 : vector<64x64xi32> -> vector<64x64xf32>
    %sign3A_76 = math.absf %sub3A_67 : vector<64x64xf32>
    %sign3A_77 = arith.constant 0.000000e+00 : f32
    %sign3A_78 = vector.broadcast %sign3A_77 : f32 to vector<64x64xf32>
    %sign3A_79 = arith.cmpf ogt, %sign3A_76, %sign3A_78 : vector<64x64xf32>
    %sign3A_80 = arith.select %sign3A_79, %sign3A_75, %sub3A_67 : vector<64x64xi1>, vector<64x64xf32>
    %mul3A_81 = arith.mulf %mul3A_62, %sign3A_80 : vector<64x64xf32>
    %add3A_82 = arith.addf %add3A_56, %mul3A_81 : vector<64x64xf32>
    %eq3A_83 = vector.broadcast %slice3A_63 : vector<64x1xf32> to vector<64x64xf32>
    %eq3A_84 = vector.broadcast %slice3A_64 : vector<1x64xf32> to vector<64x64xf32>
    %eq3A_85 = arith.cmpf oeq, %eq3A_83, %eq3A_84 : vector<64x64xf32>
    %convert_element_type3A_86 = arith.extui %eq3A_85 : vector<64x64xi1> to vector<64x64xi32>
    %convert_element_type3A_87 = arith.sitofp %convert_element_type3A_86 : vector<64x64xi32> to vector<64x64xf32>
    %mul3A_88 = arith.mulf %mul3A_62, %convert_element_type3A_87 : vector<64x64xf32>
    %slice3A_89 = vector.extract_strided_slice %get3A_4 {offsets = [0, 2], sizes = [64, 1], strides = [1, 1]} : vector<64x51xf32> to vector<64x1xf32>
    %slice3A_90 = vector.extract_strided_slice %transpose3A_35 {offsets = [2, 0], sizes = [1, 64], strides = [1, 1]} : vector<51x64xf32> to vector<1x64xf32>
    %sub3A_91 = vector.broadcast %slice3A_89 : vector<64x1xf32> to vector<64x64xf32>
    %sub3A_92 = vector.broadcast %slice3A_90 : vector<1x64xf32> to vector<64x64xf32>
    %sub3A_93 = arith.subf %sub3A_91, %sub3A_92 : vector<64x64xf32>
    %sign3A_94 = tpu.bitcast %sub3A_93 : vector<64x64xf32> -> vector<64x64xi32>
    %sign3A_95 = arith.constant -2147483648 : i32
    %sign3A_96 = vector.broadcast %sign3A_95 : i32 to vector<64x64xi32>
    %sign3A_97 = arith.andi %sign3A_94, %sign3A_96 : vector<64x64xi32>
    %sign3A_98 = arith.constant 1065353216 : i32
    %sign3A_99 = vector.broadcast %sign3A_98 : i32 to vector<64x64xi32>
    %sign3A_100 = arith.ori %sign3A_99, %sign3A_97 : vector<64x64xi32>
    %sign3A_101 = tpu.bitcast %sign3A_100 : vector<64x64xi32> -> vector<64x64xf32>
    %sign3A_102 = math.absf %sub3A_93 : vector<64x64xf32>
    %sign3A_103 = arith.constant 0.000000e+00 : f32
    %sign3A_104 = vector.broadcast %sign3A_103 : f32 to vector<64x64xf32>
    %sign3A_105 = arith.cmpf ogt, %sign3A_102, %sign3A_104 : vector<64x64xf32>
    %sign3A_106 = arith.select %sign3A_105, %sign3A_101, %sub3A_93 : vector<64x64xi1>, vector<64x64xf32>
    %mul3A_107 = arith.mulf %mul3A_88, %sign3A_106 : vector<64x64xf32>
    %add3A_108 = arith.addf %add3A_82, %mul3A_107 : vector<64x64xf32>
    %eq3A_109 = vector.broadcast %slice3A_89 : vector<64x1xf32> to vector<64x64xf32>
    %eq3A_110 = vector.broadcast %slice3A_90 : vector<1x64xf32> to vector<64x64xf32>
    %eq3A_111 = arith.cmpf oeq, %eq3A_109, %eq3A_110 : vector<64x64xf32>
    %convert_element_type3A_112 = arith.extui %eq3A_111 : vector<64x64xi1> to vector<64x64xi32>
    %convert_element_type3A_113 = arith.sitofp %convert_element_type3A_112 : vector<64x64xi32> to vector<64x64xf32>
    %mul3A_114 = arith.mulf %mul3A_88, %convert_element_type3A_113 : vector<64x64xf32>
    %slice3A_115 = vector.extract_strided_slice %get3A_4 {offsets = [0, 3], sizes = [64, 1], strides = [1, 1]} : vector<64x51xf32> to vector<64x1xf32>
    %slice3A_116 = vector.extract_strided_slice %transpose3A_35 {offsets = [3, 0], sizes = [1, 64], strides = [1, 1]} : vector<51x64xf32> to vector<1x64xf32>
    %sub3A_117 = vector.broadcast %slice3A_115 : vector<64x1xf32> to vector<64x64xf32>
    %sub3A_118 = vector.broadcast %slice3A_116 : vector<1x64xf32> to vector<64x64xf32>
    %sub3A_119 = arith.subf %sub3A_117, %sub3A_118 : vector<64x64xf32>
    %sign3A_120 = tpu.bitcast %sub3A_119 : vector<64x64xf32> -> vector<64x64xi32>
    %sign3A_121 = arith.constant -2147483648 : i32
    %sign3A_122 = vector.broadcast %sign3A_121 : i32 to vector<64x64xi32>
    %sign3A_123 = arith.andi %sign3A_120, %sign3A_122 : vector<64x64xi32>
    %sign3A_124 = arith.constant 1065353216 : i32
    %sign3A_125 = vector.broadcast %sign3A_124 : i32 to vector<64x64xi32>
    %sign3A_126 = arith.ori %sign3A_125, %sign3A_123 : vector<64x64xi32>
    %sign3A_127 = tpu.bitcast %sign3A_126 : vector<64x64xi32> -> vector<64x64xf32>
    %sign3A_128 = math.absf %sub3A_119 : vector<64x64xf32>
    %sign3A_129 = arith.constant 0.000000e+00 : f32
    %sign3A_130 = vector.broadcast %sign3A_129 : f32 to vector<64x64xf32>
    %sign3A_131 = arith.cmpf ogt, %sign3A_128, %sign3A_130 : vector<64x64xf32>
    %sign3A_132 = arith.select %sign3A_131, %sign3A_127, %sub3A_119 : vector<64x64xi1>, vector<64x64xf32>
    %mul3A_133 = arith.mulf %mul3A_114, %sign3A_132 : vector<64x64xf32>
    %add3A_134 = arith.addf %add3A_108, %mul3A_133 : vector<64x64xf32>
    %eq3A_135 = vector.broadcast %slice3A_115 : vector<64x1xf32> to vector<64x64xf32>
    %eq3A_136 = vector.broadcast %slice3A_116 : vector<1x64xf32> to vector<64x64xf32>
    %eq3A_137 = arith.cmpf oeq, %eq3A_135, %eq3A_136 : vector<64x64xf32>
    %convert_element_type3A_138 = arith.extui %eq3A_137 : vector<64x64xi1> to vector<64x64xi32>
    %convert_element_type3A_139 = arith.sitofp %convert_element_type3A_138 : vector<64x64xi32> to vector<64x64xf32>
    %mul3A_140 = arith.mulf %mul3A_114, %convert_element_type3A_139 : vector<64x64xf32>
    %slice3A_141 = vector.extract_strided_slice %get3A_4 {offsets = [0, 4], sizes = [64, 1], strides = [1, 1]} : vector<64x51xf32> to vector<64x1xf32>
    %slice3A_142 = vector.extract_strided_slice %transpose3A_35 {offsets = [4, 0], sizes = [1, 64], strides = [1, 1]} : vector<51x64xf32> to vector<1x64xf32>
    %sub3A_143 = vector.broadcast %slice3A_141 : vector<64x1xf32> to vector<64x64xf32>
    %sub3A_144 = vector.broadcast %slice3A_142 : vector<1x64xf32> to vector<64x64xf32>
    %sub3A_145 = arith.subf %sub3A_143, %sub3A_144 : vector<64x64xf32>
    %sign3A_146 = tpu.bitcast %sub3A_145 : vector<64x64xf32> -> vector<64x64xi32>
    %sign3A_147 = arith.constant -2147483648 : i32
    %sign3A_148 = vector.broadcast %sign3A_147 : i32 to vector<64x64xi32>
    %sign3A_149 = arith.andi %sign3A_146, %sign3A_148 : vector<64x64xi32>
    %sign3A_150 = arith.constant 1065353216 : i32
    %sign3A_151 = vector.broadcast %sign3A_150 : i32 to vector<64x64xi32>
    %sign3A_152 = arith.ori %sign3A_151, %sign3A_149 : vector<64x64xi32>
    %sign3A_153 = tpu.bitcast %sign3A_152 : vector<64x64xi32> -> vector<64x64xf32>
    %sign3A_154 = math.absf %sub3A_145 : vector<64x64xf32>
    %sign3A_155 = arith.constant 0.000000e+00 : f32
    %sign3A_156 = vector.broadcast %sign3A_155 : f32 to vector<64x64xf32>
    %sign3A_157 = arith.cmpf ogt, %sign3A_154, %sign3A_156 : vector<64x64xf32>
    %sign3A_158 = arith.select %sign3A_157, %sign3A_153, %sub3A_145 : vector<64x64xi1>, vector<64x64xf32>
    %mul3A_159 = arith.mulf %mul3A_140, %sign3A_158 : vector<64x64xf32>
    %add3A_160 = arith.addf %add3A_134, %mul3A_159 : vector<64x64xf32>
    %eq3A_161 = vector.broadcast %slice3A_141 : vector<64x1xf32> to vector<64x64xf32>
    %eq3A_162 = vector.broadcast %slice3A_142 : vector<1x64xf32> to vector<64x64xf32>
    %eq3A_163 = arith.cmpf oeq, %eq3A_161, %eq3A_162 : vector<64x64xf32>
    %convert_element_type3A_164 = arith.extui %eq3A_163 : vector<64x64xi1> to vector<64x64xi32>
    %convert_element_type3A_165 = arith.sitofp %convert_element_type3A_164 : vector<64x64xi32> to vector<64x64xf32>
    %mul3A_166 = arith.mulf %mul3A_140, %convert_element_type3A_165 : vector<64x64xf32>
    %slice3A_167 = vector.extract_strided_slice %get3A_4 {offsets = [0, 5], sizes = [64, 1], strides = [1, 1]} : vector<64x51xf32> to vector<64x1xf32>
    %slice3A_168 = vector.extract_strided_slice %transpose3A_35 {offsets = [5, 0], sizes = [1, 64], strides = [1, 1]} : vector<51x64xf32> to vector<1x64xf32>
    %sub3A_169 = vector.broadcast %slice3A_167 : vector<64x1xf32> to vector<64x64xf32>
    %sub3A_170 = vector.broadcast %slice3A_168 : vector<1x64xf32> to vector<64x64xf32>
    %sub3A_171 = arith.subf %sub3A_169, %sub3A_170 : vector<64x64xf32>
    %sign3A_172 = tpu.bitcast %sub3A_171 : vector<64x64xf32> -> vector<64x64xi32>
    %sign3A_173 = arith.constant -2147483648 : i32
    %sign3A_174 = vector.broadcast %sign3A_173 : i32 to vector<64x64xi32>
    %sign3A_175 = arith.andi %sign3A_172, %sign3A_174 : vector<64x64xi32>
    %sign3A_176 = arith.constant 1065353216 : i32
    %sign3A_177 = vector.broadcast %sign3A_176 : i32 to vector<64x64xi32>
    %sign3A_178 = arith.ori %sign3A_177, %sign3A_175 : vector<64x64xi32>
    %sign3A_179 = tpu.bitcast %sign3A_178 : vector<64x64xi32> -> vector<64x64xf32>
    %sign3A_180 = math.absf %sub3A_171 : vector<64x64xf32>
    %sign3A_181 = arith.constant 0.000000e+00 : f32
    %sign3A_182 = vector.broadcast %sign3A_181 : f32 to vector<64x64xf32>
    %sign3A_183 = arith.cmpf ogt, %sign3A_180, %sign3A_182 : vector<64x64xf32>
    %sign3A_184 = arith.select %sign3A_183, %sign3A_179, %sub3A_171 : vector<64x64xi1>, vector<64x64xf32>
    %mul3A_185 = arith.mulf %mul3A_166, %sign3A_184 : vector<64x64xf32>
    %add3A_186 = arith.addf %add3A_160, %mul3A_185 : vector<64x64xf32>
    %eq3A_187 = vector.broadcast %slice3A_167 : vector<64x1xf32> to vector<64x64xf32>
    %eq3A_188 = vector.broadcast %slice3A_168 : vector<1x64xf32> to vector<64x64xf32>
    %eq3A_189 = arith.cmpf oeq, %eq3A_187, %eq3A_188 : vector<64x64xf32>
    %convert_element_type3A_190 = arith.extui %eq3A_189 : vector<64x64xi1> to vector<64x64xi32>
    %convert_element_type3A_191 = arith.sitofp %convert_element_type3A_190 : vector<64x64xi32> to vector<64x64xf32>
    %mul3A_192 = arith.mulf %mul3A_166, %convert_element_type3A_191 : vector<64x64xf32>
    %slice3A_193 = vector.extract_strided_slice %get3A_4 {offsets = [0, 6], sizes = [64, 1], strides = [1, 1]} : vector<64x51xf32> to vector<64x1xf32>
    %slice3A_194 = vector.extract_strided_slice %transpose3A_35 {offsets = [6, 0], sizes = [1, 64], strides = [1, 1]} : vector<51x64xf32> to vector<1x64xf32>
    %sub3A_195 = vector.broadcast %slice3A_193 : vector<64x1xf32> to vector<64x64xf32>
    %sub3A_196 = vector.broadcast %slice3A_194 : vector<1x64xf32> to vector<64x64xf32>
    %sub3A_197 = arith.subf %sub3A_195, %sub3A_196 : vector<64x64xf32>
    %sign3A_198 = tpu.bitcast %sub3A_197 : vector<64x64xf32> -> vector<64x64xi32>
    %sign3A_199 = arith.constant -2147483648 : i32
    %sign3A_200 = vector.broadcast %sign3A_199 : i32 to vector<64x64xi32>
    %sign3A_201 = arith.andi %sign3A_198, %sign3A_200 : vector<64x64xi32>
    %sign3A_202 = arith.constant 1065353216 : i32
    %sign3A_203 = vector.broadcast %sign3A_202 : i32 to vector<64x64xi32>
    %sign3A_204 = arith.ori %sign3A_203, %sign3A_201 : vector<64x64xi32>
    %sign3A_205 = tpu.bitcast %sign3A_204 : vector<64x64xi32> -> vector<64x64xf32>
    %sign3A_206 = math.absf %sub3A_197 : vector<64x64xf32>
    %sign3A_207 = arith.constant 0.000000e+00 : f32
    %sign3A_208 = vector.broadcast %sign3A_207 : f32 to vector<64x64xf32>
    %sign3A_209 = arith.cmpf ogt, %sign3A_206, %sign3A_208 : vector<64x64xf32>
    %sign3A_210 = arith.select %sign3A_209, %sign3A_205, %sub3A_197 : vector<64x64xi1>, vector<64x64xf32>
    %mul3A_211 = arith.mulf %mul3A_192, %sign3A_210 : vector<64x64xf32>
    %add3A_212 = arith.addf %add3A_186, %mul3A_211 : vector<64x64xf32>
    %eq3A_213 = vector.broadcast %slice3A_193 : vector<64x1xf32> to vector<64x64xf32>
    %eq3A_214 = vector.broadcast %slice3A_194 : vector<1x64xf32> to vector<64x64xf32>
    %eq3A_215 = arith.cmpf oeq, %eq3A_213, %eq3A_214 : vector<64x64xf32>
    %convert_element_type3A_216 = arith.extui %eq3A_215 : vector<64x64xi1> to vector<64x64xi32>
    %convert_element_type3A_217 = arith.sitofp %convert_element_type3A_216 : vector<64x64xi32> to vector<64x64xf32>
    %mul3A_218 = arith.mulf %mul3A_192, %convert_element_type3A_217 : vector<64x64xf32>
    %slice3A_219 = vector.extract_strided_slice %get3A_4 {offsets = [0, 7], sizes = [64, 1], strides = [1, 1]} : vector<64x51xf32> to vector<64x1xf32>
    %slice3A_220 = vector.extract_strided_slice %transpose3A_35 {offsets = [7, 0], sizes = [1, 64], strides = [1, 1]} : vector<51x64xf32> to vector<1x64xf32>
    %sub3A_221 = vector.broadcast %slice3A_219 : vector<64x1xf32> to vector<64x64xf32>
    %sub3A_222 = vector.broadcast %slice3A_220 : vector<1x64xf32> to vector<64x64xf32>
    %sub3A_223 = arith.subf %sub3A_221, %sub3A_222 : vector<64x64xf32>
    %sign3A_224 = tpu.bitcast %sub3A_223 : vector<64x64xf32> -> vector<64x64xi32>
    %sign3A_225 = arith.constant -2147483648 : i32
    %sign3A_226 = vector.broadcast %sign3A_225 : i32 to vector<64x64xi32>
    %sign3A_227 = arith.andi %sign3A_224, %sign3A_226 : vector<64x64xi32>
    %sign3A_228 = arith.constant 1065353216 : i32
    %sign3A_229 = vector.broadcast %sign3A_228 : i32 to vector<64x64xi32>
    %sign3A_230 = arith.ori %sign3A_229, %sign3A_227 : vector<64x64xi32>
    %sign3A_231 = tpu.bitcast %sign3A_230 : vector<64x64xi32> -> vector<64x64xf32>
    %sign3A_232 = math.absf %sub3A_223 : vector<64x64xf32>
    %sign3A_233 = arith.constant 0.000000e+00 : f32
    %sign3A_234 = vector.broadcast %sign3A_233 : f32 to vector<64x64xf32>
    %sign3A_235 = arith.cmpf ogt, %sign3A_232, %sign3A_234 : vector<64x64xf32>
    %sign3A_236 = arith.select %sign3A_235, %sign3A_231, %sub3A_223 : vector<64x64xi1>, vector<64x64xf32>
    %mul3A_237 = arith.mulf %mul3A_218, %sign3A_236 : vector<64x64xf32>
    %add3A_238 = arith.addf %add3A_212, %mul3A_237 : vector<64x64xf32>
    %eq3A_239 = vector.broadcast %slice3A_219 : vector<64x1xf32> to vector<64x64xf32>
    %eq3A_240 = vector.broadcast %slice3A_220 : vector<1x64xf32> to vector<64x64xf32>
    %eq3A_241 = arith.cmpf oeq, %eq3A_239, %eq3A_240 : vector<64x64xf32>
    %convert_element_type3A_242 = arith.extui %eq3A_241 : vector<64x64xi1> to vector<64x64xi32>
    %convert_element_type3A_243 = arith.sitofp %convert_element_type3A_242 : vector<64x64xi32> to vector<64x64xf32>
    %mul3A_244 = arith.mulf %mul3A_218, %convert_element_type3A_243 : vector<64x64xf32>
    %slice3A_245 = vector.extract_strided_slice %get3A_4 {offsets = [0, 8], sizes = [64, 1], strides = [1, 1]} : vector<64x51xf32> to vector<64x1xf32>
    %slice3A_246 = vector.extract_strided_slice %transpose3A_35 {offsets = [8, 0], sizes = [1, 64], strides = [1, 1]} : vector<51x64xf32> to vector<1x64xf32>
    %sub3A_247 = vector.broadcast %slice3A_245 : vector<64x1xf32> to vector<64x64xf32>
    %sub3A_248 = vector.broadcast %slice3A_246 : vector<1x64xf32> to vector<64x64xf32>
    %sub3A_249 = arith.subf %sub3A_247, %sub3A_248 : vector<64x64xf32>
    %sign3A_250 = tpu.bitcast %sub3A_249 : vector<64x64xf32> -> vector<64x64xi32>
    %sign3A_251 = arith.constant -2147483648 : i32
    %sign3A_252 = vector.broadcast %sign3A_251 : i32 to vector<64x64xi32>
    %sign3A_253 = arith.andi %sign3A_250, %sign3A_252 : vector<64x64xi32>
    %sign3A_254 = arith.constant 1065353216 : i32
    %sign3A_255 = vector.broadcast %sign3A_254 : i32 to vector<64x64xi32>
    %sign3A_256 = arith.ori %sign3A_255, %sign3A_253 : vector<64x64xi32>
    %sign3A_257 = tpu.bitcast %sign3A_256 : vector<64x64xi32> -> vector<64x64xf32>
    %sign3A_258 = math.absf %sub3A_249 : vector<64x64xf32>
    %sign3A_259 = arith.constant 0.000000e+00 : f32
    %sign3A_260 = vector.broadcast %sign3A_259 : f32 to vector<64x64xf32>
    %sign3A_261 = arith.cmpf ogt, %sign3A_258, %sign3A_260 : vector<64x64xf32>
    %sign3A_262 = arith.select %sign3A_261, %sign3A_257, %sub3A_249 : vector<64x64xi1>, vector<64x64xf32>
    %mul3A_263 = arith.mulf %mul3A_244, %sign3A_262 : vector<64x64xf32>
    %add3A_264 = arith.addf %add3A_238, %mul3A_263 : vector<64x64xf32>
    %eq3A_265 = vector.broadcast %slice3A_245 : vector<64x1xf32> to vector<64x64xf32>
    %eq3A_266 = vector.broadcast %slice3A_246 : vector<1x64xf32> to vector<64x64xf32>
    %eq3A_267 = arith.cmpf oeq, %eq3A_265, %eq3A_266 : vector<64x64xf32>
    %convert_element_type3A_268 = arith.extui %eq3A_267 : vector<64x64xi1> to vector<64x64xi32>
    %convert_element_type3A_269 = arith.sitofp %convert_element_type3A_268 : vector<64x64xi32> to vector<64x64xf32>
    %mul3A_270 = arith.mulf %mul3A_244, %convert_element_type3A_269 : vector<64x64xf32>
    %slice3A_271 = vector.extract_strided_slice %get3A_4 {offsets = [0, 9], sizes = [64, 1], strides = [1, 1]} : vector<64x51xf32> to vector<64x1xf32>
    %slice3A_272 = vector.extract_strided_slice %transpose3A_35 {offsets = [9, 0], sizes = [1, 64], strides = [1, 1]} : vector<51x64xf32> to vector<1x64xf32>
    %sub3A_273 = vector.broadcast %slice3A_271 : vector<64x1xf32> to vector<64x64xf32>
    %sub3A_274 = vector.broadcast %slice3A_272 : vector<1x64xf32> to vector<64x64xf32>
    %sub3A_275 = arith.subf %sub3A_273, %sub3A_274 : vector<64x64xf32>
    %sign3A_276 = tpu.bitcast %sub3A_275 : vector<64x64xf32> -> vector<64x64xi32>
    %sign3A_277 = arith.constant -2147483648 : i32
    %sign3A_278 = vector.broadcast %sign3A_277 : i32 to vector<64x64xi32>
    %sign3A_279 = arith.andi %sign3A_276, %sign3A_278 : vector<64x64xi32>
    %sign3A_280 = arith.constant 1065353216 : i32
    %sign3A_281 = vector.broadcast %sign3A_280 : i32 to vector<64x64xi32>
    %sign3A_282 = arith.ori %sign3A_281, %sign3A_279 : vector<64x64xi32>
    %sign3A_283 = tpu.bitcast %sign3A_282 : vector<64x64xi32> -> vector<64x64xf32>
    %sign3A_284 = math.absf %sub3A_275 : vector<64x64xf32>
    %sign3A_285 = arith.constant 0.000000e+00 : f32
    %sign3A_286 = vector.broadcast %sign3A_285 : f32 to vector<64x64xf32>
    %sign3A_287 = arith.cmpf ogt, %sign3A_284, %sign3A_286 : vector<64x64xf32>
    %sign3A_288 = arith.select %sign3A_287, %sign3A_283, %sub3A_275 : vector<64x64xi1>, vector<64x64xf32>
    %mul3A_289 = arith.mulf %mul3A_270, %sign3A_288 : vector<64x64xf32>
    %add3A_290 = arith.addf %add3A_264, %mul3A_289 : vector<64x64xf32>
    %eq3A_291 = vector.broadcast %slice3A_271 : vector<64x1xf32> to vector<64x64xf32>
    %eq3A_292 = vector.broadcast %slice3A_272 : vector<1x64xf32> to vector<64x64xf32>
    %eq3A_293 = arith.cmpf oeq, %eq3A_291, %eq3A_292 : vector<64x64xf32>
    %convert_element_type3A_294 = arith.extui %eq3A_293 : vector<64x64xi1> to vector<64x64xi32>
    %convert_element_type3A_295 = arith.sitofp %convert_element_type3A_294 : vector<64x64xi32> to vector<64x64xf32>
    %mul3A_296 = arith.mulf %mul3A_270, %convert_element_type3A_295 : vector<64x64xf32>
    %slice3A_297 = vector.extract_strided_slice %get3A_4 {offsets = [0, 10], sizes = [64, 1], strides = [1, 1]} : vector<64x51xf32> to vector<64x1xf32>
    %slice3A_298 = vector.extract_strided_slice %transpose3A_35 {offsets = [10, 0], sizes = [1, 64], strides = [1, 1]} : vector<51x64xf32> to vector<1x64xf32>
    %sub3A_299 = vector.broadcast %slice3A_297 : vector<64x1xf32> to vector<64x64xf32>
    %sub3A_300 = vector.broadcast %slice3A_298 : vector<1x64xf32> to vector<64x64xf32>
    %sub3A_301 = arith.subf %sub3A_299, %sub3A_300 : vector<64x64xf32>
    %sign3A_302 = tpu.bitcast %sub3A_301 : vector<64x64xf32> -> vector<64x64xi32>
    %sign3A_303 = arith.constant -2147483648 : i32
    %sign3A_304 = vector.broadcast %sign3A_303 : i32 to vector<64x64xi32>
    %sign3A_305 = arith.andi %sign3A_302, %sign3A_304 : vector<64x64xi32>
    %sign3A_306 = arith.constant 1065353216 : i32
    %sign3A_307 = vector.broadcast %sign3A_306 : i32 to vector<64x64xi32>
    %sign3A_308 = arith.ori %sign3A_307, %sign3A_305 : vector<64x64xi32>
    %sign3A_309 = tpu.bitcast %sign3A_308 : vector<64x64xi32> -> vector<64x64xf32>
    %sign3A_310 = math.absf %sub3A_301 : vector<64x64xf32>
    %sign3A_311 = arith.constant 0.000000e+00 : f32
    %sign3A_312 = vector.broadcast %sign3A_311 : f32 to vector<64x64xf32>
    %sign3A_313 = arith.cmpf ogt, %sign3A_310, %sign3A_312 : vector<64x64xf32>
    %sign3A_314 = arith.select %sign3A_313, %sign3A_309, %sub3A_301 : vector<64x64xi1>, vector<64x64xf32>
    %mul3A_315 = arith.mulf %mul3A_296, %sign3A_314 : vector<64x64xf32>
    %add3A_316 = arith.addf %add3A_290, %mul3A_315 : vector<64x64xf32>
    %eq3A_317 = vector.broadcast %slice3A_297 : vector<64x1xf32> to vector<64x64xf32>
    %eq3A_318 = vector.broadcast %slice3A_298 : vector<1x64xf32> to vector<64x64xf32>
    %eq3A_319 = arith.cmpf oeq, %eq3A_317, %eq3A_318 : vector<64x64xf32>
    %convert_element_type3A_320 = arith.extui %eq3A_319 : vector<64x64xi1> to vector<64x64xi32>
    %convert_element_type3A_321 = arith.sitofp %convert_element_type3A_320 : vector<64x64xi32> to vector<64x64xf32>
    %mul3A_322 = arith.mulf %mul3A_296, %convert_element_type3A_321 : vector<64x64xf32>
    %slice3A_323 = vector.extract_strided_slice %get3A_4 {offsets = [0, 11], sizes = [64, 1], strides = [1, 1]} : vector<64x51xf32> to vector<64x1xf32>
    %slice3A_324 = vector.extract_strided_slice %transpose3A_35 {offsets = [11, 0], sizes = [1, 64], strides = [1, 1]} : vector<51x64xf32> to vector<1x64xf32>
    %sub3A_325 = vector.broadcast %slice3A_323 : vector<64x1xf32> to vector<64x64xf32>
    %sub3A_326 = vector.broadcast %slice3A_324 : vector<1x64xf32> to vector<64x64xf32>
    %sub3A_327 = arith.subf %sub3A_325, %sub3A_326 : vector<64x64xf32>
    %sign3A_328 = tpu.bitcast %sub3A_327 : vector<64x64xf32> -> vector<64x64xi32>
    %sign3A_329 = arith.constant -2147483648 : i32
    %sign3A_330 = vector.broadcast %sign3A_329 : i32 to vector<64x64xi32>
    %sign3A_331 = arith.andi %sign3A_328, %sign3A_330 : vector<64x64xi32>
    %sign3A_332 = arith.constant 1065353216 : i32
    %sign3A_333 = vector.broadcast %sign3A_332 : i32 to vector<64x64xi32>
    %sign3A_334 = arith.ori %sign3A_333, %sign3A_331 : vector<64x64xi32>
    %sign3A_335 = tpu.bitcast %sign3A_334 : vector<64x64xi32> -> vector<64x64xf32>
    %sign3A_336 = math.absf %sub3A_327 : vector<64x64xf32>
    %sign3A_337 = arith.constant 0.000000e+00 : f32
    %sign3A_338 = vector.broadcast %sign3A_337 : f32 to vector<64x64xf32>
    %sign3A_339 = arith.cmpf ogt, %sign3A_336, %sign3A_338 : vector<64x64xf32>
    %sign3A_340 = arith.select %sign3A_339, %sign3A_335, %sub3A_327 : vector<64x64xi1>, vector<64x64xf32>
    %mul3A_341 = arith.mulf %mul3A_322, %sign3A_340 : vector<64x64xf32>
    %add3A_342 = arith.addf %add3A_316, %mul3A_341 : vector<64x64xf32>
    %eq3A_343 = vector.broadcast %slice3A_323 : vector<64x1xf32> to vector<64x64xf32>
    %eq3A_344 = vector.broadcast %slice3A_324 : vector<1x64xf32> to vector<64x64xf32>
    %eq3A_345 = arith.cmpf oeq, %eq3A_343, %eq3A_344 : vector<64x64xf32>
    %convert_element_type3A_346 = arith.extui %eq3A_345 : vector<64x64xi1> to vector<64x64xi32>
    %convert_element_type3A_347 = arith.sitofp %convert_element_type3A_346 : vector<64x64xi32> to vector<64x64xf32>
    %mul3A_348 = arith.mulf %mul3A_322, %convert_element_type3A_347 : vector<64x64xf32>
    %slice3A_349 = vector.extract_strided_slice %get3A_4 {offsets = [0, 12], sizes = [64, 1], strides = [1, 1]} : vector<64x51xf32> to vector<64x1xf32>
    %slice3A_350 = vector.extract_strided_slice %transpose3A_35 {offsets = [12, 0], sizes = [1, 64], strides = [1, 1]} : vector<51x64xf32> to vector<1x64xf32>
    %sub3A_351 = vector.broadcast %slice3A_349 : vector<64x1xf32> to vector<64x64xf32>
    %sub3A_352 = vector.broadcast %slice3A_350 : vector<1x64xf32> to vector<64x64xf32>
    %sub3A_353 = arith.subf %sub3A_351, %sub3A_352 : vector<64x64xf32>
    %sign3A_354 = tpu.bitcast %sub3A_353 : vector<64x64xf32> -> vector<64x64xi32>
    %sign3A_355 = arith.constant -2147483648 : i32
    %sign3A_356 = vector.broadcast %sign3A_355 : i32 to vector<64x64xi32>
    %sign3A_357 = arith.andi %sign3A_354, %sign3A_356 : vector<64x64xi32>
    %sign3A_358 = arith.constant 1065353216 : i32
    %sign3A_359 = vector.broadcast %sign3A_358 : i32 to vector<64x64xi32>
    %sign3A_360 = arith.ori %sign3A_359, %sign3A_357 : vector<64x64xi32>
    %sign3A_361 = tpu.bitcast %sign3A_360 : vector<64x64xi32> -> vector<64x64xf32>
    %sign3A_362 = math.absf %sub3A_353 : vector<64x64xf32>
    %sign3A_363 = arith.constant 0.000000e+00 : f32
    %sign3A_364 = vector.broadcast %sign3A_363 : f32 to vector<64x64xf32>
    %sign3A_365 = arith.cmpf ogt, %sign3A_362, %sign3A_364 : vector<64x64xf32>
    %sign3A_366 = arith.select %sign3A_365, %sign3A_361, %sub3A_353 : vector<64x64xi1>, vector<64x64xf32>
    %mul3A_367 = arith.mulf %mul3A_348, %sign3A_366 : vector<64x64xf32>
    %add3A_368 = arith.addf %add3A_342, %mul3A_367 : vector<64x64xf32>
    %eq3A_369 = vector.broadcast %slice3A_349 : vector<64x1xf32> to vector<64x64xf32>
    %eq3A_370 = vector.broadcast %slice3A_350 : vector<1x64xf32> to vector<64x64xf32>
    %eq3A_371 = arith.cmpf oeq, %eq3A_369, %eq3A_370 : vector<64x64xf32>
    %convert_element_type3A_372 = arith.extui %eq3A_371 : vector<64x64xi1> to vector<64x64xi32>
    %convert_element_type3A_373 = arith.sitofp %convert_element_type3A_372 : vector<64x64xi32> to vector<64x64xf32>
    %mul3A_374 = arith.mulf %mul3A_348, %convert_element_type3A_373 : vector<64x64xf32>
    %slice3A_375 = vector.extract_strided_slice %get3A_4 {offsets = [0, 13], sizes = [64, 1], strides = [1, 1]} : vector<64x51xf32> to vector<64x1xf32>
    %slice3A_376 = vector.extract_strided_slice %transpose3A_35 {offsets = [13, 0], sizes = [1, 64], strides = [1, 1]} : vector<51x64xf32> to vector<1x64xf32>
    %sub3A_377 = vector.broadcast %slice3A_375 : vector<64x1xf32> to vector<64x64xf32>
    %sub3A_378 = vector.broadcast %slice3A_376 : vector<1x64xf32> to vector<64x64xf32>
    %sub3A_379 = arith.subf %sub3A_377, %sub3A_378 : vector<64x64xf32>
    %sign3A_380 = tpu.bitcast %sub3A_379 : vector<64x64xf32> -> vector<64x64xi32>
    %sign3A_381 = arith.constant -2147483648 : i32
    %sign3A_382 = vector.broadcast %sign3A_381 : i32 to vector<64x64xi32>
    %sign3A_383 = arith.andi %sign3A_380, %sign3A_382 : vector<64x64xi32>
    %sign3A_384 = arith.constant 1065353216 : i32
    %sign3A_385 = vector.broadcast %sign3A_384 : i32 to vector<64x64xi32>
    %sign3A_386 = arith.ori %sign3A_385, %sign3A_383 : vector<64x64xi32>
    %sign3A_387 = tpu.bitcast %sign3A_386 : vector<64x64xi32> -> vector<64x64xf32>
    %sign3A_388 = math.absf %sub3A_379 : vector<64x64xf32>
    %sign3A_389 = arith.constant 0.000000e+00 : f32
    %sign3A_390 = vector.broadcast %sign3A_389 : f32 to vector<64x64xf32>
    %sign3A_391 = arith.cmpf ogt, %sign3A_388, %sign3A_390 : vector<64x64xf32>
    %sign3A_392 = arith.select %sign3A_391, %sign3A_387, %sub3A_379 : vector<64x64xi1>, vector<64x64xf32>
    %mul3A_393 = arith.mulf %mul3A_374, %sign3A_392 : vector<64x64xf32>
    %add3A_394 = arith.addf %add3A_368, %mul3A_393 : vector<64x64xf32>
    %eq3A_395 = vector.broadcast %slice3A_375 : vector<64x1xf32> to vector<64x64xf32>
    %eq3A_396 = vector.broadcast %slice3A_376 : vector<1x64xf32> to vector<64x64xf32>
    %eq3A_397 = arith.cmpf oeq, %eq3A_395, %eq3A_396 : vector<64x64xf32>
    %convert_element_type3A_398 = arith.extui %eq3A_397 : vector<64x64xi1> to vector<64x64xi32>
    %convert_element_type3A_399 = arith.sitofp %convert_element_type3A_398 : vector<64x64xi32> to vector<64x64xf32>
    %mul3A_400 = arith.mulf %mul3A_374, %convert_element_type3A_399 : vector<64x64xf32>
    %slice3A_401 = vector.extract_strided_slice %get3A_4 {offsets = [0, 14], sizes = [64, 1], strides = [1, 1]} : vector<64x51xf32> to vector<64x1xf32>
    %slice3A_402 = vector.extract_strided_slice %transpose3A_35 {offsets = [14, 0], sizes = [1, 64], strides = [1, 1]} : vector<51x64xf32> to vector<1x64xf32>
    %sub3A_403 = vector.broadcast %slice3A_401 : vector<64x1xf32> to vector<64x64xf32>
    %sub3A_404 = vector.broadcast %slice3A_402 : vector<1x64xf32> to vector<64x64xf32>
    %sub3A_405 = arith.subf %sub3A_403, %sub3A_404 : vector<64x64xf32>
    %sign3A_406 = tpu.bitcast %sub3A_405 : vector<64x64xf32> -> vector<64x64xi32>
    %sign3A_407 = arith.constant -2147483648 : i32
    %sign3A_408 = vector.broadcast %sign3A_407 : i32 to vector<64x64xi32>
    %sign3A_409 = arith.andi %sign3A_406, %sign3A_408 : vector<64x64xi32>
    %sign3A_410 = arith.constant 1065353216 : i32
    %sign3A_411 = vector.broadcast %sign3A_410 : i32 to vector<64x64xi32>
    %sign3A_412 = arith.ori %sign3A_411, %sign3A_409 : vector<64x64xi32>
    %sign3A_413 = tpu.bitcast %sign3A_412 : vector<64x64xi32> -> vector<64x64xf32>
    %sign3A_414 = math.absf %sub3A_405 : vector<64x64xf32>
    %sign3A_415 = arith.constant 0.000000e+00 : f32
    %sign3A_416 = vector.broadcast %sign3A_415 : f32 to vector<64x64xf32>
    %sign3A_417 = arith.cmpf ogt, %sign3A_414, %sign3A_416 : vector<64x64xf32>
    %sign3A_418 = arith.select %sign3A_417, %sign3A_413, %sub3A_405 : vector<64x64xi1>, vector<64x64xf32>
    %mul3A_419 = arith.mulf %mul3A_400, %sign3A_418 : vector<64x64xf32>
    %add3A_420 = arith.addf %add3A_394, %mul3A_419 : vector<64x64xf32>
    %eq3A_421 = vector.broadcast %slice3A_401 : vector<64x1xf32> to vector<64x64xf32>
    %eq3A_422 = vector.broadcast %slice3A_402 : vector<1x64xf32> to vector<64x64xf32>
    %eq3A_423 = arith.cmpf oeq, %eq3A_421, %eq3A_422 : vector<64x64xf32>
    %convert_element_type3A_424 = arith.extui %eq3A_423 : vector<64x64xi1> to vector<64x64xi32>
    %convert_element_type3A_425 = arith.sitofp %convert_element_type3A_424 : vector<64x64xi32> to vector<64x64xf32>
    %mul3A_426 = arith.mulf %mul3A_400, %convert_element_type3A_425 : vector<64x64xf32>
    %slice3A_427 = vector.extract_strided_slice %get3A_4 {offsets = [0, 15], sizes = [64, 1], strides = [1, 1]} : vector<64x51xf32> to vector<64x1xf32>
    %slice3A_428 = vector.extract_strided_slice %transpose3A_35 {offsets = [15, 0], sizes = [1, 64], strides = [1, 1]} : vector<51x64xf32> to vector<1x64xf32>
    %sub3A_429 = vector.broadcast %slice3A_427 : vector<64x1xf32> to vector<64x64xf32>
    %sub3A_430 = vector.broadcast %slice3A_428 : vector<1x64xf32> to vector<64x64xf32>
    %sub3A_431 = arith.subf %sub3A_429, %sub3A_430 : vector<64x64xf32>
    %sign3A_432 = tpu.bitcast %sub3A_431 : vector<64x64xf32> -> vector<64x64xi32>
    %sign3A_433 = arith.constant -2147483648 : i32
    %sign3A_434 = vector.broadcast %sign3A_433 : i32 to vector<64x64xi32>
    %sign3A_435 = arith.andi %sign3A_432, %sign3A_434 : vector<64x64xi32>
    %sign3A_436 = arith.constant 1065353216 : i32
    %sign3A_437 = vector.broadcast %sign3A_436 : i32 to vector<64x64xi32>
    %sign3A_438 = arith.ori %sign3A_437, %sign3A_435 : vector<64x64xi32>
    %sign3A_439 = tpu.bitcast %sign3A_438 : vector<64x64xi32> -> vector<64x64xf32>
    %sign3A_440 = math.absf %sub3A_431 : vector<64x64xf32>
    %sign3A_441 = arith.constant 0.000000e+00 : f32
    %sign3A_442 = vector.broadcast %sign3A_441 : f32 to vector<64x64xf32>
    %sign3A_443 = arith.cmpf ogt, %sign3A_440, %sign3A_442 : vector<64x64xf32>
    %sign3A_444 = arith.select %sign3A_443, %sign3A_439, %sub3A_431 : vector<64x64xi1>, vector<64x64xf32>
    %mul3A_445 = arith.mulf %mul3A_426, %sign3A_444 : vector<64x64xf32>
    %add3A_446 = arith.addf %add3A_420, %mul3A_445 : vector<64x64xf32>
    %eq3A_447 = vector.broadcast %slice3A_427 : vector<64x1xf32> to vector<64x64xf32>
    %eq3A_448 = vector.broadcast %slice3A_428 : vector<1x64xf32> to vector<64x64xf32>
    %eq3A_449 = arith.cmpf oeq, %eq3A_447, %eq3A_448 : vector<64x64xf32>
    %convert_element_type3A_450 = arith.extui %eq3A_449 : vector<64x64xi1> to vector<64x64xi32>
    %convert_element_type3A_451 = arith.sitofp %convert_element_type3A_450 : vector<64x64xi32> to vector<64x64xf32>
    %mul3A_452 = arith.mulf %mul3A_426, %convert_element_type3A_451 : vector<64x64xf32>
    %slice3A_453 = vector.extract_strided_slice %get3A_4 {offsets = [0, 16], sizes = [64, 1], strides = [1, 1]} : vector<64x51xf32> to vector<64x1xf32>
    %slice3A_454 = vector.extract_strided_slice %transpose3A_35 {offsets = [16, 0], sizes = [1, 64], strides = [1, 1]} : vector<51x64xf32> to vector<1x64xf32>
    %sub3A_455 = vector.broadcast %slice3A_453 : vector<64x1xf32> to vector<64x64xf32>
    %sub3A_456 = vector.broadcast %slice3A_454 : vector<1x64xf32> to vector<64x64xf32>
    %sub3A_457 = arith.subf %sub3A_455, %sub3A_456 : vector<64x64xf32>
    %sign3A_458 = tpu.bitcast %sub3A_457 : vector<64x64xf32> -> vector<64x64xi32>
    %sign3A_459 = arith.constant -2147483648 : i32
    %sign3A_460 = vector.broadcast %sign3A_459 : i32 to vector<64x64xi32>
    %sign3A_461 = arith.andi %sign3A_458, %sign3A_460 : vector<64x64xi32>
    %sign3A_462 = arith.constant 1065353216 : i32
    %sign3A_463 = vector.broadcast %sign3A_462 : i32 to vector<64x64xi32>
    %sign3A_464 = arith.ori %sign3A_463, %sign3A_461 : vector<64x64xi32>
    %sign3A_465 = tpu.bitcast %sign3A_464 : vector<64x64xi32> -> vector<64x64xf32>
    %sign3A_466 = math.absf %sub3A_457 : vector<64x64xf32>
    %sign3A_467 = arith.constant 0.000000e+00 : f32
    %sign3A_468 = vector.broadcast %sign3A_467 : f32 to vector<64x64xf32>
    %sign3A_469 = arith.cmpf ogt, %sign3A_466, %sign3A_468 : vector<64x64xf32>
    %sign3A_470 = arith.select %sign3A_469, %sign3A_465, %sub3A_457 : vector<64x64xi1>, vector<64x64xf32>
    %mul3A_471 = arith.mulf %mul3A_452, %sign3A_470 : vector<64x64xf32>
    %add3A_472 = arith.addf %add3A_446, %mul3A_471 : vector<64x64xf32>
    %eq3A_473 = vector.broadcast %slice3A_453 : vector<64x1xf32> to vector<64x64xf32>
    %eq3A_474 = vector.broadcast %slice3A_454 : vector<1x64xf32> to vector<64x64xf32>
    %eq3A_475 = arith.cmpf oeq, %eq3A_473, %eq3A_474 : vector<64x64xf32>
    %convert_element_type3A_476 = arith.extui %eq3A_475 : vector<64x64xi1> to vector<64x64xi32>
    %convert_element_type3A_477 = arith.sitofp %convert_element_type3A_476 : vector<64x64xi32> to vector<64x64xf32>
    %mul3A_478 = arith.mulf %mul3A_452, %convert_element_type3A_477 : vector<64x64xf32>
    %slice3A_479 = vector.extract_strided_slice %get3A_4 {offsets = [0, 17], sizes = [64, 1], strides = [1, 1]} : vector<64x51xf32> to vector<64x1xf32>
    %slice3A_480 = vector.extract_strided_slice %transpose3A_35 {offsets = [17, 0], sizes = [1, 64], strides = [1, 1]} : vector<51x64xf32> to vector<1x64xf32>
    %sub3A_481 = vector.broadcast %slice3A_479 : vector<64x1xf32> to vector<64x64xf32>
    %sub3A_482 = vector.broadcast %slice3A_480 : vector<1x64xf32> to vector<64x64xf32>
    %sub3A_483 = arith.subf %sub3A_481, %sub3A_482 : vector<64x64xf32>
    %sign3A_484 = tpu.bitcast %sub3A_483 : vector<64x64xf32> -> vector<64x64xi32>
    %sign3A_485 = arith.constant -2147483648 : i32
    %sign3A_486 = vector.broadcast %sign3A_485 : i32 to vector<64x64xi32>
    %sign3A_487 = arith.andi %sign3A_484, %sign3A_486 : vector<64x64xi32>
    %sign3A_488 = arith.constant 1065353216 : i32
    %sign3A_489 = vector.broadcast %sign3A_488 : i32 to vector<64x64xi32>
    %sign3A_490 = arith.ori %sign3A_489, %sign3A_487 : vector<64x64xi32>
    %sign3A_491 = tpu.bitcast %sign3A_490 : vector<64x64xi32> -> vector<64x64xf32>
    %sign3A_492 = math.absf %sub3A_483 : vector<64x64xf32>
    %sign3A_493 = arith.constant 0.000000e+00 : f32
    %sign3A_494 = vector.broadcast %sign3A_493 : f32 to vector<64x64xf32>
    %sign3A_495 = arith.cmpf ogt, %sign3A_492, %sign3A_494 : vector<64x64xf32>
    %sign3A_496 = arith.select %sign3A_495, %sign3A_491, %sub3A_483 : vector<64x64xi1>, vector<64x64xf32>
    %mul3A_497 = arith.mulf %mul3A_478, %sign3A_496 : vector<64x64xf32>
    %add3A_498 = arith.addf %add3A_472, %mul3A_497 : vector<64x64xf32>
    %eq3A_499 = vector.broadcast %slice3A_479 : vector<64x1xf32> to vector<64x64xf32>
    %eq3A_500 = vector.broadcast %slice3A_480 : vector<1x64xf32> to vector<64x64xf32>
    %eq3A_501 = arith.cmpf oeq, %eq3A_499, %eq3A_500 : vector<64x64xf32>
    %convert_element_type3A_502 = arith.extui %eq3A_501 : vector<64x64xi1> to vector<64x64xi32>
    %convert_element_type3A_503 = arith.sitofp %convert_element_type3A_502 : vector<64x64xi32> to vector<64x64xf32>
    %mul3A_504 = arith.mulf %mul3A_478, %convert_element_type3A_503 : vector<64x64xf32>
    %slice3A_505 = vector.extract_strided_slice %get3A_4 {offsets = [0, 18], sizes = [64, 1], strides = [1, 1]} : vector<64x51xf32> to vector<64x1xf32>
    %slice3A_506 = vector.extract_strided_slice %transpose3A_35 {offsets = [18, 0], sizes = [1, 64], strides = [1, 1]} : vector<51x64xf32> to vector<1x64xf32>
    %sub3A_507 = vector.broadcast %slice3A_505 : vector<64x1xf32> to vector<64x64xf32>
    %sub3A_508 = vector.broadcast %slice3A_506 : vector<1x64xf32> to vector<64x64xf32>
    %sub3A_509 = arith.subf %sub3A_507, %sub3A_508 : vector<64x64xf32>
    %sign3A_510 = tpu.bitcast %sub3A_509 : vector<64x64xf32> -> vector<64x64xi32>
    %sign3A_511 = arith.constant -2147483648 : i32
    %sign3A_512 = vector.broadcast %sign3A_511 : i32 to vector<64x64xi32>
    %sign3A_513 = arith.andi %sign3A_510, %sign3A_512 : vector<64x64xi32>
    %sign3A_514 = arith.constant 1065353216 : i32
    %sign3A_515 = vector.broadcast %sign3A_514 : i32 to vector<64x64xi32>
    %sign3A_516 = arith.ori %sign3A_515, %sign3A_513 : vector<64x64xi32>
    %sign3A_517 = tpu.bitcast %sign3A_516 : vector<64x64xi32> -> vector<64x64xf32>
    %sign3A_518 = math.absf %sub3A_509 : vector<64x64xf32>
    %sign3A_519 = arith.constant 0.000000e+00 : f32
    %sign3A_520 = vector.broadcast %sign3A_519 : f32 to vector<64x64xf32>
    %sign3A_521 = arith.cmpf ogt, %sign3A_518, %sign3A_520 : vector<64x64xf32>
    %sign3A_522 = arith.select %sign3A_521, %sign3A_517, %sub3A_509 : vector<64x64xi1>, vector<64x64xf32>
    %mul3A_523 = arith.mulf %mul3A_504, %sign3A_522 : vector<64x64xf32>
    %add3A_524 = arith.addf %add3A_498, %mul3A_523 : vector<64x64xf32>
    %eq3A_525 = vector.broadcast %slice3A_505 : vector<64x1xf32> to vector<64x64xf32>
    %eq3A_526 = vector.broadcast %slice3A_506 : vector<1x64xf32> to vector<64x64xf32>
    %eq3A_527 = arith.cmpf oeq, %eq3A_525, %eq3A_526 : vector<64x64xf32>
    %convert_element_type3A_528 = arith.extui %eq3A_527 : vector<64x64xi1> to vector<64x64xi32>
    %convert_element_type3A_529 = arith.sitofp %convert_element_type3A_528 : vector<64x64xi32> to vector<64x64xf32>
    %mul3A_530 = arith.mulf %mul3A_504, %convert_element_type3A_529 : vector<64x64xf32>
    %slice3A_531 = vector.extract_strided_slice %get3A_4 {offsets = [0, 19], sizes = [64, 1], strides = [1, 1]} : vector<64x51xf32> to vector<64x1xf32>
    %slice3A_532 = vector.extract_strided_slice %transpose3A_35 {offsets = [19, 0], sizes = [1, 64], strides = [1, 1]} : vector<51x64xf32> to vector<1x64xf32>
    %sub3A_533 = vector.broadcast %slice3A_531 : vector<64x1xf32> to vector<64x64xf32>
    %sub3A_534 = vector.broadcast %slice3A_532 : vector<1x64xf32> to vector<64x64xf32>
    %sub3A_535 = arith.subf %sub3A_533, %sub3A_534 : vector<64x64xf32>
    %sign3A_536 = tpu.bitcast %sub3A_535 : vector<64x64xf32> -> vector<64x64xi32>
    %sign3A_537 = arith.constant -2147483648 : i32
    %sign3A_538 = vector.broadcast %sign3A_537 : i32 to vector<64x64xi32>
    %sign3A_539 = arith.andi %sign3A_536, %sign3A_538 : vector<64x64xi32>
    %sign3A_540 = arith.constant 1065353216 : i32
    %sign3A_541 = vector.broadcast %sign3A_540 : i32 to vector<64x64xi32>
    %sign3A_542 = arith.ori %sign3A_541, %sign3A_539 : vector<64x64xi32>
    %sign3A_543 = tpu.bitcast %sign3A_542 : vector<64x64xi32> -> vector<64x64xf32>
    %sign3A_544 = math.absf %sub3A_535 : vector<64x64xf32>
    %sign3A_545 = arith.constant 0.000000e+00 : f32
    %sign3A_546 = vector.broadcast %sign3A_545 : f32 to vector<64x64xf32>
    %sign3A_547 = arith.cmpf ogt, %sign3A_544, %sign3A_546 : vector<64x64xf32>
    %sign3A_548 = arith.select %sign3A_547, %sign3A_543, %sub3A_535 : vector<64x64xi1>, vector<64x64xf32>
    %mul3A_549 = arith.mulf %mul3A_530, %sign3A_548 : vector<64x64xf32>
    %add3A_550 = arith.addf %add3A_524, %mul3A_549 : vector<64x64xf32>
    %eq3A_551 = vector.broadcast %slice3A_531 : vector<64x1xf32> to vector<64x64xf32>
    %eq3A_552 = vector.broadcast %slice3A_532 : vector<1x64xf32> to vector<64x64xf32>
    %eq3A_553 = arith.cmpf oeq, %eq3A_551, %eq3A_552 : vector<64x64xf32>
    %convert_element_type3A_554 = arith.extui %eq3A_553 : vector<64x64xi1> to vector<64x64xi32>
    %convert_element_type3A_555 = arith.sitofp %convert_element_type3A_554 : vector<64x64xi32> to vector<64x64xf32>
    %mul3A_556 = arith.mulf %mul3A_530, %convert_element_type3A_555 : vector<64x64xf32>
    %slice3A_557 = vector.extract_strided_slice %get3A_4 {offsets = [0, 20], sizes = [64, 1], strides = [1, 1]} : vector<64x51xf32> to vector<64x1xf32>
    %slice3A_558 = vector.extract_strided_slice %transpose3A_35 {offsets = [20, 0], sizes = [1, 64], strides = [1, 1]} : vector<51x64xf32> to vector<1x64xf32>
    %sub3A_559 = vector.broadcast %slice3A_557 : vector<64x1xf32> to vector<64x64xf32>
    %sub3A_560 = vector.broadcast %slice3A_558 : vector<1x64xf32> to vector<64x64xf32>
    %sub3A_561 = arith.subf %sub3A_559, %sub3A_560 : vector<64x64xf32>
    %sign3A_562 = tpu.bitcast %sub3A_561 : vector<64x64xf32> -> vector<64x64xi32>
    %sign3A_563 = arith.constant -2147483648 : i32
    %sign3A_564 = vector.broadcast %sign3A_563 : i32 to vector<64x64xi32>
    %sign3A_565 = arith.andi %sign3A_562, %sign3A_564 : vector<64x64xi32>
    %sign3A_566 = arith.constant 1065353216 : i32
    %sign3A_567 = vector.broadcast %sign3A_566 : i32 to vector<64x64xi32>
    %sign3A_568 = arith.ori %sign3A_567, %sign3A_565 : vector<64x64xi32>
    %sign3A_569 = tpu.bitcast %sign3A_568 : vector<64x64xi32> -> vector<64x64xf32>
    %sign3A_570 = math.absf %sub3A_561 : vector<64x64xf32>
    %sign3A_571 = arith.constant 0.000000e+00 : f32
    %sign3A_572 = vector.broadcast %sign3A_571 : f32 to vector<64x64xf32>
    %sign3A_573 = arith.cmpf ogt, %sign3A_570, %sign3A_572 : vector<64x64xf32>
    %sign3A_574 = arith.select %sign3A_573, %sign3A_569, %sub3A_561 : vector<64x64xi1>, vector<64x64xf32>
    %mul3A_575 = arith.mulf %mul3A_556, %sign3A_574 : vector<64x64xf32>
    %add3A_576 = arith.addf %add3A_550, %mul3A_575 : vector<64x64xf32>
    %eq3A_577 = vector.broadcast %slice3A_557 : vector<64x1xf32> to vector<64x64xf32>
    %eq3A_578 = vector.broadcast %slice3A_558 : vector<1x64xf32> to vector<64x64xf32>
    %eq3A_579 = arith.cmpf oeq, %eq3A_577, %eq3A_578 : vector<64x64xf32>
    %convert_element_type3A_580 = arith.extui %eq3A_579 : vector<64x64xi1> to vector<64x64xi32>
    %convert_element_type3A_581 = arith.sitofp %convert_element_type3A_580 : vector<64x64xi32> to vector<64x64xf32>
    %mul3A_582 = arith.mulf %mul3A_556, %convert_element_type3A_581 : vector<64x64xf32>
    %slice3A_583 = vector.extract_strided_slice %get3A_4 {offsets = [0, 21], sizes = [64, 1], strides = [1, 1]} : vector<64x51xf32> to vector<64x1xf32>
    %slice3A_584 = vector.extract_strided_slice %transpose3A_35 {offsets = [21, 0], sizes = [1, 64], strides = [1, 1]} : vector<51x64xf32> to vector<1x64xf32>
    %sub3A_585 = vector.broadcast %slice3A_583 : vector<64x1xf32> to vector<64x64xf32>
    %sub3A_586 = vector.broadcast %slice3A_584 : vector<1x64xf32> to vector<64x64xf32>
    %sub3A_587 = arith.subf %sub3A_585, %sub3A_586 : vector<64x64xf32>
    %sign3A_588 = tpu.bitcast %sub3A_587 : vector<64x64xf32> -> vector<64x64xi32>
    %sign3A_589 = arith.constant -2147483648 : i32
    %sign3A_590 = vector.broadcast %sign3A_589 : i32 to vector<64x64xi32>
    %sign3A_591 = arith.andi %sign3A_588, %sign3A_590 : vector<64x64xi32>
    %sign3A_592 = arith.constant 1065353216 : i32
    %sign3A_593 = vector.broadcast %sign3A_592 : i32 to vector<64x64xi32>
    %sign3A_594 = arith.ori %sign3A_593, %sign3A_591 : vector<64x64xi32>
    %sign3A_595 = tpu.bitcast %sign3A_594 : vector<64x64xi32> -> vector<64x64xf32>
    %sign3A_596 = math.absf %sub3A_587 : vector<64x64xf32>
    %sign3A_597 = arith.constant 0.000000e+00 : f32
    %sign3A_598 = vector.broadcast %sign3A_597 : f32 to vector<64x64xf32>
    %sign3A_599 = arith.cmpf ogt, %sign3A_596, %sign3A_598 : vector<64x64xf32>
    %sign3A_600 = arith.select %sign3A_599, %sign3A_595, %sub3A_587 : vector<64x64xi1>, vector<64x64xf32>
    %mul3A_601 = arith.mulf %mul3A_582, %sign3A_600 : vector<64x64xf32>
    %add3A_602 = arith.addf %add3A_576, %mul3A_601 : vector<64x64xf32>
    %eq3A_603 = vector.broadcast %slice3A_583 : vector<64x1xf32> to vector<64x64xf32>
    %eq3A_604 = vector.broadcast %slice3A_584 : vector<1x64xf32> to vector<64x64xf32>
    %eq3A_605 = arith.cmpf oeq, %eq3A_603, %eq3A_604 : vector<64x64xf32>
    %convert_element_type3A_606 = arith.extui %eq3A_605 : vector<64x64xi1> to vector<64x64xi32>
    %convert_element_type3A_607 = arith.sitofp %convert_element_type3A_606 : vector<64x64xi32> to vector<64x64xf32>
    %mul3A_608 = arith.mulf %mul3A_582, %convert_element_type3A_607 : vector<64x64xf32>
    %slice3A_609 = vector.extract_strided_slice %get3A_4 {offsets = [0, 22], sizes = [64, 1], strides = [1, 1]} : vector<64x51xf32> to vector<64x1xf32>
    %slice3A_610 = vector.extract_strided_slice %transpose3A_35 {offsets = [22, 0], sizes = [1, 64], strides = [1, 1]} : vector<51x64xf32> to vector<1x64xf32>
    %sub3A_611 = vector.broadcast %slice3A_609 : vector<64x1xf32> to vector<64x64xf32>
    %sub3A_612 = vector.broadcast %slice3A_610 : vector<1x64xf32> to vector<64x64xf32>
    %sub3A_613 = arith.subf %sub3A_611, %sub3A_612 : vector<64x64xf32>
    %sign3A_614 = tpu.bitcast %sub3A_613 : vector<64x64xf32> -> vector<64x64xi32>
    %sign3A_615 = arith.constant -2147483648 : i32
    %sign3A_616 = vector.broadcast %sign3A_615 : i32 to vector<64x64xi32>
    %sign3A_617 = arith.andi %sign3A_614, %sign3A_616 : vector<64x64xi32>
    %sign3A_618 = arith.constant 1065353216 : i32
    %sign3A_619 = vector.broadcast %sign3A_618 : i32 to vector<64x64xi32>
    %sign3A_620 = arith.ori %sign3A_619, %sign3A_617 : vector<64x64xi32>
    %sign3A_621 = tpu.bitcast %sign3A_620 : vector<64x64xi32> -> vector<64x64xf32>
    %sign3A_622 = math.absf %sub3A_613 : vector<64x64xf32>
    %sign3A_623 = arith.constant 0.000000e+00 : f32
    %sign3A_624 = vector.broadcast %sign3A_623 : f32 to vector<64x64xf32>
    %sign3A_625 = arith.cmpf ogt, %sign3A_622, %sign3A_624 : vector<64x64xf32>
    %sign3A_626 = arith.select %sign3A_625, %sign3A_621, %sub3A_613 : vector<64x64xi1>, vector<64x64xf32>
    %mul3A_627 = arith.mulf %mul3A_608, %sign3A_626 : vector<64x64xf32>
    %add3A_628 = arith.addf %add3A_602, %mul3A_627 : vector<64x64xf32>
    %eq3A_629 = vector.broadcast %slice3A_609 : vector<64x1xf32> to vector<64x64xf32>
    %eq3A_630 = vector.broadcast %slice3A_610 : vector<1x64xf32> to vector<64x64xf32>
    %eq3A_631 = arith.cmpf oeq, %eq3A_629, %eq3A_630 : vector<64x64xf32>
    %convert_element_type3A_632 = arith.extui %eq3A_631 : vector<64x64xi1> to vector<64x64xi32>
    %convert_element_type3A_633 = arith.sitofp %convert_element_type3A_632 : vector<64x64xi32> to vector<64x64xf32>
    %mul3A_634 = arith.mulf %mul3A_608, %convert_element_type3A_633 : vector<64x64xf32>
    %slice3A_635 = vector.extract_strided_slice %get3A_4 {offsets = [0, 23], sizes = [64, 1], strides = [1, 1]} : vector<64x51xf32> to vector<64x1xf32>
    %slice3A_636 = vector.extract_strided_slice %transpose3A_35 {offsets = [23, 0], sizes = [1, 64], strides = [1, 1]} : vector<51x64xf32> to vector<1x64xf32>
    %sub3A_637 = vector.broadcast %slice3A_635 : vector<64x1xf32> to vector<64x64xf32>
    %sub3A_638 = vector.broadcast %slice3A_636 : vector<1x64xf32> to vector<64x64xf32>
    %sub3A_639 = arith.subf %sub3A_637, %sub3A_638 : vector<64x64xf32>
    %sign3A_640 = tpu.bitcast %sub3A_639 : vector<64x64xf32> -> vector<64x64xi32>
    %sign3A_641 = arith.constant -2147483648 : i32
    %sign3A_642 = vector.broadcast %sign3A_641 : i32 to vector<64x64xi32>
    %sign3A_643 = arith.andi %sign3A_640, %sign3A_642 : vector<64x64xi32>
    %sign3A_644 = arith.constant 1065353216 : i32
    %sign3A_645 = vector.broadcast %sign3A_644 : i32 to vector<64x64xi32>
    %sign3A_646 = arith.ori %sign3A_645, %sign3A_643 : vector<64x64xi32>
    %sign3A_647 = tpu.bitcast %sign3A_646 : vector<64x64xi32> -> vector<64x64xf32>
    %sign3A_648 = math.absf %sub3A_639 : vector<64x64xf32>
    %sign3A_649 = arith.constant 0.000000e+00 : f32
    %sign3A_650 = vector.broadcast %sign3A_649 : f32 to vector<64x64xf32>
    %sign3A_651 = arith.cmpf ogt, %sign3A_648, %sign3A_650 : vector<64x64xf32>
    %sign3A_652 = arith.select %sign3A_651, %sign3A_647, %sub3A_639 : vector<64x64xi1>, vector<64x64xf32>
    %mul3A_653 = arith.mulf %mul3A_634, %sign3A_652 : vector<64x64xf32>
    %add3A_654 = arith.addf %add3A_628, %mul3A_653 : vector<64x64xf32>
    %eq3A_655 = vector.broadcast %slice3A_635 : vector<64x1xf32> to vector<64x64xf32>
    %eq3A_656 = vector.broadcast %slice3A_636 : vector<1x64xf32> to vector<64x64xf32>
    %eq3A_657 = arith.cmpf oeq, %eq3A_655, %eq3A_656 : vector<64x64xf32>
    %convert_element_type3A_658 = arith.extui %eq3A_657 : vector<64x64xi1> to vector<64x64xi32>
    %convert_element_type3A_659 = arith.sitofp %convert_element_type3A_658 : vector<64x64xi32> to vector<64x64xf32>
    %mul3A_660 = arith.mulf %mul3A_634, %convert_element_type3A_659 : vector<64x64xf32>
    %slice3A_661 = vector.extract_strided_slice %get3A_4 {offsets = [0, 24], sizes = [64, 1], strides = [1, 1]} : vector<64x51xf32> to vector<64x1xf32>
    %slice3A_662 = vector.extract_strided_slice %transpose3A_35 {offsets = [24, 0], sizes = [1, 64], strides = [1, 1]} : vector<51x64xf32> to vector<1x64xf32>
    %sub3A_663 = vector.broadcast %slice3A_661 : vector<64x1xf32> to vector<64x64xf32>
    %sub3A_664 = vector.broadcast %slice3A_662 : vector<1x64xf32> to vector<64x64xf32>
    %sub3A_665 = arith.subf %sub3A_663, %sub3A_664 : vector<64x64xf32>
    %sign3A_666 = tpu.bitcast %sub3A_665 : vector<64x64xf32> -> vector<64x64xi32>
    %sign3A_667 = arith.constant -2147483648 : i32
    %sign3A_668 = vector.broadcast %sign3A_667 : i32 to vector<64x64xi32>
    %sign3A_669 = arith.andi %sign3A_666, %sign3A_668 : vector<64x64xi32>
    %sign3A_670 = arith.constant 1065353216 : i32
    %sign3A_671 = vector.broadcast %sign3A_670 : i32 to vector<64x64xi32>
    %sign3A_672 = arith.ori %sign3A_671, %sign3A_669 : vector<64x64xi32>
    %sign3A_673 = tpu.bitcast %sign3A_672 : vector<64x64xi32> -> vector<64x64xf32>
    %sign3A_674 = math.absf %sub3A_665 : vector<64x64xf32>
    %sign3A_675 = arith.constant 0.000000e+00 : f32
    %sign3A_676 = vector.broadcast %sign3A_675 : f32 to vector<64x64xf32>
    %sign3A_677 = arith.cmpf ogt, %sign3A_674, %sign3A_676 : vector<64x64xf32>
    %sign3A_678 = arith.select %sign3A_677, %sign3A_673, %sub3A_665 : vector<64x64xi1>, vector<64x64xf32>
    %mul3A_679 = arith.mulf %mul3A_660, %sign3A_678 : vector<64x64xf32>
    %add3A_680 = arith.addf %add3A_654, %mul3A_679 : vector<64x64xf32>
    %eq3A_681 = vector.broadcast %slice3A_661 : vector<64x1xf32> to vector<64x64xf32>
    %eq3A_682 = vector.broadcast %slice3A_662 : vector<1x64xf32> to vector<64x64xf32>
    %eq3A_683 = arith.cmpf oeq, %eq3A_681, %eq3A_682 : vector<64x64xf32>
    %convert_element_type3A_684 = arith.extui %eq3A_683 : vector<64x64xi1> to vector<64x64xi32>
    %convert_element_type3A_685 = arith.sitofp %convert_element_type3A_684 : vector<64x64xi32> to vector<64x64xf32>
    %mul3A_686 = arith.mulf %mul3A_660, %convert_element_type3A_685 : vector<64x64xf32>
    %slice3A_687 = vector.extract_strided_slice %get3A_4 {offsets = [0, 25], sizes = [64, 1], strides = [1, 1]} : vector<64x51xf32> to vector<64x1xf32>
    %slice3A_688 = vector.extract_strided_slice %transpose3A_35 {offsets = [25, 0], sizes = [1, 64], strides = [1, 1]} : vector<51x64xf32> to vector<1x64xf32>
    %sub3A_689 = vector.broadcast %slice3A_687 : vector<64x1xf32> to vector<64x64xf32>
    %sub3A_690 = vector.broadcast %slice3A_688 : vector<1x64xf32> to vector<64x64xf32>
    %sub3A_691 = arith.subf %sub3A_689, %sub3A_690 : vector<64x64xf32>
    %sign3A_692 = tpu.bitcast %sub3A_691 : vector<64x64xf32> -> vector<64x64xi32>
    %sign3A_693 = arith.constant -2147483648 : i32
    %sign3A_694 = vector.broadcast %sign3A_693 : i32 to vector<64x64xi32>
    %sign3A_695 = arith.andi %sign3A_692, %sign3A_694 : vector<64x64xi32>
    %sign3A_696 = arith.constant 1065353216 : i32
    %sign3A_697 = vector.broadcast %sign3A_696 : i32 to vector<64x64xi32>
    %sign3A_698 = arith.ori %sign3A_697, %sign3A_695 : vector<64x64xi32>
    %sign3A_699 = tpu.bitcast %sign3A_698 : vector<64x64xi32> -> vector<64x64xf32>
    %sign3A_700 = math.absf %sub3A_691 : vector<64x64xf32>
    %sign3A_701 = arith.constant 0.000000e+00 : f32
    %sign3A_702 = vector.broadcast %sign3A_701 : f32 to vector<64x64xf32>
    %sign3A_703 = arith.cmpf ogt, %sign3A_700, %sign3A_702 : vector<64x64xf32>
    %sign3A_704 = arith.select %sign3A_703, %sign3A_699, %sub3A_691 : vector<64x64xi1>, vector<64x64xf32>
    %mul3A_705 = arith.mulf %mul3A_686, %sign3A_704 : vector<64x64xf32>
    %add3A_706 = arith.addf %add3A_680, %mul3A_705 : vector<64x64xf32>
    %eq3A_707 = vector.broadcast %slice3A_687 : vector<64x1xf32> to vector<64x64xf32>
    %eq3A_708 = vector.broadcast %slice3A_688 : vector<1x64xf32> to vector<64x64xf32>
    %eq3A_709 = arith.cmpf oeq, %eq3A_707, %eq3A_708 : vector<64x64xf32>
    %convert_element_type3A_710 = arith.extui %eq3A_709 : vector<64x64xi1> to vector<64x64xi32>
    %convert_element_type3A_711 = arith.sitofp %convert_element_type3A_710 : vector<64x64xi32> to vector<64x64xf32>
    %mul3A_712 = arith.mulf %mul3A_686, %convert_element_type3A_711 : vector<64x64xf32>
    %slice3A_713 = vector.extract_strided_slice %get3A_4 {offsets = [0, 26], sizes = [64, 1], strides = [1, 1]} : vector<64x51xf32> to vector<64x1xf32>
    %slice3A_714 = vector.extract_strided_slice %transpose3A_35 {offsets = [26, 0], sizes = [1, 64], strides = [1, 1]} : vector<51x64xf32> to vector<1x64xf32>
    %sub3A_715 = vector.broadcast %slice3A_713 : vector<64x1xf32> to vector<64x64xf32>
    %sub3A_716 = vector.broadcast %slice3A_714 : vector<1x64xf32> to vector<64x64xf32>
    %sub3A_717 = arith.subf %sub3A_715, %sub3A_716 : vector<64x64xf32>
    %sign3A_718 = tpu.bitcast %sub3A_717 : vector<64x64xf32> -> vector<64x64xi32>
    %sign3A_719 = arith.constant -2147483648 : i32
    %sign3A_720 = vector.broadcast %sign3A_719 : i32 to vector<64x64xi32>
    %sign3A_721 = arith.andi %sign3A_718, %sign3A_720 : vector<64x64xi32>
    %sign3A_722 = arith.constant 1065353216 : i32
    %sign3A_723 = vector.broadcast %sign3A_722 : i32 to vector<64x64xi32>
    %sign3A_724 = arith.ori %sign3A_723, %sign3A_721 : vector<64x64xi32>
    %sign3A_725 = tpu.bitcast %sign3A_724 : vector<64x64xi32> -> vector<64x64xf32>
    %sign3A_726 = math.absf %sub3A_717 : vector<64x64xf32>
    %sign3A_727 = arith.constant 0.000000e+00 : f32
    %sign3A_728 = vector.broadcast %sign3A_727 : f32 to vector<64x64xf32>
    %sign3A_729 = arith.cmpf ogt, %sign3A_726, %sign3A_728 : vector<64x64xf32>
    %sign3A_730 = arith.select %sign3A_729, %sign3A_725, %sub3A_717 : vector<64x64xi1>, vector<64x64xf32>
    %mul3A_731 = arith.mulf %mul3A_712, %sign3A_730 : vector<64x64xf32>
    %add3A_732 = arith.addf %add3A_706, %mul3A_731 : vector<64x64xf32>
    %eq3A_733 = vector.broadcast %slice3A_713 : vector<64x1xf32> to vector<64x64xf32>
    %eq3A_734 = vector.broadcast %slice3A_714 : vector<1x64xf32> to vector<64x64xf32>
    %eq3A_735 = arith.cmpf oeq, %eq3A_733, %eq3A_734 : vector<64x64xf32>
    %convert_element_type3A_736 = arith.extui %eq3A_735 : vector<64x64xi1> to vector<64x64xi32>
    %convert_element_type3A_737 = arith.sitofp %convert_element_type3A_736 : vector<64x64xi32> to vector<64x64xf32>
    %mul3A_738 = arith.mulf %mul3A_712, %convert_element_type3A_737 : vector<64x64xf32>
    %slice3A_739 = vector.extract_strided_slice %get3A_4 {offsets = [0, 27], sizes = [64, 1], strides = [1, 1]} : vector<64x51xf32> to vector<64x1xf32>
    %slice3A_740 = vector.extract_strided_slice %transpose3A_35 {offsets = [27, 0], sizes = [1, 64], strides = [1, 1]} : vector<51x64xf32> to vector<1x64xf32>
    %sub3A_741 = vector.broadcast %slice3A_739 : vector<64x1xf32> to vector<64x64xf32>
    %sub3A_742 = vector.broadcast %slice3A_740 : vector<1x64xf32> to vector<64x64xf32>
    %sub3A_743 = arith.subf %sub3A_741, %sub3A_742 : vector<64x64xf32>
    %sign3A_744 = tpu.bitcast %sub3A_743 : vector<64x64xf32> -> vector<64x64xi32>
    %sign3A_745 = arith.constant -2147483648 : i32
    %sign3A_746 = vector.broadcast %sign3A_745 : i32 to vector<64x64xi32>
    %sign3A_747 = arith.andi %sign3A_744, %sign3A_746 : vector<64x64xi32>
    %sign3A_748 = arith.constant 1065353216 : i32
    %sign3A_749 = vector.broadcast %sign3A_748 : i32 to vector<64x64xi32>
    %sign3A_750 = arith.ori %sign3A_749, %sign3A_747 : vector<64x64xi32>
    %sign3A_751 = tpu.bitcast %sign3A_750 : vector<64x64xi32> -> vector<64x64xf32>
    %sign3A_752 = math.absf %sub3A_743 : vector<64x64xf32>
    %sign3A_753 = arith.constant 0.000000e+00 : f32
    %sign3A_754 = vector.broadcast %sign3A_753 : f32 to vector<64x64xf32>
    %sign3A_755 = arith.cmpf ogt, %sign3A_752, %sign3A_754 : vector<64x64xf32>
    %sign3A_756 = arith.select %sign3A_755, %sign3A_751, %sub3A_743 : vector<64x64xi1>, vector<64x64xf32>
    %mul3A_757 = arith.mulf %mul3A_738, %sign3A_756 : vector<64x64xf32>
    %add3A_758 = arith.addf %add3A_732, %mul3A_757 : vector<64x64xf32>
    %eq3A_759 = vector.broadcast %slice3A_739 : vector<64x1xf32> to vector<64x64xf32>
    %eq3A_760 = vector.broadcast %slice3A_740 : vector<1x64xf32> to vector<64x64xf32>
    %eq3A_761 = arith.cmpf oeq, %eq3A_759, %eq3A_760 : vector<64x64xf32>
    %convert_element_type3A_762 = arith.extui %eq3A_761 : vector<64x64xi1> to vector<64x64xi32>
    %convert_element_type3A_763 = arith.sitofp %convert_element_type3A_762 : vector<64x64xi32> to vector<64x64xf32>
    %mul3A_764 = arith.mulf %mul3A_738, %convert_element_type3A_763 : vector<64x64xf32>
    %slice3A_765 = vector.extract_strided_slice %get3A_4 {offsets = [0, 28], sizes = [64, 1], strides = [1, 1]} : vector<64x51xf32> to vector<64x1xf32>
    %slice3A_766 = vector.extract_strided_slice %transpose3A_35 {offsets = [28, 0], sizes = [1, 64], strides = [1, 1]} : vector<51x64xf32> to vector<1x64xf32>
    %sub3A_767 = vector.broadcast %slice3A_765 : vector<64x1xf32> to vector<64x64xf32>
    %sub3A_768 = vector.broadcast %slice3A_766 : vector<1x64xf32> to vector<64x64xf32>
    %sub3A_769 = arith.subf %sub3A_767, %sub3A_768 : vector<64x64xf32>
    %sign3A_770 = tpu.bitcast %sub3A_769 : vector<64x64xf32> -> vector<64x64xi32>
    %sign3A_771 = arith.constant -2147483648 : i32
    %sign3A_772 = vector.broadcast %sign3A_771 : i32 to vector<64x64xi32>
    %sign3A_773 = arith.andi %sign3A_770, %sign3A_772 : vector<64x64xi32>
    %sign3A_774 = arith.constant 1065353216 : i32
    %sign3A_775 = vector.broadcast %sign3A_774 : i32 to vector<64x64xi32>
    %sign3A_776 = arith.ori %sign3A_775, %sign3A_773 : vector<64x64xi32>
    %sign3A_777 = tpu.bitcast %sign3A_776 : vector<64x64xi32> -> vector<64x64xf32>
    %sign3A_778 = math.absf %sub3A_769 : vector<64x64xf32>
    %sign3A_779 = arith.constant 0.000000e+00 : f32
    %sign3A_780 = vector.broadcast %sign3A_779 : f32 to vector<64x64xf32>
    %sign3A_781 = arith.cmpf ogt, %sign3A_778, %sign3A_780 : vector<64x64xf32>
    %sign3A_782 = arith.select %sign3A_781, %sign3A_777, %sub3A_769 : vector<64x64xi1>, vector<64x64xf32>
    %mul3A_783 = arith.mulf %mul3A_764, %sign3A_782 : vector<64x64xf32>
    %add3A_784 = arith.addf %add3A_758, %mul3A_783 : vector<64x64xf32>
    %eq3A_785 = vector.broadcast %slice3A_765 : vector<64x1xf32> to vector<64x64xf32>
    %eq3A_786 = vector.broadcast %slice3A_766 : vector<1x64xf32> to vector<64x64xf32>
    %eq3A_787 = arith.cmpf oeq, %eq3A_785, %eq3A_786 : vector<64x64xf32>
    %convert_element_type3A_788 = arith.extui %eq3A_787 : vector<64x64xi1> to vector<64x64xi32>
    %convert_element_type3A_789 = arith.sitofp %convert_element_type3A_788 : vector<64x64xi32> to vector<64x64xf32>
    %mul3A_790 = arith.mulf %mul3A_764, %convert_element_type3A_789 : vector<64x64xf32>
    %slice3A_791 = vector.extract_strided_slice %get3A_4 {offsets = [0, 29], sizes = [64, 1], strides = [1, 1]} : vector<64x51xf32> to vector<64x1xf32>
    %slice3A_792 = vector.extract_strided_slice %transpose3A_35 {offsets = [29, 0], sizes = [1, 64], strides = [1, 1]} : vector<51x64xf32> to vector<1x64xf32>
    %sub3A_793 = vector.broadcast %slice3A_791 : vector<64x1xf32> to vector<64x64xf32>
    %sub3A_794 = vector.broadcast %slice3A_792 : vector<1x64xf32> to vector<64x64xf32>
    %sub3A_795 = arith.subf %sub3A_793, %sub3A_794 : vector<64x64xf32>
    %sign3A_796 = tpu.bitcast %sub3A_795 : vector<64x64xf32> -> vector<64x64xi32>
    %sign3A_797 = arith.constant -2147483648 : i32
    %sign3A_798 = vector.broadcast %sign3A_797 : i32 to vector<64x64xi32>
    %sign3A_799 = arith.andi %sign3A_796, %sign3A_798 : vector<64x64xi32>
    %sign3A_800 = arith.constant 1065353216 : i32
    %sign3A_801 = vector.broadcast %sign3A_800 : i32 to vector<64x64xi32>
    %sign3A_802 = arith.ori %sign3A_801, %sign3A_799 : vector<64x64xi32>
    %sign3A_803 = tpu.bitcast %sign3A_802 : vector<64x64xi32> -> vector<64x64xf32>
    %sign3A_804 = math.absf %sub3A_795 : vector<64x64xf32>
    %sign3A_805 = arith.constant 0.000000e+00 : f32
    %sign3A_806 = vector.broadcast %sign3A_805 : f32 to vector<64x64xf32>
    %sign3A_807 = arith.cmpf ogt, %sign3A_804, %sign3A_806 : vector<64x64xf32>
    %sign3A_808 = arith.select %sign3A_807, %sign3A_803, %sub3A_795 : vector<64x64xi1>, vector<64x64xf32>
    %mul3A_809 = arith.mulf %mul3A_790, %sign3A_808 : vector<64x64xf32>
    %add3A_810 = arith.addf %add3A_784, %mul3A_809 : vector<64x64xf32>
    %eq3A_811 = vector.broadcast %slice3A_791 : vector<64x1xf32> to vector<64x64xf32>
    %eq3A_812 = vector.broadcast %slice3A_792 : vector<1x64xf32> to vector<64x64xf32>
    %eq3A_813 = arith.cmpf oeq, %eq3A_811, %eq3A_812 : vector<64x64xf32>
    %convert_element_type3A_814 = arith.extui %eq3A_813 : vector<64x64xi1> to vector<64x64xi32>
    %convert_element_type3A_815 = arith.sitofp %convert_element_type3A_814 : vector<64x64xi32> to vector<64x64xf32>
    %mul3A_816 = arith.mulf %mul3A_790, %convert_element_type3A_815 : vector<64x64xf32>
    %slice3A_817 = vector.extract_strided_slice %get3A_4 {offsets = [0, 30], sizes = [64, 1], strides = [1, 1]} : vector<64x51xf32> to vector<64x1xf32>
    %slice3A_818 = vector.extract_strided_slice %transpose3A_35 {offsets = [30, 0], sizes = [1, 64], strides = [1, 1]} : vector<51x64xf32> to vector<1x64xf32>
    %sub3A_819 = vector.broadcast %slice3A_817 : vector<64x1xf32> to vector<64x64xf32>
    %sub3A_820 = vector.broadcast %slice3A_818 : vector<1x64xf32> to vector<64x64xf32>
    %sub3A_821 = arith.subf %sub3A_819, %sub3A_820 : vector<64x64xf32>
    %sign3A_822 = tpu.bitcast %sub3A_821 : vector<64x64xf32> -> vector<64x64xi32>
    %sign3A_823 = arith.constant -2147483648 : i32
    %sign3A_824 = vector.broadcast %sign3A_823 : i32 to vector<64x64xi32>
    %sign3A_825 = arith.andi %sign3A_822, %sign3A_824 : vector<64x64xi32>
    %sign3A_826 = arith.constant 1065353216 : i32
    %sign3A_827 = vector.broadcast %sign3A_826 : i32 to vector<64x64xi32>
    %sign3A_828 = arith.ori %sign3A_827, %sign3A_825 : vector<64x64xi32>
    %sign3A_829 = tpu.bitcast %sign3A_828 : vector<64x64xi32> -> vector<64x64xf32>
    %sign3A_830 = math.absf %sub3A_821 : vector<64x64xf32>
    %sign3A_831 = arith.constant 0.000000e+00 : f32
    %sign3A_832 = vector.broadcast %sign3A_831 : f32 to vector<64x64xf32>
    %sign3A_833 = arith.cmpf ogt, %sign3A_830, %sign3A_832 : vector<64x64xf32>
    %sign3A_834 = arith.select %sign3A_833, %sign3A_829, %sub3A_821 : vector<64x64xi1>, vector<64x64xf32>
    %mul3A_835 = arith.mulf %mul3A_816, %sign3A_834 : vector<64x64xf32>
    %add3A_836 = arith.addf %add3A_810, %mul3A_835 : vector<64x64xf32>
    %eq3A_837 = vector.broadcast %slice3A_817 : vector<64x1xf32> to vector<64x64xf32>
    %eq3A_838 = vector.broadcast %slice3A_818 : vector<1x64xf32> to vector<64x64xf32>
    %eq3A_839 = arith.cmpf oeq, %eq3A_837, %eq3A_838 : vector<64x64xf32>
    %convert_element_type3A_840 = arith.extui %eq3A_839 : vector<64x64xi1> to vector<64x64xi32>
    %convert_element_type3A_841 = arith.sitofp %convert_element_type3A_840 : vector<64x64xi32> to vector<64x64xf32>
    %mul3A_842 = arith.mulf %mul3A_816, %convert_element_type3A_841 : vector<64x64xf32>
    %slice3A_843 = vector.extract_strided_slice %get3A_4 {offsets = [0, 31], sizes = [64, 1], strides = [1, 1]} : vector<64x51xf32> to vector<64x1xf32>
    %slice3A_844 = vector.extract_strided_slice %transpose3A_35 {offsets = [31, 0], sizes = [1, 64], strides = [1, 1]} : vector<51x64xf32> to vector<1x64xf32>
    %sub3A_845 = vector.broadcast %slice3A_843 : vector<64x1xf32> to vector<64x64xf32>
    %sub3A_846 = vector.broadcast %slice3A_844 : vector<1x64xf32> to vector<64x64xf32>
    %sub3A_847 = arith.subf %sub3A_845, %sub3A_846 : vector<64x64xf32>
    %sign3A_848 = tpu.bitcast %sub3A_847 : vector<64x64xf32> -> vector<64x64xi32>
    %sign3A_849 = arith.constant -2147483648 : i32
    %sign3A_850 = vector.broadcast %sign3A_849 : i32 to vector<64x64xi32>
    %sign3A_851 = arith.andi %sign3A_848, %sign3A_850 : vector<64x64xi32>
    %sign3A_852 = arith.constant 1065353216 : i32
    %sign3A_853 = vector.broadcast %sign3A_852 : i32 to vector<64x64xi32>
    %sign3A_854 = arith.ori %sign3A_853, %sign3A_851 : vector<64x64xi32>
    %sign3A_855 = tpu.bitcast %sign3A_854 : vector<64x64xi32> -> vector<64x64xf32>
    %sign3A_856 = math.absf %sub3A_847 : vector<64x64xf32>
    %sign3A_857 = arith.constant 0.000000e+00 : f32
    %sign3A_858 = vector.broadcast %sign3A_857 : f32 to vector<64x64xf32>
    %sign3A_859 = arith.cmpf ogt, %sign3A_856, %sign3A_858 : vector<64x64xf32>
    %sign3A_860 = arith.select %sign3A_859, %sign3A_855, %sub3A_847 : vector<64x64xi1>, vector<64x64xf32>
    %mul3A_861 = arith.mulf %mul3A_842, %sign3A_860 : vector<64x64xf32>
    %add3A_862 = arith.addf %add3A_836, %mul3A_861 : vector<64x64xf32>
    %eq3A_863 = vector.broadcast %slice3A_843 : vector<64x1xf32> to vector<64x64xf32>
    %eq3A_864 = vector.broadcast %slice3A_844 : vector<1x64xf32> to vector<64x64xf32>
    %eq3A_865 = arith.cmpf oeq, %eq3A_863, %eq3A_864 : vector<64x64xf32>
    %convert_element_type3A_866 = arith.extui %eq3A_865 : vector<64x64xi1> to vector<64x64xi32>
    %convert_element_type3A_867 = arith.sitofp %convert_element_type3A_866 : vector<64x64xi32> to vector<64x64xf32>
    %mul3A_868 = arith.mulf %mul3A_842, %convert_element_type3A_867 : vector<64x64xf32>
    %slice3A_869 = vector.extract_strided_slice %get3A_4 {offsets = [0, 32], sizes = [64, 1], strides = [1, 1]} : vector<64x51xf32> to vector<64x1xf32>
    %slice3A_870 = vector.extract_strided_slice %transpose3A_35 {offsets = [32, 0], sizes = [1, 64], strides = [1, 1]} : vector<51x64xf32> to vector<1x64xf32>
    %sub3A_871 = vector.broadcast %slice3A_869 : vector<64x1xf32> to vector<64x64xf32>
    %sub3A_872 = vector.broadcast %slice3A_870 : vector<1x64xf32> to vector<64x64xf32>
    %sub3A_873 = arith.subf %sub3A_871, %sub3A_872 : vector<64x64xf32>
    %sign3A_874 = tpu.bitcast %sub3A_873 : vector<64x64xf32> -> vector<64x64xi32>
    %sign3A_875 = arith.constant -2147483648 : i32
    %sign3A_876 = vector.broadcast %sign3A_875 : i32 to vector<64x64xi32>
    %sign3A_877 = arith.andi %sign3A_874, %sign3A_876 : vector<64x64xi32>
    %sign3A_878 = arith.constant 1065353216 : i32
    %sign3A_879 = vector.broadcast %sign3A_878 : i32 to vector<64x64xi32>
    %sign3A_880 = arith.ori %sign3A_879, %sign3A_877 : vector<64x64xi32>
    %sign3A_881 = tpu.bitcast %sign3A_880 : vector<64x64xi32> -> vector<64x64xf32>
    %sign3A_882 = math.absf %sub3A_873 : vector<64x64xf32>
    %sign3A_883 = arith.constant 0.000000e+00 : f32
    %sign3A_884 = vector.broadcast %sign3A_883 : f32 to vector<64x64xf32>
    %sign3A_885 = arith.cmpf ogt, %sign3A_882, %sign3A_884 : vector<64x64xf32>
    %sign3A_886 = arith.select %sign3A_885, %sign3A_881, %sub3A_873 : vector<64x64xi1>, vector<64x64xf32>
    %mul3A_887 = arith.mulf %mul3A_868, %sign3A_886 : vector<64x64xf32>
    %add3A_888 = arith.addf %add3A_862, %mul3A_887 : vector<64x64xf32>
    %eq3A_889 = vector.broadcast %slice3A_869 : vector<64x1xf32> to vector<64x64xf32>
    %eq3A_890 = vector.broadcast %slice3A_870 : vector<1x64xf32> to vector<64x64xf32>
    %eq3A_891 = arith.cmpf oeq, %eq3A_889, %eq3A_890 : vector<64x64xf32>
    %convert_element_type3A_892 = arith.extui %eq3A_891 : vector<64x64xi1> to vector<64x64xi32>
    %convert_element_type3A_893 = arith.sitofp %convert_element_type3A_892 : vector<64x64xi32> to vector<64x64xf32>
    %mul3A_894 = arith.mulf %mul3A_868, %convert_element_type3A_893 : vector<64x64xf32>
    %slice3A_895 = vector.extract_strided_slice %get3A_4 {offsets = [0, 33], sizes = [64, 1], strides = [1, 1]} : vector<64x51xf32> to vector<64x1xf32>
    %slice3A_896 = vector.extract_strided_slice %transpose3A_35 {offsets = [33, 0], sizes = [1, 64], strides = [1, 1]} : vector<51x64xf32> to vector<1x64xf32>
    %sub3A_897 = vector.broadcast %slice3A_895 : vector<64x1xf32> to vector<64x64xf32>
    %sub3A_898 = vector.broadcast %slice3A_896 : vector<1x64xf32> to vector<64x64xf32>
    %sub3A_899 = arith.subf %sub3A_897, %sub3A_898 : vector<64x64xf32>
    %sign3A_900 = tpu.bitcast %sub3A_899 : vector<64x64xf32> -> vector<64x64xi32>
    %sign3A_901 = arith.constant -2147483648 : i32
    %sign3A_902 = vector.broadcast %sign3A_901 : i32 to vector<64x64xi32>
    %sign3A_903 = arith.andi %sign3A_900, %sign3A_902 : vector<64x64xi32>
    %sign3A_904 = arith.constant 1065353216 : i32
    %sign3A_905 = vector.broadcast %sign3A_904 : i32 to vector<64x64xi32>
    %sign3A_906 = arith.ori %sign3A_905, %sign3A_903 : vector<64x64xi32>
    %sign3A_907 = tpu.bitcast %sign3A_906 : vector<64x64xi32> -> vector<64x64xf32>
    %sign3A_908 = math.absf %sub3A_899 : vector<64x64xf32>
    %sign3A_909 = arith.constant 0.000000e+00 : f32
    %sign3A_910 = vector.broadcast %sign3A_909 : f32 to vector<64x64xf32>
    %sign3A_911 = arith.cmpf ogt, %sign3A_908, %sign3A_910 : vector<64x64xf32>
    %sign3A_912 = arith.select %sign3A_911, %sign3A_907, %sub3A_899 : vector<64x64xi1>, vector<64x64xf32>
    %mul3A_913 = arith.mulf %mul3A_894, %sign3A_912 : vector<64x64xf32>
    %add3A_914 = arith.addf %add3A_888, %mul3A_913 : vector<64x64xf32>
    %eq3A_915 = vector.broadcast %slice3A_895 : vector<64x1xf32> to vector<64x64xf32>
    %eq3A_916 = vector.broadcast %slice3A_896 : vector<1x64xf32> to vector<64x64xf32>
    %eq3A_917 = arith.cmpf oeq, %eq3A_915, %eq3A_916 : vector<64x64xf32>
    %convert_element_type3A_918 = arith.extui %eq3A_917 : vector<64x64xi1> to vector<64x64xi32>
    %convert_element_type3A_919 = arith.sitofp %convert_element_type3A_918 : vector<64x64xi32> to vector<64x64xf32>
    %mul3A_920 = arith.mulf %mul3A_894, %convert_element_type3A_919 : vector<64x64xf32>
    %slice3A_921 = vector.extract_strided_slice %get3A_4 {offsets = [0, 34], sizes = [64, 1], strides = [1, 1]} : vector<64x51xf32> to vector<64x1xf32>
    %slice3A_922 = vector.extract_strided_slice %transpose3A_35 {offsets = [34, 0], sizes = [1, 64], strides = [1, 1]} : vector<51x64xf32> to vector<1x64xf32>
    %sub3A_923 = vector.broadcast %slice3A_921 : vector<64x1xf32> to vector<64x64xf32>
    %sub3A_924 = vector.broadcast %slice3A_922 : vector<1x64xf32> to vector<64x64xf32>
    %sub3A_925 = arith.subf %sub3A_923, %sub3A_924 : vector<64x64xf32>
    %sign3A_926 = tpu.bitcast %sub3A_925 : vector<64x64xf32> -> vector<64x64xi32>
    %sign3A_927 = arith.constant -2147483648 : i32
    %sign3A_928 = vector.broadcast %sign3A_927 : i32 to vector<64x64xi32>
    %sign3A_929 = arith.andi %sign3A_926, %sign3A_928 : vector<64x64xi32>
    %sign3A_930 = arith.constant 1065353216 : i32
    %sign3A_931 = vector.broadcast %sign3A_930 : i32 to vector<64x64xi32>
    %sign3A_932 = arith.ori %sign3A_931, %sign3A_929 : vector<64x64xi32>
    %sign3A_933 = tpu.bitcast %sign3A_932 : vector<64x64xi32> -> vector<64x64xf32>
    %sign3A_934 = math.absf %sub3A_925 : vector<64x64xf32>
    %sign3A_935 = arith.constant 0.000000e+00 : f32
    %sign3A_936 = vector.broadcast %sign3A_935 : f32 to vector<64x64xf32>
    %sign3A_937 = arith.cmpf ogt, %sign3A_934, %sign3A_936 : vector<64x64xf32>
    %sign3A_938 = arith.select %sign3A_937, %sign3A_933, %sub3A_925 : vector<64x64xi1>, vector<64x64xf32>
    %mul3A_939 = arith.mulf %mul3A_920, %sign3A_938 : vector<64x64xf32>
    %add3A_940 = arith.addf %add3A_914, %mul3A_939 : vector<64x64xf32>
    %eq3A_941 = vector.broadcast %slice3A_921 : vector<64x1xf32> to vector<64x64xf32>
    %eq3A_942 = vector.broadcast %slice3A_922 : vector<1x64xf32> to vector<64x64xf32>
    %eq3A_943 = arith.cmpf oeq, %eq3A_941, %eq3A_942 : vector<64x64xf32>
    %convert_element_type3A_944 = arith.extui %eq3A_943 : vector<64x64xi1> to vector<64x64xi32>
    %convert_element_type3A_945 = arith.sitofp %convert_element_type3A_944 : vector<64x64xi32> to vector<64x64xf32>
    %mul3A_946 = arith.mulf %mul3A_920, %convert_element_type3A_945 : vector<64x64xf32>
    %slice3A_947 = vector.extract_strided_slice %get3A_4 {offsets = [0, 35], sizes = [64, 1], strides = [1, 1]} : vector<64x51xf32> to vector<64x1xf32>
    %slice3A_948 = vector.extract_strided_slice %transpose3A_35 {offsets = [35, 0], sizes = [1, 64], strides = [1, 1]} : vector<51x64xf32> to vector<1x64xf32>
    %sub3A_949 = vector.broadcast %slice3A_947 : vector<64x1xf32> to vector<64x64xf32>
    %sub3A_950 = vector.broadcast %slice3A_948 : vector<1x64xf32> to vector<64x64xf32>
    %sub3A_951 = arith.subf %sub3A_949, %sub3A_950 : vector<64x64xf32>
    %sign3A_952 = tpu.bitcast %sub3A_951 : vector<64x64xf32> -> vector<64x64xi32>
    %sign3A_953 = arith.constant -2147483648 : i32
    %sign3A_954 = vector.broadcast %sign3A_953 : i32 to vector<64x64xi32>
    %sign3A_955 = arith.andi %sign3A_952, %sign3A_954 : vector<64x64xi32>
    %sign3A_956 = arith.constant 1065353216 : i32
    %sign3A_957 = vector.broadcast %sign3A_956 : i32 to vector<64x64xi32>
    %sign3A_958 = arith.ori %sign3A_957, %sign3A_955 : vector<64x64xi32>
    %sign3A_959 = tpu.bitcast %sign3A_958 : vector<64x64xi32> -> vector<64x64xf32>
    %sign3A_960 = math.absf %sub3A_951 : vector<64x64xf32>
    %sign3A_961 = arith.constant 0.000000e+00 : f32
    %sign3A_962 = vector.broadcast %sign3A_961 : f32 to vector<64x64xf32>
    %sign3A_963 = arith.cmpf ogt, %sign3A_960, %sign3A_962 : vector<64x64xf32>
    %sign3A_964 = arith.select %sign3A_963, %sign3A_959, %sub3A_951 : vector<64x64xi1>, vector<64x64xf32>
    %mul3A_965 = arith.mulf %mul3A_946, %sign3A_964 : vector<64x64xf32>
    %add3A_966 = arith.addf %add3A_940, %mul3A_965 : vector<64x64xf32>
    %eq3A_967 = vector.broadcast %slice3A_947 : vector<64x1xf32> to vector<64x64xf32>
    %eq3A_968 = vector.broadcast %slice3A_948 : vector<1x64xf32> to vector<64x64xf32>
    %eq3A_969 = arith.cmpf oeq, %eq3A_967, %eq3A_968 : vector<64x64xf32>
    %convert_element_type3A_970 = arith.extui %eq3A_969 : vector<64x64xi1> to vector<64x64xi32>
    %convert_element_type3A_971 = arith.sitofp %convert_element_type3A_970 : vector<64x64xi32> to vector<64x64xf32>
    %mul3A_972 = arith.mulf %mul3A_946, %convert_element_type3A_971 : vector<64x64xf32>
    %slice3A_973 = vector.extract_strided_slice %get3A_4 {offsets = [0, 36], sizes = [64, 1], strides = [1, 1]} : vector<64x51xf32> to vector<64x1xf32>
    %slice3A_974 = vector.extract_strided_slice %transpose3A_35 {offsets = [36, 0], sizes = [1, 64], strides = [1, 1]} : vector<51x64xf32> to vector<1x64xf32>
    %sub3A_975 = vector.broadcast %slice3A_973 : vector<64x1xf32> to vector<64x64xf32>
    %sub3A_976 = vector.broadcast %slice3A_974 : vector<1x64xf32> to vector<64x64xf32>
    %sub3A_977 = arith.subf %sub3A_975, %sub3A_976 : vector<64x64xf32>
    %sign3A_978 = tpu.bitcast %sub3A_977 : vector<64x64xf32> -> vector<64x64xi32>
    %sign3A_979 = arith.constant -2147483648 : i32
    %sign3A_980 = vector.broadcast %sign3A_979 : i32 to vector<64x64xi32>
    %sign3A_981 = arith.andi %sign3A_978, %sign3A_980 : vector<64x64xi32>
    %sign3A_982 = arith.constant 1065353216 : i32
    %sign3A_983 = vector.broadcast %sign3A_982 : i32 to vector<64x64xi32>
    %sign3A_984 = arith.ori %sign3A_983, %sign3A_981 : vector<64x64xi32>
    %sign3A_985 = tpu.bitcast %sign3A_984 : vector<64x64xi32> -> vector<64x64xf32>
    %sign3A_986 = math.absf %sub3A_977 : vector<64x64xf32>
    %sign3A_987 = arith.constant 0.000000e+00 : f32
    %sign3A_988 = vector.broadcast %sign3A_987 : f32 to vector<64x64xf32>
    %sign3A_989 = arith.cmpf ogt, %sign3A_986, %sign3A_988 : vector<64x64xf32>
    %sign3A_990 = arith.select %sign3A_989, %sign3A_985, %sub3A_977 : vector<64x64xi1>, vector<64x64xf32>
    %mul3A_991 = arith.mulf %mul3A_972, %sign3A_990 : vector<64x64xf32>
    %add3A_992 = arith.addf %add3A_966, %mul3A_991 : vector<64x64xf32>
    %eq3A_993 = vector.broadcast %slice3A_973 : vector<64x1xf32> to vector<64x64xf32>
    %eq3A_994 = vector.broadcast %slice3A_974 : vector<1x64xf32> to vector<64x64xf32>
    %eq3A_995 = arith.cmpf oeq, %eq3A_993, %eq3A_994 : vector<64x64xf32>
    %convert_element_type3A_996 = arith.extui %eq3A_995 : vector<64x64xi1> to vector<64x64xi32>
    %convert_element_type3A_997 = arith.sitofp %convert_element_type3A_996 : vector<64x64xi32> to vector<64x64xf32>
    %mul3A_998 = arith.mulf %mul3A_972, %convert_element_type3A_997 : vector<64x64xf32>
    %slice3A_999 = vector.extract_strided_slice %get3A_4 {offsets = [0, 37], sizes = [64, 1], strides = [1, 1]} : vector<64x51xf32> to vector<64x1xf32>
    %slice3A_1000 = vector.extract_strided_slice %transpose3A_35 {offsets = [37, 0], sizes = [1, 64], strides = [1, 1]} : vector<51x64xf32> to vector<1x64xf32>
    %sub3A_1001 = vector.broadcast %slice3A_999 : vector<64x1xf32> to vector<64x64xf32>
    %sub3A_1002 = vector.broadcast %slice3A_1000 : vector<1x64xf32> to vector<64x64xf32>
    %sub3A_1003 = arith.subf %sub3A_1001, %sub3A_1002 : vector<64x64xf32>
    %sign3A_1004 = tpu.bitcast %sub3A_1003 : vector<64x64xf32> -> vector<64x64xi32>
    %sign3A_1005 = arith.constant -2147483648 : i32
    %sign3A_1006 = vector.broadcast %sign3A_1005 : i32 to vector<64x64xi32>
    %sign3A_1007 = arith.andi %sign3A_1004, %sign3A_1006 : vector<64x64xi32>
    %sign3A_1008 = arith.constant 1065353216 : i32
    %sign3A_1009 = vector.broadcast %sign3A_1008 : i32 to vector<64x64xi32>
    %sign3A_1010 = arith.ori %sign3A_1009, %sign3A_1007 : vector<64x64xi32>
    %sign3A_1011 = tpu.bitcast %sign3A_1010 : vector<64x64xi32> -> vector<64x64xf32>
    %sign3A_1012 = math.absf %sub3A_1003 : vector<64x64xf32>
    %sign3A_1013 = arith.constant 0.000000e+00 : f32
    %sign3A_1014 = vector.broadcast %sign3A_1013 : f32 to vector<64x64xf32>
    %sign3A_1015 = arith.cmpf ogt, %sign3A_1012, %sign3A_1014 : vector<64x64xf32>
    %sign3A_1016 = arith.select %sign3A_1015, %sign3A_1011, %sub3A_1003 : vector<64x64xi1>, vector<64x64xf32>
    %mul3A_1017 = arith.mulf %mul3A_998, %sign3A_1016 : vector<64x64xf32>
    %add3A_1018 = arith.addf %add3A_992, %mul3A_1017 : vector<64x64xf32>
    %eq3A_1019 = vector.broadcast %slice3A_999 : vector<64x1xf32> to vector<64x64xf32>
    %eq3A_1020 = vector.broadcast %slice3A_1000 : vector<1x64xf32> to vector<64x64xf32>
    %eq3A_1021 = arith.cmpf oeq, %eq3A_1019, %eq3A_1020 : vector<64x64xf32>
    %convert_element_type3A_1022 = arith.extui %eq3A_1021 : vector<64x64xi1> to vector<64x64xi32>
    %convert_element_type3A_1023 = arith.sitofp %convert_element_type3A_1022 : vector<64x64xi32> to vector<64x64xf32>
    %mul3A_1024 = arith.mulf %mul3A_998, %convert_element_type3A_1023 : vector<64x64xf32>
    %slice3A_1025 = vector.extract_strided_slice %get3A_4 {offsets = [0, 38], sizes = [64, 1], strides = [1, 1]} : vector<64x51xf32> to vector<64x1xf32>
    %slice3A_1026 = vector.extract_strided_slice %transpose3A_35 {offsets = [38, 0], sizes = [1, 64], strides = [1, 1]} : vector<51x64xf32> to vector<1x64xf32>
    %sub3A_1027 = vector.broadcast %slice3A_1025 : vector<64x1xf32> to vector<64x64xf32>
    %sub3A_1028 = vector.broadcast %slice3A_1026 : vector<1x64xf32> to vector<64x64xf32>
    %sub3A_1029 = arith.subf %sub3A_1027, %sub3A_1028 : vector<64x64xf32>
    %sign3A_1030 = tpu.bitcast %sub3A_1029 : vector<64x64xf32> -> vector<64x64xi32>
    %sign3A_1031 = arith.constant -2147483648 : i32
    %sign3A_1032 = vector.broadcast %sign3A_1031 : i32 to vector<64x64xi32>
    %sign3A_1033 = arith.andi %sign3A_1030, %sign3A_1032 : vector<64x64xi32>
    %sign3A_1034 = arith.constant 1065353216 : i32
    %sign3A_1035 = vector.broadcast %sign3A_1034 : i32 to vector<64x64xi32>
    %sign3A_1036 = arith.ori %sign3A_1035, %sign3A_1033 : vector<64x64xi32>
    %sign3A_1037 = tpu.bitcast %sign3A_1036 : vector<64x64xi32> -> vector<64x64xf32>
    %sign3A_1038 = math.absf %sub3A_1029 : vector<64x64xf32>
    %sign3A_1039 = arith.constant 0.000000e+00 : f32
    %sign3A_1040 = vector.broadcast %sign3A_1039 : f32 to vector<64x64xf32>
    %sign3A_1041 = arith.cmpf ogt, %sign3A_1038, %sign3A_1040 : vector<64x64xf32>
    %sign3A_1042 = arith.select %sign3A_1041, %sign3A_1037, %sub3A_1029 : vector<64x64xi1>, vector<64x64xf32>
    %mul3A_1043 = arith.mulf %mul3A_1024, %sign3A_1042 : vector<64x64xf32>
    %add3A_1044 = arith.addf %add3A_1018, %mul3A_1043 : vector<64x64xf32>
    %eq3A_1045 = vector.broadcast %slice3A_1025 : vector<64x1xf32> to vector<64x64xf32>
    %eq3A_1046 = vector.broadcast %slice3A_1026 : vector<1x64xf32> to vector<64x64xf32>
    %eq3A_1047 = arith.cmpf oeq, %eq3A_1045, %eq3A_1046 : vector<64x64xf32>
    %convert_element_type3A_1048 = arith.extui %eq3A_1047 : vector<64x64xi1> to vector<64x64xi32>
    %convert_element_type3A_1049 = arith.sitofp %convert_element_type3A_1048 : vector<64x64xi32> to vector<64x64xf32>
    %mul3A_1050 = arith.mulf %mul3A_1024, %convert_element_type3A_1049 : vector<64x64xf32>
    %slice3A_1051 = vector.extract_strided_slice %get3A_4 {offsets = [0, 39], sizes = [64, 1], strides = [1, 1]} : vector<64x51xf32> to vector<64x1xf32>
    %slice3A_1052 = vector.extract_strided_slice %transpose3A_35 {offsets = [39, 0], sizes = [1, 64], strides = [1, 1]} : vector<51x64xf32> to vector<1x64xf32>
    %sub3A_1053 = vector.broadcast %slice3A_1051 : vector<64x1xf32> to vector<64x64xf32>
    %sub3A_1054 = vector.broadcast %slice3A_1052 : vector<1x64xf32> to vector<64x64xf32>
    %sub3A_1055 = arith.subf %sub3A_1053, %sub3A_1054 : vector<64x64xf32>
    %sign3A_1056 = tpu.bitcast %sub3A_1055 : vector<64x64xf32> -> vector<64x64xi32>
    %sign3A_1057 = arith.constant -2147483648 : i32
    %sign3A_1058 = vector.broadcast %sign3A_1057 : i32 to vector<64x64xi32>
    %sign3A_1059 = arith.andi %sign3A_1056, %sign3A_1058 : vector<64x64xi32>
    %sign3A_1060 = arith.constant 1065353216 : i32
    %sign3A_1061 = vector.broadcast %sign3A_1060 : i32 to vector<64x64xi32>
    %sign3A_1062 = arith.ori %sign3A_1061, %sign3A_1059 : vector<64x64xi32>
    %sign3A_1063 = tpu.bitcast %sign3A_1062 : vector<64x64xi32> -> vector<64x64xf32>
    %sign3A_1064 = math.absf %sub3A_1055 : vector<64x64xf32>
    %sign3A_1065 = arith.constant 0.000000e+00 : f32
    %sign3A_1066 = vector.broadcast %sign3A_1065 : f32 to vector<64x64xf32>
    %sign3A_1067 = arith.cmpf ogt, %sign3A_1064, %sign3A_1066 : vector<64x64xf32>
    %sign3A_1068 = arith.select %sign3A_1067, %sign3A_1063, %sub3A_1055 : vector<64x64xi1>, vector<64x64xf32>
    %mul3A_1069 = arith.mulf %mul3A_1050, %sign3A_1068 : vector<64x64xf32>
    %add3A_1070 = arith.addf %add3A_1044, %mul3A_1069 : vector<64x64xf32>
    %eq3A_1071 = vector.broadcast %slice3A_1051 : vector<64x1xf32> to vector<64x64xf32>
    %eq3A_1072 = vector.broadcast %slice3A_1052 : vector<1x64xf32> to vector<64x64xf32>
    %eq3A_1073 = arith.cmpf oeq, %eq3A_1071, %eq3A_1072 : vector<64x64xf32>
    %convert_element_type3A_1074 = arith.extui %eq3A_1073 : vector<64x64xi1> to vector<64x64xi32>
    %convert_element_type3A_1075 = arith.sitofp %convert_element_type3A_1074 : vector<64x64xi32> to vector<64x64xf32>
    %mul3A_1076 = arith.mulf %mul3A_1050, %convert_element_type3A_1075 : vector<64x64xf32>
    %slice3A_1077 = vector.extract_strided_slice %get3A_4 {offsets = [0, 40], sizes = [64, 1], strides = [1, 1]} : vector<64x51xf32> to vector<64x1xf32>
    %slice3A_1078 = vector.extract_strided_slice %transpose3A_35 {offsets = [40, 0], sizes = [1, 64], strides = [1, 1]} : vector<51x64xf32> to vector<1x64xf32>
    %sub3A_1079 = vector.broadcast %slice3A_1077 : vector<64x1xf32> to vector<64x64xf32>
    %sub3A_1080 = vector.broadcast %slice3A_1078 : vector<1x64xf32> to vector<64x64xf32>
    %sub3A_1081 = arith.subf %sub3A_1079, %sub3A_1080 : vector<64x64xf32>
    %sign3A_1082 = tpu.bitcast %sub3A_1081 : vector<64x64xf32> -> vector<64x64xi32>
    %sign3A_1083 = arith.constant -2147483648 : i32
    %sign3A_1084 = vector.broadcast %sign3A_1083 : i32 to vector<64x64xi32>
    %sign3A_1085 = arith.andi %sign3A_1082, %sign3A_1084 : vector<64x64xi32>
    %sign3A_1086 = arith.constant 1065353216 : i32
    %sign3A_1087 = vector.broadcast %sign3A_1086 : i32 to vector<64x64xi32>
    %sign3A_1088 = arith.ori %sign3A_1087, %sign3A_1085 : vector<64x64xi32>
    %sign3A_1089 = tpu.bitcast %sign3A_1088 : vector<64x64xi32> -> vector<64x64xf32>
    %sign3A_1090 = math.absf %sub3A_1081 : vector<64x64xf32>
    %sign3A_1091 = arith.constant 0.000000e+00 : f32
    %sign3A_1092 = vector.broadcast %sign3A_1091 : f32 to vector<64x64xf32>
    %sign3A_1093 = arith.cmpf ogt, %sign3A_1090, %sign3A_1092 : vector<64x64xf32>
    %sign3A_1094 = arith.select %sign3A_1093, %sign3A_1089, %sub3A_1081 : vector<64x64xi1>, vector<64x64xf32>
    %mul3A_1095 = arith.mulf %mul3A_1076, %sign3A_1094 : vector<64x64xf32>
    %add3A_1096 = arith.addf %add3A_1070, %mul3A_1095 : vector<64x64xf32>
    %eq3A_1097 = vector.broadcast %slice3A_1077 : vector<64x1xf32> to vector<64x64xf32>
    %eq3A_1098 = vector.broadcast %slice3A_1078 : vector<1x64xf32> to vector<64x64xf32>
    %eq3A_1099 = arith.cmpf oeq, %eq3A_1097, %eq3A_1098 : vector<64x64xf32>
    %convert_element_type3A_1100 = arith.extui %eq3A_1099 : vector<64x64xi1> to vector<64x64xi32>
    %convert_element_type3A_1101 = arith.sitofp %convert_element_type3A_1100 : vector<64x64xi32> to vector<64x64xf32>
    %mul3A_1102 = arith.mulf %mul3A_1076, %convert_element_type3A_1101 : vector<64x64xf32>
    %slice3A_1103 = vector.extract_strided_slice %get3A_4 {offsets = [0, 41], sizes = [64, 1], strides = [1, 1]} : vector<64x51xf32> to vector<64x1xf32>
    %slice3A_1104 = vector.extract_strided_slice %transpose3A_35 {offsets = [41, 0], sizes = [1, 64], strides = [1, 1]} : vector<51x64xf32> to vector<1x64xf32>
    %sub3A_1105 = vector.broadcast %slice3A_1103 : vector<64x1xf32> to vector<64x64xf32>
    %sub3A_1106 = vector.broadcast %slice3A_1104 : vector<1x64xf32> to vector<64x64xf32>
    %sub3A_1107 = arith.subf %sub3A_1105, %sub3A_1106 : vector<64x64xf32>
    %sign3A_1108 = tpu.bitcast %sub3A_1107 : vector<64x64xf32> -> vector<64x64xi32>
    %sign3A_1109 = arith.constant -2147483648 : i32
    %sign3A_1110 = vector.broadcast %sign3A_1109 : i32 to vector<64x64xi32>
    %sign3A_1111 = arith.andi %sign3A_1108, %sign3A_1110 : vector<64x64xi32>
    %sign3A_1112 = arith.constant 1065353216 : i32
    %sign3A_1113 = vector.broadcast %sign3A_1112 : i32 to vector<64x64xi32>
    %sign3A_1114 = arith.ori %sign3A_1113, %sign3A_1111 : vector<64x64xi32>
    %sign3A_1115 = tpu.bitcast %sign3A_1114 : vector<64x64xi32> -> vector<64x64xf32>
    %sign3A_1116 = math.absf %sub3A_1107 : vector<64x64xf32>
    %sign3A_1117 = arith.constant 0.000000e+00 : f32
    %sign3A_1118 = vector.broadcast %sign3A_1117 : f32 to vector<64x64xf32>
    %sign3A_1119 = arith.cmpf ogt, %sign3A_1116, %sign3A_1118 : vector<64x64xf32>
    %sign3A_1120 = arith.select %sign3A_1119, %sign3A_1115, %sub3A_1107 : vector<64x64xi1>, vector<64x64xf32>
    %mul3A_1121 = arith.mulf %mul3A_1102, %sign3A_1120 : vector<64x64xf32>
    %add3A_1122 = arith.addf %add3A_1096, %mul3A_1121 : vector<64x64xf32>
    %eq3A_1123 = vector.broadcast %slice3A_1103 : vector<64x1xf32> to vector<64x64xf32>
    %eq3A_1124 = vector.broadcast %slice3A_1104 : vector<1x64xf32> to vector<64x64xf32>
    %eq3A_1125 = arith.cmpf oeq, %eq3A_1123, %eq3A_1124 : vector<64x64xf32>
    %convert_element_type3A_1126 = arith.extui %eq3A_1125 : vector<64x64xi1> to vector<64x64xi32>
    %convert_element_type3A_1127 = arith.sitofp %convert_element_type3A_1126 : vector<64x64xi32> to vector<64x64xf32>
    %mul3A_1128 = arith.mulf %mul3A_1102, %convert_element_type3A_1127 : vector<64x64xf32>
    %slice3A_1129 = vector.extract_strided_slice %get3A_4 {offsets = [0, 42], sizes = [64, 1], strides = [1, 1]} : vector<64x51xf32> to vector<64x1xf32>
    %slice3A_1130 = vector.extract_strided_slice %transpose3A_35 {offsets = [42, 0], sizes = [1, 64], strides = [1, 1]} : vector<51x64xf32> to vector<1x64xf32>
    %sub3A_1131 = vector.broadcast %slice3A_1129 : vector<64x1xf32> to vector<64x64xf32>
    %sub3A_1132 = vector.broadcast %slice3A_1130 : vector<1x64xf32> to vector<64x64xf32>
    %sub3A_1133 = arith.subf %sub3A_1131, %sub3A_1132 : vector<64x64xf32>
    %sign3A_1134 = tpu.bitcast %sub3A_1133 : vector<64x64xf32> -> vector<64x64xi32>
    %sign3A_1135 = arith.constant -2147483648 : i32
    %sign3A_1136 = vector.broadcast %sign3A_1135 : i32 to vector<64x64xi32>
    %sign3A_1137 = arith.andi %sign3A_1134, %sign3A_1136 : vector<64x64xi32>
    %sign3A_1138 = arith.constant 1065353216 : i32
    %sign3A_1139 = vector.broadcast %sign3A_1138 : i32 to vector<64x64xi32>
    %sign3A_1140 = arith.ori %sign3A_1139, %sign3A_1137 : vector<64x64xi32>
    %sign3A_1141 = tpu.bitcast %sign3A_1140 : vector<64x64xi32> -> vector<64x64xf32>
    %sign3A_1142 = math.absf %sub3A_1133 : vector<64x64xf32>
    %sign3A_1143 = arith.constant 0.000000e+00 : f32
    %sign3A_1144 = vector.broadcast %sign3A_1143 : f32 to vector<64x64xf32>
    %sign3A_1145 = arith.cmpf ogt, %sign3A_1142, %sign3A_1144 : vector<64x64xf32>
    %sign3A_1146 = arith.select %sign3A_1145, %sign3A_1141, %sub3A_1133 : vector<64x64xi1>, vector<64x64xf32>
    %mul3A_1147 = arith.mulf %mul3A_1128, %sign3A_1146 : vector<64x64xf32>
    %add3A_1148 = arith.addf %add3A_1122, %mul3A_1147 : vector<64x64xf32>
    %eq3A_1149 = vector.broadcast %slice3A_1129 : vector<64x1xf32> to vector<64x64xf32>
    %eq3A_1150 = vector.broadcast %slice3A_1130 : vector<1x64xf32> to vector<64x64xf32>
    %eq3A_1151 = arith.cmpf oeq, %eq3A_1149, %eq3A_1150 : vector<64x64xf32>
    %convert_element_type3A_1152 = arith.extui %eq3A_1151 : vector<64x64xi1> to vector<64x64xi32>
    %convert_element_type3A_1153 = arith.sitofp %convert_element_type3A_1152 : vector<64x64xi32> to vector<64x64xf32>
    %mul3A_1154 = arith.mulf %mul3A_1128, %convert_element_type3A_1153 : vector<64x64xf32>
    %slice3A_1155 = vector.extract_strided_slice %get3A_4 {offsets = [0, 43], sizes = [64, 1], strides = [1, 1]} : vector<64x51xf32> to vector<64x1xf32>
    %slice3A_1156 = vector.extract_strided_slice %transpose3A_35 {offsets = [43, 0], sizes = [1, 64], strides = [1, 1]} : vector<51x64xf32> to vector<1x64xf32>
    %sub3A_1157 = vector.broadcast %slice3A_1155 : vector<64x1xf32> to vector<64x64xf32>
    %sub3A_1158 = vector.broadcast %slice3A_1156 : vector<1x64xf32> to vector<64x64xf32>
    %sub3A_1159 = arith.subf %sub3A_1157, %sub3A_1158 : vector<64x64xf32>
    %sign3A_1160 = tpu.bitcast %sub3A_1159 : vector<64x64xf32> -> vector<64x64xi32>
    %sign3A_1161 = arith.constant -2147483648 : i32
    %sign3A_1162 = vector.broadcast %sign3A_1161 : i32 to vector<64x64xi32>
    %sign3A_1163 = arith.andi %sign3A_1160, %sign3A_1162 : vector<64x64xi32>
    %sign3A_1164 = arith.constant 1065353216 : i32
    %sign3A_1165 = vector.broadcast %sign3A_1164 : i32 to vector<64x64xi32>
    %sign3A_1166 = arith.ori %sign3A_1165, %sign3A_1163 : vector<64x64xi32>
    %sign3A_1167 = tpu.bitcast %sign3A_1166 : vector<64x64xi32> -> vector<64x64xf32>
    %sign3A_1168 = math.absf %sub3A_1159 : vector<64x64xf32>
    %sign3A_1169 = arith.constant 0.000000e+00 : f32
    %sign3A_1170 = vector.broadcast %sign3A_1169 : f32 to vector<64x64xf32>
    %sign3A_1171 = arith.cmpf ogt, %sign3A_1168, %sign3A_1170 : vector<64x64xf32>
    %sign3A_1172 = arith.select %sign3A_1171, %sign3A_1167, %sub3A_1159 : vector<64x64xi1>, vector<64x64xf32>
    %mul3A_1173 = arith.mulf %mul3A_1154, %sign3A_1172 : vector<64x64xf32>
    %add3A_1174 = arith.addf %add3A_1148, %mul3A_1173 : vector<64x64xf32>
    %eq3A_1175 = vector.broadcast %slice3A_1155 : vector<64x1xf32> to vector<64x64xf32>
    %eq3A_1176 = vector.broadcast %slice3A_1156 : vector<1x64xf32> to vector<64x64xf32>
    %eq3A_1177 = arith.cmpf oeq, %eq3A_1175, %eq3A_1176 : vector<64x64xf32>
    %convert_element_type3A_1178 = arith.extui %eq3A_1177 : vector<64x64xi1> to vector<64x64xi32>
    %convert_element_type3A_1179 = arith.sitofp %convert_element_type3A_1178 : vector<64x64xi32> to vector<64x64xf32>
    %mul3A_1180 = arith.mulf %mul3A_1154, %convert_element_type3A_1179 : vector<64x64xf32>
    %slice3A_1181 = vector.extract_strided_slice %get3A_4 {offsets = [0, 44], sizes = [64, 1], strides = [1, 1]} : vector<64x51xf32> to vector<64x1xf32>
    %slice3A_1182 = vector.extract_strided_slice %transpose3A_35 {offsets = [44, 0], sizes = [1, 64], strides = [1, 1]} : vector<51x64xf32> to vector<1x64xf32>
    %sub3A_1183 = vector.broadcast %slice3A_1181 : vector<64x1xf32> to vector<64x64xf32>
    %sub3A_1184 = vector.broadcast %slice3A_1182 : vector<1x64xf32> to vector<64x64xf32>
    %sub3A_1185 = arith.subf %sub3A_1183, %sub3A_1184 : vector<64x64xf32>
    %sign3A_1186 = tpu.bitcast %sub3A_1185 : vector<64x64xf32> -> vector<64x64xi32>
    %sign3A_1187 = arith.constant -2147483648 : i32
    %sign3A_1188 = vector.broadcast %sign3A_1187 : i32 to vector<64x64xi32>
    %sign3A_1189 = arith.andi %sign3A_1186, %sign3A_1188 : vector<64x64xi32>
    %sign3A_1190 = arith.constant 1065353216 : i32
    %sign3A_1191 = vector.broadcast %sign3A_1190 : i32 to vector<64x64xi32>
    %sign3A_1192 = arith.ori %sign3A_1191, %sign3A_1189 : vector<64x64xi32>
    %sign3A_1193 = tpu.bitcast %sign3A_1192 : vector<64x64xi32> -> vector<64x64xf32>
    %sign3A_1194 = math.absf %sub3A_1185 : vector<64x64xf32>
    %sign3A_1195 = arith.constant 0.000000e+00 : f32
    %sign3A_1196 = vector.broadcast %sign3A_1195 : f32 to vector<64x64xf32>
    %sign3A_1197 = arith.cmpf ogt, %sign3A_1194, %sign3A_1196 : vector<64x64xf32>
    %sign3A_1198 = arith.select %sign3A_1197, %sign3A_1193, %sub3A_1185 : vector<64x64xi1>, vector<64x64xf32>
    %mul3A_1199 = arith.mulf %mul3A_1180, %sign3A_1198 : vector<64x64xf32>
    %add3A_1200 = arith.addf %add3A_1174, %mul3A_1199 : vector<64x64xf32>
    %eq3A_1201 = vector.broadcast %slice3A_1181 : vector<64x1xf32> to vector<64x64xf32>
    %eq3A_1202 = vector.broadcast %slice3A_1182 : vector<1x64xf32> to vector<64x64xf32>
    %eq3A_1203 = arith.cmpf oeq, %eq3A_1201, %eq3A_1202 : vector<64x64xf32>
    %convert_element_type3A_1204 = arith.extui %eq3A_1203 : vector<64x64xi1> to vector<64x64xi32>
    %convert_element_type3A_1205 = arith.sitofp %convert_element_type3A_1204 : vector<64x64xi32> to vector<64x64xf32>
    %mul3A_1206 = arith.mulf %mul3A_1180, %convert_element_type3A_1205 : vector<64x64xf32>
    %slice3A_1207 = vector.extract_strided_slice %get3A_4 {offsets = [0, 45], sizes = [64, 1], strides = [1, 1]} : vector<64x51xf32> to vector<64x1xf32>
    %slice3A_1208 = vector.extract_strided_slice %transpose3A_35 {offsets = [45, 0], sizes = [1, 64], strides = [1, 1]} : vector<51x64xf32> to vector<1x64xf32>
    %sub3A_1209 = vector.broadcast %slice3A_1207 : vector<64x1xf32> to vector<64x64xf32>
    %sub3A_1210 = vector.broadcast %slice3A_1208 : vector<1x64xf32> to vector<64x64xf32>
    %sub3A_1211 = arith.subf %sub3A_1209, %sub3A_1210 : vector<64x64xf32>
    %sign3A_1212 = tpu.bitcast %sub3A_1211 : vector<64x64xf32> -> vector<64x64xi32>
    %sign3A_1213 = arith.constant -2147483648 : i32
    %sign3A_1214 = vector.broadcast %sign3A_1213 : i32 to vector<64x64xi32>
    %sign3A_1215 = arith.andi %sign3A_1212, %sign3A_1214 : vector<64x64xi32>
    %sign3A_1216 = arith.constant 1065353216 : i32
    %sign3A_1217 = vector.broadcast %sign3A_1216 : i32 to vector<64x64xi32>
    %sign3A_1218 = arith.ori %sign3A_1217, %sign3A_1215 : vector<64x64xi32>
    %sign3A_1219 = tpu.bitcast %sign3A_1218 : vector<64x64xi32> -> vector<64x64xf32>
    %sign3A_1220 = math.absf %sub3A_1211 : vector<64x64xf32>
    %sign3A_1221 = arith.constant 0.000000e+00 : f32
    %sign3A_1222 = vector.broadcast %sign3A_1221 : f32 to vector<64x64xf32>
    %sign3A_1223 = arith.cmpf ogt, %sign3A_1220, %sign3A_1222 : vector<64x64xf32>
    %sign3A_1224 = arith.select %sign3A_1223, %sign3A_1219, %sub3A_1211 : vector<64x64xi1>, vector<64x64xf32>
    %mul3A_1225 = arith.mulf %mul3A_1206, %sign3A_1224 : vector<64x64xf32>
    %add3A_1226 = arith.addf %add3A_1200, %mul3A_1225 : vector<64x64xf32>
    %eq3A_1227 = vector.broadcast %slice3A_1207 : vector<64x1xf32> to vector<64x64xf32>
    %eq3A_1228 = vector.broadcast %slice3A_1208 : vector<1x64xf32> to vector<64x64xf32>
    %eq3A_1229 = arith.cmpf oeq, %eq3A_1227, %eq3A_1228 : vector<64x64xf32>
    %convert_element_type3A_1230 = arith.extui %eq3A_1229 : vector<64x64xi1> to vector<64x64xi32>
    %convert_element_type3A_1231 = arith.sitofp %convert_element_type3A_1230 : vector<64x64xi32> to vector<64x64xf32>
    %mul3A_1232 = arith.mulf %mul3A_1206, %convert_element_type3A_1231 : vector<64x64xf32>
    %slice3A_1233 = vector.extract_strided_slice %get3A_4 {offsets = [0, 46], sizes = [64, 1], strides = [1, 1]} : vector<64x51xf32> to vector<64x1xf32>
    %slice3A_1234 = vector.extract_strided_slice %transpose3A_35 {offsets = [46, 0], sizes = [1, 64], strides = [1, 1]} : vector<51x64xf32> to vector<1x64xf32>
    %sub3A_1235 = vector.broadcast %slice3A_1233 : vector<64x1xf32> to vector<64x64xf32>
    %sub3A_1236 = vector.broadcast %slice3A_1234 : vector<1x64xf32> to vector<64x64xf32>
    %sub3A_1237 = arith.subf %sub3A_1235, %sub3A_1236 : vector<64x64xf32>
    %sign3A_1238 = tpu.bitcast %sub3A_1237 : vector<64x64xf32> -> vector<64x64xi32>
    %sign3A_1239 = arith.constant -2147483648 : i32
    %sign3A_1240 = vector.broadcast %sign3A_1239 : i32 to vector<64x64xi32>
    %sign3A_1241 = arith.andi %sign3A_1238, %sign3A_1240 : vector<64x64xi32>
    %sign3A_1242 = arith.constant 1065353216 : i32
    %sign3A_1243 = vector.broadcast %sign3A_1242 : i32 to vector<64x64xi32>
    %sign3A_1244 = arith.ori %sign3A_1243, %sign3A_1241 : vector<64x64xi32>
    %sign3A_1245 = tpu.bitcast %sign3A_1244 : vector<64x64xi32> -> vector<64x64xf32>
    %sign3A_1246 = math.absf %sub3A_1237 : vector<64x64xf32>
    %sign3A_1247 = arith.constant 0.000000e+00 : f32
    %sign3A_1248 = vector.broadcast %sign3A_1247 : f32 to vector<64x64xf32>
    %sign3A_1249 = arith.cmpf ogt, %sign3A_1246, %sign3A_1248 : vector<64x64xf32>
    %sign3A_1250 = arith.select %sign3A_1249, %sign3A_1245, %sub3A_1237 : vector<64x64xi1>, vector<64x64xf32>
    %mul3A_1251 = arith.mulf %mul3A_1232, %sign3A_1250 : vector<64x64xf32>
    %add3A_1252 = arith.addf %add3A_1226, %mul3A_1251 : vector<64x64xf32>
    %eq3A_1253 = vector.broadcast %slice3A_1233 : vector<64x1xf32> to vector<64x64xf32>
    %eq3A_1254 = vector.broadcast %slice3A_1234 : vector<1x64xf32> to vector<64x64xf32>
    %eq3A_1255 = arith.cmpf oeq, %eq3A_1253, %eq3A_1254 : vector<64x64xf32>
    %convert_element_type3A_1256 = arith.extui %eq3A_1255 : vector<64x64xi1> to vector<64x64xi32>
    %convert_element_type3A_1257 = arith.sitofp %convert_element_type3A_1256 : vector<64x64xi32> to vector<64x64xf32>
    %mul3A_1258 = arith.mulf %mul3A_1232, %convert_element_type3A_1257 : vector<64x64xf32>
    %slice3A_1259 = vector.extract_strided_slice %get3A_4 {offsets = [0, 47], sizes = [64, 1], strides = [1, 1]} : vector<64x51xf32> to vector<64x1xf32>
    %slice3A_1260 = vector.extract_strided_slice %transpose3A_35 {offsets = [47, 0], sizes = [1, 64], strides = [1, 1]} : vector<51x64xf32> to vector<1x64xf32>
    %sub3A_1261 = vector.broadcast %slice3A_1259 : vector<64x1xf32> to vector<64x64xf32>
    %sub3A_1262 = vector.broadcast %slice3A_1260 : vector<1x64xf32> to vector<64x64xf32>
    %sub3A_1263 = arith.subf %sub3A_1261, %sub3A_1262 : vector<64x64xf32>
    %sign3A_1264 = tpu.bitcast %sub3A_1263 : vector<64x64xf32> -> vector<64x64xi32>
    %sign3A_1265 = arith.constant -2147483648 : i32
    %sign3A_1266 = vector.broadcast %sign3A_1265 : i32 to vector<64x64xi32>
    %sign3A_1267 = arith.andi %sign3A_1264, %sign3A_1266 : vector<64x64xi32>
    %sign3A_1268 = arith.constant 1065353216 : i32
    %sign3A_1269 = vector.broadcast %sign3A_1268 : i32 to vector<64x64xi32>
    %sign3A_1270 = arith.ori %sign3A_1269, %sign3A_1267 : vector<64x64xi32>
    %sign3A_1271 = tpu.bitcast %sign3A_1270 : vector<64x64xi32> -> vector<64x64xf32>
    %sign3A_1272 = math.absf %sub3A_1263 : vector<64x64xf32>
    %sign3A_1273 = arith.constant 0.000000e+00 : f32
    %sign3A_1274 = vector.broadcast %sign3A_1273 : f32 to vector<64x64xf32>
    %sign3A_1275 = arith.cmpf ogt, %sign3A_1272, %sign3A_1274 : vector<64x64xf32>
    %sign3A_1276 = arith.select %sign3A_1275, %sign3A_1271, %sub3A_1263 : vector<64x64xi1>, vector<64x64xf32>
    %mul3A_1277 = arith.mulf %mul3A_1258, %sign3A_1276 : vector<64x64xf32>
    %add3A_1278 = arith.addf %add3A_1252, %mul3A_1277 : vector<64x64xf32>
    %eq3A_1279 = vector.broadcast %slice3A_1259 : vector<64x1xf32> to vector<64x64xf32>
    %eq3A_1280 = vector.broadcast %slice3A_1260 : vector<1x64xf32> to vector<64x64xf32>
    %eq3A_1281 = arith.cmpf oeq, %eq3A_1279, %eq3A_1280 : vector<64x64xf32>
    %convert_element_type3A_1282 = arith.extui %eq3A_1281 : vector<64x64xi1> to vector<64x64xi32>
    %convert_element_type3A_1283 = arith.sitofp %convert_element_type3A_1282 : vector<64x64xi32> to vector<64x64xf32>
    %mul3A_1284 = arith.mulf %mul3A_1258, %convert_element_type3A_1283 : vector<64x64xf32>
    %slice3A_1285 = vector.extract_strided_slice %get3A_4 {offsets = [0, 48], sizes = [64, 1], strides = [1, 1]} : vector<64x51xf32> to vector<64x1xf32>
    %slice3A_1286 = vector.extract_strided_slice %transpose3A_35 {offsets = [48, 0], sizes = [1, 64], strides = [1, 1]} : vector<51x64xf32> to vector<1x64xf32>
    %sub3A_1287 = vector.broadcast %slice3A_1285 : vector<64x1xf32> to vector<64x64xf32>
    %sub3A_1288 = vector.broadcast %slice3A_1286 : vector<1x64xf32> to vector<64x64xf32>
    %sub3A_1289 = arith.subf %sub3A_1287, %sub3A_1288 : vector<64x64xf32>
    %sign3A_1290 = tpu.bitcast %sub3A_1289 : vector<64x64xf32> -> vector<64x64xi32>
    %sign3A_1291 = arith.constant -2147483648 : i32
    %sign3A_1292 = vector.broadcast %sign3A_1291 : i32 to vector<64x64xi32>
    %sign3A_1293 = arith.andi %sign3A_1290, %sign3A_1292 : vector<64x64xi32>
    %sign3A_1294 = arith.constant 1065353216 : i32
    %sign3A_1295 = vector.broadcast %sign3A_1294 : i32 to vector<64x64xi32>
    %sign3A_1296 = arith.ori %sign3A_1295, %sign3A_1293 : vector<64x64xi32>
    %sign3A_1297 = tpu.bitcast %sign3A_1296 : vector<64x64xi32> -> vector<64x64xf32>
    %sign3A_1298 = math.absf %sub3A_1289 : vector<64x64xf32>
    %sign3A_1299 = arith.constant 0.000000e+00 : f32
    %sign3A_1300 = vector.broadcast %sign3A_1299 : f32 to vector<64x64xf32>
    %sign3A_1301 = arith.cmpf ogt, %sign3A_1298, %sign3A_1300 : vector<64x64xf32>
    %sign3A_1302 = arith.select %sign3A_1301, %sign3A_1297, %sub3A_1289 : vector<64x64xi1>, vector<64x64xf32>
    %mul3A_1303 = arith.mulf %mul3A_1284, %sign3A_1302 : vector<64x64xf32>
    %add3A_1304 = arith.addf %add3A_1278, %mul3A_1303 : vector<64x64xf32>
    %eq3A_1305 = vector.broadcast %slice3A_1285 : vector<64x1xf32> to vector<64x64xf32>
    %eq3A_1306 = vector.broadcast %slice3A_1286 : vector<1x64xf32> to vector<64x64xf32>
    %eq3A_1307 = arith.cmpf oeq, %eq3A_1305, %eq3A_1306 : vector<64x64xf32>
    %convert_element_type3A_1308 = arith.extui %eq3A_1307 : vector<64x64xi1> to vector<64x64xi32>
    %convert_element_type3A_1309 = arith.sitofp %convert_element_type3A_1308 : vector<64x64xi32> to vector<64x64xf32>
    %mul3A_1310 = arith.mulf %mul3A_1284, %convert_element_type3A_1309 : vector<64x64xf32>
    %slice3A_1311 = vector.extract_strided_slice %get3A_4 {offsets = [0, 49], sizes = [64, 1], strides = [1, 1]} : vector<64x51xf32> to vector<64x1xf32>
    %slice3A_1312 = vector.extract_strided_slice %transpose3A_35 {offsets = [49, 0], sizes = [1, 64], strides = [1, 1]} : vector<51x64xf32> to vector<1x64xf32>
    %sub3A_1313 = vector.broadcast %slice3A_1311 : vector<64x1xf32> to vector<64x64xf32>
    %sub3A_1314 = vector.broadcast %slice3A_1312 : vector<1x64xf32> to vector<64x64xf32>
    %sub3A_1315 = arith.subf %sub3A_1313, %sub3A_1314 : vector<64x64xf32>
    %sign3A_1316 = tpu.bitcast %sub3A_1315 : vector<64x64xf32> -> vector<64x64xi32>
    %sign3A_1317 = arith.constant -2147483648 : i32
    %sign3A_1318 = vector.broadcast %sign3A_1317 : i32 to vector<64x64xi32>
    %sign3A_1319 = arith.andi %sign3A_1316, %sign3A_1318 : vector<64x64xi32>
    %sign3A_1320 = arith.constant 1065353216 : i32
    %sign3A_1321 = vector.broadcast %sign3A_1320 : i32 to vector<64x64xi32>
    %sign3A_1322 = arith.ori %sign3A_1321, %sign3A_1319 : vector<64x64xi32>
    %sign3A_1323 = tpu.bitcast %sign3A_1322 : vector<64x64xi32> -> vector<64x64xf32>
    %sign3A_1324 = math.absf %sub3A_1315 : vector<64x64xf32>
    %sign3A_1325 = arith.constant 0.000000e+00 : f32
    %sign3A_1326 = vector.broadcast %sign3A_1325 : f32 to vector<64x64xf32>
    %sign3A_1327 = arith.cmpf ogt, %sign3A_1324, %sign3A_1326 : vector<64x64xf32>
    %sign3A_1328 = arith.select %sign3A_1327, %sign3A_1323, %sub3A_1315 : vector<64x64xi1>, vector<64x64xf32>
    %mul3A_1329 = arith.mulf %mul3A_1310, %sign3A_1328 : vector<64x64xf32>
    %add3A_1330 = arith.addf %add3A_1304, %mul3A_1329 : vector<64x64xf32>
    %eq3A_1331 = vector.broadcast %slice3A_1311 : vector<64x1xf32> to vector<64x64xf32>
    %eq3A_1332 = vector.broadcast %slice3A_1312 : vector<1x64xf32> to vector<64x64xf32>
    %eq3A_1333 = arith.cmpf oeq, %eq3A_1331, %eq3A_1332 : vector<64x64xf32>
    %convert_element_type3A_1334 = arith.extui %eq3A_1333 : vector<64x64xi1> to vector<64x64xi32>
    %convert_element_type3A_1335 = arith.sitofp %convert_element_type3A_1334 : vector<64x64xi32> to vector<64x64xf32>
    %mul3A_1336 = arith.mulf %mul3A_1310, %convert_element_type3A_1335 : vector<64x64xf32>
    %slice3A_1337 = vector.extract_strided_slice %get3A_4 {offsets = [0, 50], sizes = [64, 1], strides = [1, 1]} : vector<64x51xf32> to vector<64x1xf32>
    %slice3A_1338 = vector.extract_strided_slice %transpose3A_35 {offsets = [50, 0], sizes = [1, 64], strides = [1, 1]} : vector<51x64xf32> to vector<1x64xf32>
    %sub3A_1339 = vector.broadcast %slice3A_1337 : vector<64x1xf32> to vector<64x64xf32>
    %sub3A_1340 = vector.broadcast %slice3A_1338 : vector<1x64xf32> to vector<64x64xf32>
    %sub3A_1341 = arith.subf %sub3A_1339, %sub3A_1340 : vector<64x64xf32>
    %sign3A_1342 = tpu.bitcast %sub3A_1341 : vector<64x64xf32> -> vector<64x64xi32>
    %sign3A_1343 = arith.constant -2147483648 : i32
    %sign3A_1344 = vector.broadcast %sign3A_1343 : i32 to vector<64x64xi32>
    %sign3A_1345 = arith.andi %sign3A_1342, %sign3A_1344 : vector<64x64xi32>
    %sign3A_1346 = arith.constant 1065353216 : i32
    %sign3A_1347 = vector.broadcast %sign3A_1346 : i32 to vector<64x64xi32>
    %sign3A_1348 = arith.ori %sign3A_1347, %sign3A_1345 : vector<64x64xi32>
    %sign3A_1349 = tpu.bitcast %sign3A_1348 : vector<64x64xi32> -> vector<64x64xf32>
    %sign3A_1350 = math.absf %sub3A_1341 : vector<64x64xf32>
    %sign3A_1351 = arith.constant 0.000000e+00 : f32
    %sign3A_1352 = vector.broadcast %sign3A_1351 : f32 to vector<64x64xf32>
    %sign3A_1353 = arith.cmpf ogt, %sign3A_1350, %sign3A_1352 : vector<64x64xf32>
    %sign3A_1354 = arith.select %sign3A_1353, %sign3A_1349, %sub3A_1341 : vector<64x64xi1>, vector<64x64xf32>
    %mul3A_1355 = arith.mulf %mul3A_1336, %sign3A_1354 : vector<64x64xf32>
    %add3A_1356 = arith.addf %add3A_1330, %mul3A_1355 : vector<64x64xf32>
    %lt3A_1357 = arith.constant 0.000000e+00 : f32
    %lt3A_1358 = vector.broadcast %lt3A_1357 : f32 to vector<64x64xf32>
    %lt3A_1359 = arith.cmpf olt, %add3A_1356, %lt3A_1358 : vector<64x64xf32>
    %convert_element_type3A_1360 = arith.extui %lt3A_1359 : vector<64x64xi1> to vector<64x64xi32>
    %convert_element_type3A_1361 = arith.sitofp %convert_element_type3A_1360 : vector<64x64xi32> to vector<64x64xf32>
    %concatenate3A_1362 = tpu.concatenate %convert_element_type3A_1361, %convert_element_type3A_1361 in 0 : vector<64x64xf32>, vector<64x64xf32> -> vector<128x64xf32>
    %concatenate3A_1363 = tpu.concatenate %concatenate3A_1362, %concatenate3A_1362 in 1 : vector<128x64xf32>, vector<128x64xf32> -> vector<128x128xf32>
    %transpose3A_1364 = tpu.transpose %transpose3A_33, [1, 0] : vector<128x1xf32> -> vector<1x128xf32>
    %lt3A_1365 = vector.broadcast %transpose3A_33 : vector<128x1xf32> to vector<128x128xf32>
    %lt3A_1366 = vector.broadcast %transpose3A_1364 : vector<1x128xf32> to vector<128x128xf32>
    %lt3A_1367 = arith.cmpf olt, %lt3A_1365, %lt3A_1366 : vector<128x128xf32>
    %convert_element_type3A_1368 = arith.extui %lt3A_1367 : vector<128x128xi1> to vector<128x128xi32>
    %convert_element_type3A_1369 = arith.sitofp %convert_element_type3A_1368 : vector<128x128xi32> to vector<128x128xf32>
    %jit3A = arith.constant 64 : i32
    %eq3A_1370 = arith.constant 0 : i32
    %eq3A_1371 = arith.cmpi eq, %jit3A, %eq3A_1370 : i32
    %jit3A_1372 = arith.constant 1 : i32
    %select_n3A = arith.select %eq3A_1371, %jit3A_1372, %jit3A : i32
    %rem3A = vector.broadcast %select_n3A : i32 to vector<128x128xi32>
    %rem3A_1373 = arith.remsi %iota3A, %rem3A : vector<128x128xi32>
    %ne3A = arith.constant 0 : i32
    %ne3A_1374 = vector.broadcast %ne3A : i32 to vector<128x128xi32>
    %ne3A_1375 = arith.cmpi ne, %rem3A_1373, %ne3A_1374 : vector<128x128xi32>
    %lt3A_1376 = arith.constant 0 : i32
    %lt3A_1377 = vector.broadcast %lt3A_1376 : i32 to vector<128x128xi32>
    %lt3A_1378 = arith.cmpi slt, %rem3A_1373, %lt3A_1377 : vector<128x128xi32>
    %lt3A_1379 = arith.constant 0 : i32
    %lt3A_1380 = arith.cmpi slt, %select_n3A, %lt3A_1379 : i32
    %ne3A_1381 = vector.broadcast %lt3A_1380 : i1 to vector<128x128xi1>
    %ne3A_1382 = vector.broadcast %ne3A_1381 : vector<128x128xi1> to vector<128x128xi1>
    %ne3A_1383 = arith.xori %lt3A_1378, %ne3A_1382 : vector<128x128xi1>
    %and3A_1384 = arith.andi %ne3A_1383, %ne3A_1375 : vector<128x128xi1>
    %add3A_1385 = vector.broadcast %select_n3A : i32 to vector<128x128xi32>
    %add3A_1386 = arith.addi %rem3A_1373, %add3A_1385 : vector<128x128xi32>
    %select_n3A_1387 = arith.select %and3A_1384, %add3A_1386, %rem3A_1373 : vector<128x128xi1>, vector<128x128xi32>
    %jit3A_1388 = arith.constant 64 : i32
    %eq3A_1389 = arith.constant 0 : i32
    %eq3A_1390 = arith.cmpi eq, %jit3A_1388, %eq3A_1389 : i32
    %jit3A_1391 = arith.constant 1 : i32
    %select_n3A_1392 = arith.select %eq3A_1390, %jit3A_1391, %jit3A_1388 : i32
    %rem3A_1393 = vector.broadcast %select_n3A_1392 : i32 to vector<128x128xi32>
    %rem3A_1394 = arith.remsi %iota3A_16, %rem3A_1393 : vector<128x128xi32>
    %ne3A_1395 = arith.constant 0 : i32
    %ne3A_1396 = vector.broadcast %ne3A_1395 : i32 to vector<128x128xi32>
    %ne3A_1397 = arith.cmpi ne, %rem3A_1394, %ne3A_1396 : vector<128x128xi32>
    %lt3A_1398 = arith.constant 0 : i32
    %lt3A_1399 = vector.broadcast %lt3A_1398 : i32 to vector<128x128xi32>
    %lt3A_1400 = arith.cmpi slt, %rem3A_1394, %lt3A_1399 : vector<128x128xi32>
    %lt3A_1401 = arith.constant 0 : i32
    %lt3A_1402 = arith.cmpi slt, %select_n3A_1392, %lt3A_1401 : i32
    %ne3A_1403 = vector.broadcast %lt3A_1402 : i1 to vector<128x128xi1>
    %ne3A_1404 = vector.broadcast %ne3A_1403 : vector<128x128xi1> to vector<128x128xi1>
    %ne3A_1405 = arith.xori %lt3A_1400, %ne3A_1404 : vector<128x128xi1>
    %and3A_1406 = arith.andi %ne3A_1405, %ne3A_1397 : vector<128x128xi1>
    %add3A_1407 = vector.broadcast %select_n3A_1392 : i32 to vector<128x128xi32>
    %add3A_1408 = arith.addi %rem3A_1394, %add3A_1407 : vector<128x128xi32>
    %select_n3A_1409 = arith.select %and3A_1406, %add3A_1408, %rem3A_1394 : vector<128x128xi1>, vector<128x128xi32>
    %eq3A_1410 = arith.cmpi eq, %select_n3A_1387, %select_n3A_1409 : vector<128x128xi32>
    %convert_element_type3A_1411 = arith.extui %eq3A_1410 : vector<128x128xi1> to vector<128x128xi32>
    %convert_element_type3A_1412 = arith.sitofp %convert_element_type3A_1411 : vector<128x128xi32> to vector<128x128xf32>
    %mul3A_1413 = arith.mulf %convert_element_type3A_1412, %convert_element_type3A_1369 : vector<128x128xf32>
    %sub3A_1414 = arith.constant 1.000000e+00 : f32
    %sub3A_1415 = vector.broadcast %sub3A_1414 : f32 to vector<128x128xf32>
    %sub3A_1416 = arith.subf %sub3A_1415, %convert_element_type3A_1412 : vector<128x128xf32>
    %mul3A_1417 = arith.mulf %sub3A_1416, %concatenate3A_1363 : vector<128x128xf32>
    %add3A_1418 = arith.addf %mul3A_1413, %mul3A_1417 : vector<128x128xf32>
    %convert_element_type3A_1419 = arith.extui %lt3A_28 : vector<128x1xi1> to vector<128x1xi32>
    %convert_element_type3A_1420 = arith.sitofp %convert_element_type3A_1419 : vector<128x1xi32> to vector<128x1xf32>
    %mul3A_1421 = vector.broadcast %convert_element_type3A_1420 : vector<128x1xf32> to vector<128x128xf32>
    %mul3A_1422 = arith.mulf %add3A_1418, %mul3A_1421 : vector<128x128xf32>
    %reduce_sum3A_1423 = arith.constant dense<0.000000e+00> : vector<128xf32>
    %reduce_sum3A_1424 = vector.multi_reduction <add>, %mul3A_1422, %reduce_sum3A_1423 [0] : vector<128x128xf32> to vector<128xf32>
    %broadcast_in_dim3A_1425 = vector.shape_cast %reduce_sum3A_1424 : vector<128xf32> to vector<1x128xf32>
    %convert_element_type3A_1426 = arith.fptosi %broadcast_in_dim3A_1425 : vector<1x128xf32> to vector<1x128xi32>
    %iota3A_1427 = tpu.iota {dimensions = array<i32: 0>} : vector<64x128xi32>
    %eq3A_1428 = vector.broadcast %convert_element_type3A_1426 : vector<1x128xi32> to vector<64x128xi32>
    %eq3A_1429 = arith.cmpi eq, %eq3A_1428, %iota3A_1427 : vector<64x128xi32>
    %and3A_1430 = vector.broadcast %transpose3A_29 : vector<1x128xi1> to vector<64x128xi1>
    %and3A_1431 = arith.andi %eq3A_1429, %and3A_1430 : vector<64x128xi1>
    %convert_element_type3A_1432 = arith.extui %and3A_1431 : vector<64x128xi1> to vector<64x128xi32>
    %convert_element_type3A_1433 = arith.sitofp %convert_element_type3A_1432 : vector<64x128xi32> to vector<64x128xf32>
    %slice3A_1434 = vector.extract_strided_slice %concatenate3A_34 {offsets = [0, 0], sizes = [128, 52], strides = [1, 1]} : vector<128x105xf32> to vector<128x52xf32>
    %dot_general3A = arith.constant dense<0.000000e+00> : vector<64x52xf32>
    %dot_general3A_1435 = tpu.matmul %convert_element_type3A_1433, %slice3A_1434, %dot_general3A {dimension_numbers = #tpu.dot_dimension_numbers<[1], [0], [0], [1], [0, 0, 1, 1], [], []>, precision = #tpu.contract_precision<fp32>, transpose_lhs_hint = false} : vector<64x128xf32>, vector<128x52xf32>, vector<64x52xf32> -> vector<64x52xf32>
    %slice3A_1436 = vector.extract_strided_slice %concatenate3A_34 {offsets = [0, 52], sizes = [128, 52], strides = [1, 1]} : vector<128x105xf32> to vector<128x52xf32>
    %dot_general3A_1437 = arith.constant dense<0.000000e+00> : vector<64x52xf32>
    %dot_general3A_1438 = tpu.matmul %convert_element_type3A_1433, %slice3A_1436, %dot_general3A_1437 {dimension_numbers = #tpu.dot_dimension_numbers<[1], [0], [0], [1], [0, 0, 1, 1], [], []>, precision = #tpu.contract_precision<fp32>, transpose_lhs_hint = false} : vector<64x128xf32>, vector<128x52xf32>, vector<64x52xf32> -> vector<64x52xf32>
    %slice3A_1439 = vector.extract_strided_slice %concatenate3A_34 {offsets = [0, 104], sizes = [128, 1], strides = [1, 1]} : vector<128x105xf32> to vector<128x1xf32>
    %dot_general3A_1440 = arith.constant dense<0.000000e+00> : vector<64x1xf32>
    %dot_general3A_1441 = tpu.matmul %convert_element_type3A_1433, %slice3A_1439, %dot_general3A_1440 {dimension_numbers = #tpu.dot_dimension_numbers<[1], [0], [0], [1], [0, 0, 1, 1], [], []>, precision = #tpu.contract_precision<fp32>, transpose_lhs_hint = false} : vector<64x128xf32>, vector<128x1xf32>, vector<64x1xf32> -> vector<64x1xf32>
    %transpose3A_1442 = tpu.transpose %dot_general3A_1441, [1, 0] : vector<64x1xf32> -> vector<1x64xf32>
    %slice3A_1443 = vector.extract_strided_slice %get3A_1 {offsets = [1, 0], sizes = [1, 64], strides = [1, 1]} : vector<2x128xf32> to vector<1x64xf32>
    %slice3A_1444 = vector.extract_strided_slice %get3A_1 {offsets = [1, 64], sizes = [1, 64], strides = [1, 1]} : vector<2x128xf32> to vector<1x64xf32>
    %concatenate3A_1445 = tpu.concatenate %slice3A_1443, %slice3A_1444 in 0 : vector<1x64xf32>, vector<1x64xf32> -> vector<2x64xf32>
    %add3A_1446 = vector.broadcast %transpose3A_1442 : vector<1x64xf32> to vector<2x64xf32>
    %add3A_1447 = arith.addf %add3A_1446, %concatenate3A_1445 : vector<2x64xf32>
    %iota3A_1448 = tpu.iota {dimensions = array<i32: 0>} : vector<2x64xi32>
    %mul3A_1449 = arith.constant 64 : i32
    %mul3A_1450 = vector.broadcast %mul3A_1449 : i32 to vector<2x64xi32>
    %mul3A_1451 = arith.muli %iota3A_1448, %mul3A_1450 : vector<2x64xi32>
    %iota3A_1452 = tpu.iota {dimensions = array<i32: 1>} : vector<2x64xi32>
    %add3A_1453 = arith.addi %mul3A_1451, %iota3A_1452 : vector<2x64xi32>
    %reduce_max3A = vector.shape_cast %add3A_1447 : vector<2x64xf32> to vector<1x2x64xf32>
    %reduce_max3A_1454 = arith.constant dense<0xFF800000> : vector<1xf32>
    %reduce_max3A_1455 = vector.multi_reduction <maximumf>, %reduce_max3A, %reduce_max3A_1454 [1, 2] : vector<1x2x64xf32> to vector<1xf32>
    %reduce_max3A_1456 = vector.shape_cast %reduce_max3A_1455 : vector<1xf32> to vector<1x1x1xf32>
    %reduce_max3A_1457 = vector.extract %reduce_max3A_1456[0, 0, 0] : f32 from vector<1x1x1xf32>
    %eq3A_1458 = vector.broadcast %reduce_max3A_1457 : f32 to vector<2x64xf32>
    %eq3A_1459 = arith.cmpf oeq, %add3A_1447, %eq3A_1458 : vector<2x64xf32>
    %jit3A_1460 = arith.constant 999 : i32
    %broadcast_in_dim3A_1461 = vector.broadcast %jit3A_1460 : i32 to vector<2x64xi32>
    %select_n3A_1462 = arith.select %eq3A_1459, %add3A_1453, %broadcast_in_dim3A_1461 : vector<2x64xi1>, vector<2x64xi32>
    %reduce_min3A = vector.shape_cast %select_n3A_1462 : vector<2x64xi32> to vector<1x2x64xi32>
    %reduce_min3A_1463 = arith.constant dense<2147483647> : vector<1xi32>
    %reduce_min3A_1464 = vector.multi_reduction <minsi>, %reduce_min3A, %reduce_min3A_1463 [1, 2] : vector<1x2x64xi32> to vector<1xi32>
    %reduce_min3A_1465 = vector.shape_cast %reduce_min3A_1464 : vector<1xi32> to vector<1x1x1xi32>
    %reduce_min3A_1466 = vector.extract %reduce_min3A_1465[0, 0, 0] : i32 from vector<1x1x1xi32>
    %jit3A_1467 = arith.constant 64 : i32
    %eq3A_1468 = arith.constant 0 : i32
    %eq3A_1469 = arith.cmpi eq, %jit3A_1467, %eq3A_1468 : i32
    %jit3A_1470 = arith.constant 1 : i32
    %select_n3A_1471 = arith.select %eq3A_1469, %jit3A_1470, %jit3A_1467 : i32
    %rem3A_1472 = arith.remsi %reduce_min3A_1466, %select_n3A_1471 : i32
    %ne3A_1473 = arith.constant 0 : i32
    %ne3A_1474 = arith.cmpi ne, %rem3A_1472, %ne3A_1473 : i32
    %lt3A_1475 = arith.constant 0 : i32
    %lt3A_1476 = arith.cmpi slt, %rem3A_1472, %lt3A_1475 : i32
    %lt3A_1477 = arith.constant 0 : i32
    %lt3A_1478 = arith.cmpi slt, %select_n3A_1471, %lt3A_1477 : i32
    %ne3A_1479 = arith.xori %lt3A_1476, %lt3A_1478 : i1
    %and3A_1480 = arith.andi %ne3A_1479, %ne3A_1474 : i1
    %add3A_1481 = arith.addi %rem3A_1472, %select_n3A_1471 : i32
    %select_n3A_1482 = arith.select %and3A_1480, %add3A_1481, %rem3A_1472 : i32
    %iota3A_1483 = tpu.iota {dimensions = array<i32: 0>} : vector<64x1xi32>
    %eq3A_1484 = vector.broadcast %select_n3A_1482 : i32 to vector<64x1xi32>
    %eq3A_1485 = arith.cmpi eq, %iota3A_1483, %eq3A_1484 : vector<64x1xi32>
    %convert_element_type3A_1486 = arith.extui %eq3A_1485 : vector<64x1xi1> to vector<64x1xi32>
    %convert_element_type3A_1487 = arith.sitofp %convert_element_type3A_1486 : vector<64x1xi32> to vector<64x1xf32>
    %mul3A_1488 = vector.broadcast %convert_element_type3A_1487 : vector<64x1xf32> to vector<64x52xf32>
    %mul3A_1489 = arith.mulf %mul3A_1488, %dot_general3A_1435 : vector<64x52xf32>
    %reduce_sum3A_1490 = arith.constant dense<0.000000e+00> : vector<52xf32>
    %reduce_sum3A_1491 = vector.multi_reduction <add>, %mul3A_1489, %reduce_sum3A_1490 [0] : vector<64x52xf32> to vector<52xf32>
    %broadcast_in_dim3A_1492 = vector.shape_cast %reduce_sum3A_1491 : vector<52xf32> to vector<1x52xf32>
    %mul3A_1493 = vector.broadcast %convert_element_type3A_1487 : vector<64x1xf32> to vector<64x52xf32>
    %mul3A_1494 = arith.mulf %mul3A_1493, %dot_general3A_1438 : vector<64x52xf32>
    %reduce_sum3A_1495 = arith.constant dense<0.000000e+00> : vector<52xf32>
    %reduce_sum3A_1496 = vector.multi_reduction <add>, %mul3A_1494, %reduce_sum3A_1495 [0] : vector<64x52xf32> to vector<52xf32>
    %broadcast_in_dim3A_1497 = vector.shape_cast %reduce_sum3A_1496 : vector<52xf32> to vector<1x52xf32>
    %iota3A_1498 = tpu.iota {dimensions = array<i32: 1>} : vector<1x128xi32>
    %eq3A_1499 = vector.broadcast %reduce_min3A_1466 : i32 to vector<1x128xi32>
    %eq3A_1500 = arith.cmpi eq, %iota3A_1498, %eq3A_1499 : vector<1x128xi32>
    %convert_element_type3A_1501 = arith.extui %eq3A_1500 : vector<1x128xi1> to vector<1x128xi32>
    %convert_element_type3A_1502 = arith.sitofp %convert_element_type3A_1501 : vector<1x128xi32> to vector<1x128xf32>
    %slice3A_1503 = vector.extract_strided_slice %get3A_12 {offsets = [1, 0], sizes = [1, 128], strides = [1, 1]} : vector<2x128xf32> to vector<1x128xf32>
    %mul3A_1504 = arith.mulf %convert_element_type3A_1502, %slice3A_1503 : vector<1x128xf32>
    %reduce_sum3A_1505 = arith.constant dense<0.000000e+00> : vector<1xf32>
    %reduce_sum3A_1506 = vector.multi_reduction <add>, %mul3A_1504, %reduce_sum3A_1505 [1] : vector<1x128xf32> to vector<1xf32>
    %broadcast_in_dim3A_1507 = vector.shape_cast %reduce_sum3A_1506 : vector<1xf32> to vector<1x1xf32>
    %slice3A_1508 = vector.extract_strided_slice %get3A_1 {offsets = [1, 0], sizes = [1, 128], strides = [1, 1]} : vector<2x128xf32> to vector<1x128xf32>
    %mul3A_1509 = arith.mulf %convert_element_type3A_1502, %slice3A_1508 : vector<1x128xf32>
    %reduce_sum3A_1510 = arith.constant dense<0.000000e+00> : vector<1xf32>
    %reduce_sum3A_1511 = vector.multi_reduction <add>, %mul3A_1509, %reduce_sum3A_1510 [1] : vector<1x128xf32> to vector<1xf32>
    %broadcast_in_dim3A_1512 = vector.shape_cast %reduce_sum3A_1511 : vector<1xf32> to vector<1x1xf32>
    %slice3A_1513 = vector.extract_strided_slice %get3A_15 {offsets = [0, 0], sizes = [128, 1], strides = [1, 1]} : vector<128x16xf32> to vector<128x1xf32>
    %transpose3A_1514 = tpu.transpose %slice3A_1513, [1, 0] : vector<128x1xf32> -> vector<1x128xf32>
    %slice3A_1515 = vector.extract_strided_slice %get3A_15 {offsets = [0, 1], sizes = [128, 1], strides = [1, 1]} : vector<128x16xf32> to vector<128x1xf32>
    %transpose3A_1516 = tpu.transpose %slice3A_1515, [1, 0] : vector<128x1xf32> -> vector<1x128xf32>
    %slice3A_1517 = vector.extract_strided_slice %transpose3A_1514 {offsets = [0, 2], sizes = [1, 126], strides = [1, 1]} : vector<1x128xf32> to vector<1x126xf32>
    %concatenate3A_1518 = tpu.concatenate %broadcast_in_dim3A_1492, %broadcast_in_dim3A_1507, %slice3A_1517 in 1 : vector<1x52xf32>, vector<1x1xf32>, vector<1x126xf32> -> vector<1x179xf32>
    %slice3A_1519 = vector.extract_strided_slice %transpose3A_1516 {offsets = [0, 2], sizes = [1, 126], strides = [1, 1]} : vector<1x128xf32> to vector<1x126xf32>
    %concatenate3A_1520 = tpu.concatenate %broadcast_in_dim3A_1497, %broadcast_in_dim3A_1512, %slice3A_1519 in 1 : vector<1x52xf32>, vector<1x1xf32>, vector<1x126xf32> -> vector<1x179xf32>
    %broadcast_in_dim3A_1521 = vector.shape_cast %concatenate3A_1518 : vector<1x179xf32> to vector<1x179xf32>
    %broadcast_in_dim3A_1522 = vector.broadcast %broadcast_in_dim3A_1521 : vector<1x179xf32> to vector<64x179xf32>
    %swap3A = arith.constant 0 : index
    %swap3A_1523 = arith.constant 0 : index
    %swap3A_1524 = vector.load %arg5[%swap3A, %swap3A_1523] : memref<64x179xf32, #tpu.memory_space<vmem>>, vector<64x179xf32>
    tpu.vector_store %arg5[%swap3A, %swap3A_1523], %broadcast_in_dim3A_1522 {strides = array<i32>} : memref<64x179xf32, #tpu.memory_space<vmem>>, vector<64x179xf32>,
    %broadcast_in_dim3A_1525 = vector.shape_cast %concatenate3A_1520 : vector<1x179xf32> to vector<1x179xf32>
    %broadcast_in_dim3A_1526 = vector.broadcast %broadcast_in_dim3A_1525 : vector<1x179xf32> to vector<64x179xf32>
    %swap3A_1527 = arith.constant 0 : index
    %swap3A_1528 = arith.constant 0 : index
    %swap3A_1529 = vector.load %arg6[%swap3A_1527, %swap3A_1528] : memref<64x179xf32, #tpu.memory_space<vmem>>, vector<64x179xf32>
    tpu.vector_store %arg6[%swap3A_1527, %swap3A_1528], %broadcast_in_dim3A_1526 {strides = array<i32>} : memref<64x179xf32, #tpu.memory_space<vmem>>, vector<64x179xf32>,
    return
  }
}

</mosaic_0001>

<sc_bundles>
// kernel: kernel.4.cloned.1.call-start
scs
__scs_entry_jumppad:
0x0: {  	(pc) =	sbr.rel $0x88, $3  }
0x1: {  	(tag) =	ssettag $0x0;
	lr =	simm.s32 $0x1  }
0x2: {  	[smem:$0x3F9D] =	sst lr;
	_ =	strace $0xD0000000  }
0x3: {  	_ = 	snop  }
0x4: {  	_ = 	snop  }
0x5: {  	_ = 	snop  }
0x6: {  	_ = 	snop  }
0x7: {  	_ = 	snop  }
__scs_overlays_trampoline_lowered:
0x8: {  	[smem:$0x3FAC] =	sst s0  }
0x9: {  	[smem:$0x3FAD] =	sst s1  }
0xa: {  	[smem:$0x3FAE] =	sst s2  }
0xb: {  	[smem:$0x3FAF] =	sst s3  }
0xc: {  	[smem:$0x3FB0] =	sst s4  }
0xd: {  	[smem:$0x3FB1] =	sst s5  }
0xe: {  	[smem:$0x3FB2] =	sst s6  }
0xf: {  	[smem:$0x3FB3] =	sst s7  }
0x10: {  	[smem:$0x3FB4] =	sst s8  }
0x11: {  	[smem:$0x3FB5] =	sst s9;
	s0 =	simm.s32 @!p0 $0x0  }
0x12: {  	s1 =	sld [smem:$0x3F9B];
	s0 =	simm.s32 @p0 $0x1  }
0x13: {  	[smem:$0x3FB6] =	sst s0;
	s0 =	simm.s32 @!p1 $0x0  }
0x14: {  	s2 =	sld [smem:$0x3F9A];
	s0 =	simm.s32 @p1 $0x1  }
0x15: {  	[smem:$0x3FB7] =	sst s0;
	s0 =	simm.s32 @!p2 $0x0  }
0x16: {  	s3 =	sld [smem:$0x3FDB];
	s0 =	simm.s32 @p2 $0x1  }
0x17: {  	s4 =	simm.s32 $0x1BF5;
	[smem:$0x3FB9] =	sst s0  }
0x18: {  	s0 =	sld [smem:$0x3F9C];
	_ =	swait.ge [sflag:s4], $0x0  }
0x19: {  	s7 =	sld [smem:$0x3F9D]  }
0x1a: {  	s8 =	sadd.s32 $0xFFFFE003, lr  }
0x1b: {  	s9 =	sadd.s32 $0xFFFFFEF7, lr;
	s5 =	simm.s32 $0xFFFFFFFF;
	p2 =	slt.u32 s8, $0xFFFFF086  }
0x1c: {  	p1 =	slt.u32 s9, $0xF7A;
	s5 =	simm.s32 @!p2 $0x0  }
0x1d: {  	s5 =	simm.s32 @p1 $0x1;
	p0 =	seq.s32 s7, s2  }
0x1e: {  	s7 =	smul.u32 @!p0 $0xF7A, s2;
	p2 =	seq.s32 @!p0 s5, $0x0  }
0x1f: {  	s9 =	smul.u32 $0xF7A, s1;
	s8 =	simm.s32 @!p0 $0x1BF5;
	p2 =	por !p2, p0  }
0x20: {  	[sflag:s8] =	ssyncset.s32 @!p0 $0xFFFFF086;
	s6 =	sadd.s32 @!p0 s3, s7;
	s7 =	simm.s32 @!p0 $0x108  }
0x21: {  	s3 =	sadd.s32 s3, s9;
	s6 =	sadd.s32 @!p0 $0x88, s6;
	s7 =	simm.s32 @p2 $0x1082  }
0x22: {  	[simem:s7], [sflag:s8] =	dma.local @!p0 [hbm:s6], $0xF7A  }
0x23: {  	s9 =	sor.u32 $0xD0000000, s2;
	s6 =	simm.s32 $0x108;
	_ =	swait.ge @!p0 [sflag:s8], $0x0  }
0x24: {  	s3 =	sadd.s32 $0x88, s3;
	s6 =	simm.s32 @!p1 $0x1082;
	[sflag:s4] =	ssyncset.s32 $0xFFFFF086  }
0x25: {  	[simem:s6], [sflag:s4] =	dma.local [hbm:s3], $0xF7A  }
0x26: {  	[smem:$0x3F9D] =	sst s1;
	(tag) =	ssettag s2;
	_ =	strace s9  }
0x27: {  	s1 =	sld [smem:$0x3FAD]  }
0x28: {  	s2 =	sld [smem:$0x3FAE]  }
0x29: {  	s4 =	sld [smem:$0x3FB0]  }
0x2a: {  	p0 =	seq.s32 s5, $0x0;
	s5 =	sld [smem:$0x3FB1]  }
0x2b: {  	s6 =	sld [smem:$0x3FB2]  }
0x2c: {  	s7 =	sld [smem:$0x3FB3]  }
0x2d: {  	s3 =	simm.s32 $0x108;
	s8 =	sld [smem:$0x3FB4]  }
0x2e: {  	s3 =	simm.s32 @!p0 $0x1082;
	s9 =	sld [smem:$0x3FB5]  }
0x2f: {  	lr =	sadd.s32 s0, s3;
	s0 =	sld [smem:$0x3FAC]  }
0x30: {  	s3 =	sld [smem:$0x3FAF]  }
0x31: {  	[smem:$0x3FB8] =	sst s10  }
0x32: {  	s10 =	sld [smem:$0x3FB6];
	_ =	sdelay $0x3  }
0x33: {  	p0 =	seq.s32 s10, $0x1;
	s10 =	sld [smem:$0x3FB8];
	_ =	sdelay $0x3  }
0x34: {  	[smem:$0x3FB8] =	sst s10  }
0x35: {  	s10 =	sld [smem:$0x3FB7];
	_ =	sdelay $0x3  }
0x36: {  	p1 =	seq.s32 s10, $0x1;
	s10 =	sld [smem:$0x3FB8];
	_ =	sdelay $0x3  }
0x37: {  	[smem:$0x3FB8] =	sst s10  }
0x38: {  	s10 =	sld [smem:$0x3FB9]  }
0x39: {  	_ = 	snop;
	(pc) =	sbr.ind lr, $3  }
0x3a: {  	_ = 	snop  }
0x3b: {  	_ = 	snop  }
0x3c: {  	p2 =	seq.s32 s10, $0x1;
	s10 =	sld [smem:$0x3FB8]  }
0x3d: {  	_ =	shalt  }
0x3e: {  	_ =	shalt  }
0x3f: {  	_ =	shalt  }
0x40: {  	_ =	shalt  }
0x41: {  	_ =	shalt  }
0x42: {  	_ =	shalt  }
0x43: {  	_ =	shalt  }
0x44: {  	_ =	shalt  }
0x45: {  	_ =	shalt  }
0x46: {  	_ =	shalt  }
0x47: {  	_ =	shalt  }
0x48: {  	_ =	shalt  }
0x49: {  	_ =	shalt  }
0x4a: {  	_ =	shalt  }
0x4b: {  	_ =	shalt  }
0x4c: {  	_ =	shalt  }
0x4d: {  	_ =	shalt  }
0x4e: {  	_ =	shalt  }
0x4f: {  	_ =	shalt  }
0x50: {  	_ =	shalt  }
0x51: {  	_ =	shalt  }
0x52: {  	_ =	shalt  }
0x53: {  	_ =	shalt  }
0x54: {  	_ =	shalt  }
0x55: {  	_ =	shalt  }
0x56: {  	_ =	shalt  }
0x57: {  	_ =	shalt  }
0x58: {  	_ =	shalt  }
0x59: {  	_ =	shalt  }
0x5a: {  	_ =	shalt  }
0x5b: {  	_ =	shalt  }
0x5c: {  	_ =	shalt  }
0x5d: {  	_ =	shalt  }
0x5e: {  	_ =	shalt  }
0x5f: {  	_ =	shalt  }
0x60: {  	_ =	shalt  }
0x61: {  	_ =	shalt  }
0x62: {  	_ =	shalt  }
0x63: {  	_ =	shalt  }
0x64: {  	_ =	shalt  }
0x65: {  	_ =	shalt  }
0x66: {  	_ =	shalt  }
0x67: {  	_ =	shalt  }
0x68: {  	_ =	shalt  }
0x69: {  	_ =	shalt  }
0x6a: {  	_ =	shalt  }
0x6b: {  	_ =	shalt  }
0x6c: {  	_ =	shalt  }
0x6d: {  	_ =	shalt  }
0x6e: {  	_ =	shalt  }
0x6f: {  	_ =	shalt  }
0x70: {  	_ =	shalt  }
0x71: {  	_ =	shalt  }
0x72: {  	_ =	shalt  }
0x73: {  	_ =	shalt  }
0x74: {  	_ =	shalt  }
0x75: {  	_ =	shalt  }
0x76: {  	_ =	shalt  }
0x77: {  	_ =	shalt  }
0x78: {  	_ =	shalt  }
0x79: {  	_ =	shalt  }
0x7a: {  	_ =	shalt  }
0x7b: {  	_ =	shalt  }
0x7c: {  	_ =	shalt  }
0x7d: {  	_ =	shalt  }
0x7e: {  	_ =	shalt  }
0x7f: {  	_ =	shalt  }
0x80: {  	_ =	shalt  }
0x81: {  	_ =	shalt  }
0x82: {  	_ =	shalt  }
0x83: {  	_ =	shalt  }
0x84: {  	_ =	shalt  }
0x85: {  	_ =	shalt  }
0x86: {  	_ =	shalt  }
0x87: {  	_ =	shalt  }
.Lfunc_end0:
.L_simem_size_0:
called_computation_lowered:
.L_overlay_start_0:
0x88: {  	s2 =	sld [smem:$0x3FD9]  }
0x89: {  	s3 =	sld [smem:$0x3FFE];
	_ =	sdelay $0x1  }
0x8a: {  	s1 =	srdreg.scid  }
0x8b: {  	s0 =	sand.u32 $0x1, s1  }
0x8c: {  	s14 =	sshll.u32 s0, $0xA;
	s2 =	sadd.s32 s3, s2  }
0x8d: {  	s2 =	sadd.s32 s2, s14  }
0x8e: {  	[smem:$0x3FC4] =	sst s2  }
0x8f: {  	_ = 	snop  }
0x90: {  	s2 =	sld [smem:$0x3FD0];
	_ =	sdelay $0x2  }
0x91: {  	s4 =	simm.s32 $0xA;
	s5 =	simm.s32 $0x10;
	s15 =	sld [smem:$0x3FC8]  }
0x92: {  	[smem:s5], [sflag:s4] =	dma.local [hbm:s2], $0x1  }
0x93: {  	_ =	swait.eq [sflag:s4], $0x1  }
0x94: {  	[sflag:s4] =	ssyncset.done $0x0  }
0x95: {  	[sflag:s4] =	ssyncadd.s32 $0xFFFFFFFF  }
0x96: {  	s16 =	sld [smem:$0x11];
	(tm) =	ssettm $0x1  }
0x97: {  	s17 =	sld [smem:$0x3FFB];
	_ =	sdelay $0x3  }
0x98: {  	_ =	strace s17  }
0x99: {  	s4 =	sld [smem:$0x3FFC];
	_ =	sdelay $0x3  }
0x9a: {  	_ =	strace s4  }
0x9b: {  	s4 =	sld [smem:$0x3FFD];
	_ =	sdelay $0x3  }
0x9c: {  	_ =	strace s4  }
0x9d: {  	_ =	strace $0x8FFFFFFF  }
0x9e: {  	s18 =	sld [smem:$0x3FDB];
	_ =	sdelay $0x1  }
0x9f: {  	s19 =	simm.s32 $_scs_section_size  }
0xa0: {  	s6 =	simm.s32 $_size__tile_overlayer_lowered;
	s7 =	simm.s32 $_tile_overlayer_lowered  }
0xa1: {  	s22 =	simm.s32 $0x1BFF;
	s21 =	sshll.u32 s7, $0x1;
	s4 =	sadd.s32 s19, s18  }
0xa2: {  	s8 =	simm.s32 $0x0;
	s20 =	sshll.u32 s6, $0x1;
	s6 =	sadd.s32 s21, s4  }
0xa3: {  	[timem:s8], [sflag:s22] =	dma.local [hbm:s6], s20  }
0xa4: {  	_ =	swait.ge [sflag:s22], s20  }
0xa5: {  	s5 =	ssub.s32 $0x0, s20;
	[sflag:s22] =	ssyncset.done $0x0  }
0xa6: {  	[sflag:s22] =	ssyncadd.s32 s5;
	_ =	sdelay $0x1  }
0xa7: {  	s23 =	simm.s32 $0x1B8B  }
0xa8: {  	_ =	swait.ge [sflag:s23], $0x1  }
0xa9: {  	[sflag:s23] =	ssyncset.done $0x0  }
0xaa: {  	s25 =	simm.s32 $0x1B8E;
	s24 =	sld [smem:$0x3FFE];
	[sflag:s23] =	ssyncadd.s32 $0xFFFFFFFF  }
0xab: {  	s26 =	simm.s32 $execute0_lowered;
	[smem:$0x3FD2] =	sst s25  }
0xac: {  	s6 =	sshll.u32 s26, $0x1;
	_ =	strace $0x80000046;
	[dreg:$0x1] =	wrdreg $0xFFFFFFFF  }
0xad: {  	s28 =	simm.s32 $_size_execute0_lowered;
	s4 =	sadd.s32 s4, s6;
	[dreg:$0x0] =	wrdreg $0x0  }
0xae: {  	s6 =	sshll.u32 s28, $0x1;
	[dreg:$0x2] =	wrdreg s4  }
0xaf: {  	[dreg:$0x3] =	wrdreg s6  }
0xb0: {  	[dreg:$0x4] =	wrdreg $0xC0  }
0xb1: {  	_ =	task [dreg:s8], $0x5FFFF  }
0xb2: {  	[dreg:$0x1] =	wrdreg $0xFFFFFFFF  }
0xb3: {  	[dreg:$0x0] =	wrdreg $0x60  }
0xb4: {  	[dreg:$0x2] =	wrdreg s15  }
0xb5: {  	[dreg:$0x3] =	wrdreg s24  }
0xb6: {  	[dreg:$0x4] =	wrdreg s16  }
0xb7: {  	[dreg:$0x5] =	wrdreg $0x9  }
0xb8: {  	_ =	task.clear_ibuf [dreg:s8], $0x6FFFF;
	_ =	strace $0x90000046  }
0xb9: {  	s29 =	simm.s32 $0x9;
	_ =	strace $0x80000048  }
0xba: {  	_ =	swait.ge [sflag:s29], $0x1  }
0xbb: {  	[sflag:s29] =	ssyncadd.s32 $0xFFFFFFFF  }
0xbc: {  	_ =	strace $0x90000048  }
0xbd: {  	_ =	sfence  }
0xbe: {  	s30 =	sld [smem:$0x0];
	_ =	sdelay $0x2  }
0xbf: {  	s31 =	sshll.u32 s1, $0xD;
	s1 =	sshrl.u32 s1, $0x2  }
0xc0: {  	s3 =	sand.u32 $0x4000, s31;
	s1 =	sadd.s32 s1, s30  }
0xc1: {  	s0 =	sor.u32 s3, s0;
	s1 =	sshll.u32 s1, $0x11  }
0xc2: {  	s0 =	sor.u32 s1, s0  }
0xc3: {  	s0 =	sadd.s32 $0x8F2B, s0  }
0xc4: {  	[sflag:s0] =	ssyncadd.remote.s32 $0x1  }
0xc5: {  	_ =	sfence.sel $0xFFFF  }
0xc6: {  	[dreg:$0x0] =	wrdreg $0xFFFFFFFF;
	(pc) =	sbr.abs _section_cstart, $3  }
0xc7: {  	[dreg:$0x1] =	wrdreg $0xFFFFFFFF  }
0xc8: {  	_ =	task.clear_ibuf [dreg:s8], $0x2FFFF;
	_ =	strace $0x9FFFFFFF  }
0xc9: {  	(tm) =	ssettm $0x7FFFFFFF  }
tec
execute0_lowered:
.L_overlay_start_1:
0x0: {  	(tag) =	ssettag $0x1  }
0x1: {  	v0 =	vimm.s32 $0xEFCDAB89;
	v1 =	vimm.s32 $0x67452301  }
0x2: {  	v2 =	vimm.s32 $0xDCFE98BA;
	v6 =	vimm.s32 $0xBA98FEDC;
	v7 =	vimm.s32 $0x32107654  }
0x3: {  	v8 =	vimm.s32 $0xFEDCBA98;
	vm0 =	vmmov $0x1;
	v16 =	vimm.s32 $0x0  }
0x4: {  	s1 =	srdreg.scid;
	s0 =	stileid.u32;
	v0 =	vunpack.c.l.s4.s8 v0;
	v1 =	vunpack.c.l.s4.s8 v1;
	v5 =	vunpack.c.l.s4.s8 v2  }
0x5: {  	s3 =	sand.u32 $0x1, s1;
	s26 =	sshll.u32 s0, $0x1;
	v6 =	vunpack.c.l.s4.s8 v6;
	v7 =	vunpack.c.l.s4.s8 v7;
	v8 =	vunpack.c.l.s4.s8 v8  }
0x6: {  	s28 =	rddreg [dreg:$0x0];
	v16 =	vsel vm0, $0xFFFFFFFF, v16;
	s1 =	sor.u32 s3, s26;
	v3 =	vunpack.c.0.s8.s32 v0;
	v4 =	vunpack.c.0.s8.s32 v1  }
0x7: {  	s29 =	rddreg [dreg:$0x1];
	s1 =	smul.u32 $0x6600, s1;
	v6 =	vunpack.c.0.s8.s32 v6;
	v7 =	vunpack.c.0.s8.s32 v7;
	v8 =	vunpack.c.0.s8.s32 v8  }
0x8: {  	s6 =	rddreg [dreg:$0x2];
	v5 =	vunpack.c.0.s8.s32 v5;
	v4 =	vcombine.low v4, v3;
	v3 =	vimm.s32 $0x54761032  }
0x9: {  	s11 =	simm.s32 $0x1;
	s2 =	sor.u32 $0x32, s1;
	s4 =	sadd.s32 $0x19B2, s1;
	v7 =	vcombine.low v7, v6;
	v8 =	vand.u32 $0xF, v8;
	v3 =	vunpack.c.l.s4.s8 v3  }
0xa: {  	s12 =	simm.s32 $0x300;
	s9 =	sshll.u32 s0, $0x7;
	s5 =	sadd.s32 $0x3332, s1;
	v6 =	vlaneseq.u32;
	v0 =	vmov s2;
	v1 =	vmov s4  }
0xb: {  	s30 =	ssub.s32 $0x2, s3;
	s10 =	sshll.u32 s3, $0x6;
	s3 =	sadd.s32 $0xA00, s29;
	v2 =	vmov s5;
	v9 =	vunpack.c.0.s8.s32 v3;
	v3 =	vimm.s32 $0x76543210  }
0xc: {  	s8 =	sshrl.u32 s30, $0x1;
	s31 =	sor.u32 s10, s9;
	s9 =	simm.s32 $0x200;
	v11 =	vor.u32 $0x30, v6;
	v12 =	vor.u32 $0x40, v6;
	v10 =	vunpack.c.l.s4.s8 v3  }
0xd: {  	s7 =	sadd.s32 $0x4CB2, s1;
	s1 =	rddreg [dreg:$0x3];
	s2 =	simm.s32 $0x0;
	v13 =	vor.u32 $0x50, v6;
	v14 =	vor.u32 $0x60, v6;
	v15 =	vor.u32 $0x70, v6  }
0xe: {  	s10 =	simm.s32 $0x280;
	s4 =	sadd.s32 s28, s31;
	[smem:$0x7FF] =	sst s2;
	v4 =	vand.u32 $0xF, v4;
	v5 =	vcombine.low v9, v5;
	v9 =	vunpack.c.0.s8.s32 v10  }
0xf: {  	s5 =	sadd.s32 s6, s31;
	v7 =	vand.u32 $0xF, v7;
	_ =	strace $0x80000047;
	v3 =	vmov s7;
	s7 =	ssub.s32 s30, s8;
	v10 =	vor.u32 $0x20, v6  }
0x10: {  	[tilespmem:$0x1FFF0] =	vst v16;
	s8 =	simm.s32 $0x10;
	s6 =	smax.u32 s7, $0x1;
	s7 =	simm.s32 $0x2;
	v5 =	vand.u32 $0xF, v5;
	v8 =	vcombine.low v8, v9;
	v9 =	vor.u32 $0x10, v6  }
.LBB2_1:
0x11: {  	[tilespmem:s2], [sflag:$0x2] =	stream.linear.gather [hbm4b:s4+s2], $0x200, $0x38;
	[tilespmem:$0x500] =	vst v63  }
0x12: {  	_ =	swait.ge [sflag:s7], $0x200  }
0x13: {  	[sflag:s7] =	ssyncset.done $0x0  }
0x14: {  	[sflag:s7] =	ssyncadd.s32 $0xFFFFFE00  }
0x15: {  	v16 =	vld [tilespmem:$0x0]  }
0x16: {  	v17 =	vld [tilespmem:$0x10]  }
0x17: {  	v18 =	vld [tilespmem:$0x20]  }
0x18: {  	v19 =	vld [tilespmem:$0x80]  }
0x19: {  	v20 =	vld [tilespmem:$0x90]  }
0x1a: {  	v21 =	vld [tilespmem:$0x30]  }
0x1b: {  	v22 =	vld [tilespmem:$0xA0]  }
0x1c: {  	v23 =	vld [tilespmem:$0xB0]  }
0x1d: {  	v48 =	vld [tilespmem:$0x50]  }
0x1e: {  	v49 =	vld [tilespmem:$0xC0]  }
0x1f: {  	v50 =	vld [tilespmem:$0x60]  }
0x20: {  	v51 =	vld [tilespmem:$0xD0]  }
0x21: {  	v52 =	vld [tilespmem:$0xE0];
	vm6 =	vgt.f32 v17, v16;
	vm0 =	vgt.f32 v20, v19  }
0x22: {  	v16 =	vsel vm6, v17, v16;
	v17 =	vld [tilespmem:$0x40];
	v19 =	vsel vm0, v20, v19  }
0x23: {  	v54 =	vld [tilespmem:$0xF0];
	vm2 =	vgt.f32 v18, v16;
	vm7 =	vgt.f32 v22, v19  }
0x24: {  	v55 =	vld [tilespmem:$0x100];
	v16 =	vsel vm2, v18, v16;
	v19 =	vsel vm7, v22, v19  }
0x25: {  	v56 =	vld [tilespmem:$0x110];
	vm5 =	vgt.f32 v21, v16;
	vm9 =	vgt.f32 v23, v19  }
0x26: {  	v60 =	vld [tilespmem:$0x180];
	v16 =	vsel vm5, v21, v16;
	v19 =	vsel vm9, v23, v19  }
0x27: {  	v25 =	vld [tilespmem:$0x190];
	vm3 =	vgt.f32 v17, v16;
	vm12 =	vgt.f32 v49, v19  }
0x28: {  	v16 =	vsel vm3, v17, v16;
	v17 =	vld [tilespmem:$0x70];
	v53 =	vsel vm12, v49, v19  }
0x29: {  	vm4 =	vgt.f32 v48, v16;
	vm11 =	vgt.f32 v51, v53  }
0x2a: {  	v24 =	vimm.s32 $0x0;
	v57 =	vld [tilespmem:$0x120];
	v16 =	vsel vm4, v48, v16;
	v18 =	vsel vm11, v51, v53  }
0x2b: {  	v28 =	vld [tilespmem:$0x1A0];
	vm13 =	vgt.f32 v56, v55;
	vm1 =	vgt.f32 v50, v16;
	vm10 =	vgt.f32 v52, v18  }
0x2c: {  	vm14 =	vgt.f32 v25, v60;
	v16 =	vsel vm1, v50, v16;
	v18 =	vsel vm10, v52, v18  }
0x2d: {  	v24 =	vsel vm0, $0xFFFFFFFF, v24;
	vm0 =	vgt.f32 v17, v16;
	vm8 =	vgt.f32 v54, v18  }
0x2e: {  	v20 =	vsel vm13, v56, v55;
	v17 =	vsel vm0, v17, v16;
	v18 =	vsel vm8, v54, v18  }
0x2f: {  	[tilespmem:$0x1FFE0] =	vst v24;
	v24 =	vsel vm14, v25, v60;
	v16 =	vperm.xlane v17, v4;
	v59 =	vperm.xlane v18, v4  }
0x30: {  	v62 =	vld [tilespmem:$0x130];
	v33 =	vsel vm6, v9, v6;
	vm15 =	vgt.f32 v57, v20;
	vm6 =	vgt.f32 v28, v24  }
0x31: {  	v32 =	vld [tilespmem:$0x1B0];
	v24 =	vsel vm6, v28, v24;
	v16 =	vmax.f32 v17, v16;
	v61 =	vmax.f32 v18, v59  }
0x32: {  	v53 =	vsel vm13, v9, v6;
	v58 =	vperm.xlane v16, v5;
	v27 =	vperm.xlane v61, v5  }
0x33: {  	v63 =	vld [tilespmem:$0x140];
	v19 =	vsel vm15, v57, v20;
	v57 =	vsel vm14, v9, v6;
	v25 =	vsel vm15, v10, v53  }
0x34: {  	v35 =	vld [tilespmem:$0x1C0];
	v16 =	vmax.f32 v16, v58;
	v22 =	vmax.f32 v61, v27;
	v27 =	vsel vm2, v10, v33  }
0x35: {  	v34 =	vld [tilespmem:$0x150];
	vm2 =	vgt.f32 v62, v19;
	v26 =	vperm.xlane v16, v7;
	v27 =	vsel vm5, v11, v27  }
0x36: {  	v40 =	vld [tilespmem:$0x1FFE0];
	v19 =	vsel vm2, v62, v19;
	vm5 =	vgt.f32 v32, v24;
	v44 =	vperm.xlane v22, v7  }
0x37: {  	v36 =	vld [tilespmem:$0x160];
	v55 =	vsel vm2, v11, v25;
	v25 =	vsel vm6, v10, v57;
	v27 =	vsel vm3, v12, v27  }
0x38: {  	v37 =	vld [tilespmem:$0x1D0];
	vm3 =	vgt.f32 v63, v19;
	v24 =	vsel vm5, v32, v24;
	v16 =	vmax.f32 v16, v26  }
0x39: {  	v38 =	vld [tilespmem:$0x170];
	v27 =	vsel vm4, v13, v27;
	v19 =	vsel vm3, v63, v19;
	vm4 =	vgt.f32 v35, v24  }
0x3a: {  	v39 =	vld [tilespmem:$0x1E0];
	v21 =	vmax.f32 v22, v44;
	v27 =	vsel vm1, v14, v27;
	vm1 =	vgt.f32 v34, v19  }
0x3b: {  	v24 =	vsel vm4, v35, v24;
	v27 =	vsel vm0, v15, v27;
	vm0 =	vnez.u8 v40  }
0x3c: {  	v41 =	vld [tilespmem:$0x1F0];
	v43 =	vperm.xlane v16, v8;
	v19 =	vsel vm1, v34, v19;
	v20 =	vsel vm0, v9, v6  }
0x3d: {  	vm0 =	vgt.f32 v36, v19;
	v20 =	vsel vm7, v10, v20;
	vm7 =	vgt.f32 v37, v24  }
0x3e: {  	v19 =	vsel vm0, v36, v19;
	v42 =	vsel vm7, v37, v24;
	v20 =	vsel vm9, v11, v20  }
0x3f: {  	vm9 =	vgt.f32 v38, v19;
	v20 =	vsel vm12, v12, v20;
	vm12 =	vgt.f32 v39, v42  }
0x40: {  	v16 =	vmax.f32 v16, v43;
	v19 =	vsel vm9, v38, v19;
	v23 =	vsel vm12, v39, v42  }
0x41: {  	v20 =	vsel vm11, v13, v20;
	v45 =	vperm.xlane v19, v4;
	vm11 =	vgt.f32 v41, v23  }
0x42: {  	v20 =	vsel vm10, v14, v20;
	vm10 =	veq.f32 v17, v16;
	v46 =	vsel vm11, v41, v23  }
0x43: {  	v17 =	vperm.xlane v21, v8;
	v47 =	vmax.f32 v19, v45;
	v48 =	vperm.xlane v46, v4  }
0x44: {  	v59 =	vsel vm5, v11, v25;
	v49 =	vperm.xlane v47, v5  }
0x45: {  	v20 =	vsel vm8, v15, v20;
	v17 =	vmax.f32 v21, v17;
	v24 =	vmax.f32 v46, v48  }
0x46: {  	vm13 =	veq.f32 v18, v17;
	v51 =	vmax.f32 v47, v49;
	v52 =	vperm.xlane v24, v5  }
0x47: {  	v61 =	vsel vm4, v12, v59;
	v20 =	vnsel vm13, $0x3E7, v20;
	v54 =	vperm.xlane v51, v7  }
0x48: {  	v50 =	vnsel vm10, $0x3E7, v27;
	v63 =	vperm.xlane v20, v4;
	v23 =	vmax.f32 v24, v52  }
0x49: {  	v62 =	vperm.xlane v50, v4;
	v18 =	vmax.f32 v51, v54;
	v56 =	vperm.xlane v23, v7  }
0x4a: {  	v24 =	vsel vm3, v12, v55;
	vm10 =	vlt.s32 v20, v63;
	v58 =	vperm.xlane v18, v8  }
0x4b: {  	v24 =	vsel vm1, v13, v24;
	v20 =	vsel vm10, v20, v63;
	v21 =	vmax.f32 v23, v56  }
0x4c: {  	v24 =	vsel vm0, v14, v24;
	v18 =	vmax.f32 v18, v58;
	v60 =	vperm.xlane v21, v8  }
0x4d: {  	v31 =	vperm.xlane v20, v5;
	vm6 =	veq.f32 v19, v18;
	v19 =	vsel vm7, v13, v61  }
0x4e: {  	v24 =	vsel vm9, v15, v24;
	v19 =	vsel vm12, v14, v19;
	v21 =	vmax.f32 v21, v60  }
0x4f: {  	v24 =	vnsel vm6, $0x3E7, v24;
	v19 =	vsel vm11, v15, v19;
	vm8 =	veq.f32 v46, v21  }
0x50: {  	vm9 =	vlt.s32 v50, v62;
	v28 =	vperm.xlane v24, v4;
	v19 =	vnsel vm8, $0x3E7, v19  }
0x51: {  	v42 =	vld [tilespmem:$0x1FFF0];
	v23 =	vsel vm9, v50, v62;
	v29 =	vperm.xlane v19, v4  }
0x52: {  	vm13 =	vlt.s32 v20, v31;
	v30 =	vperm.xlane v23, v5;
	vm11 =	vlt.s32 v24, v28  }
0x53: {  	v20 =	vsel vm13, v20, v31;
	v22 =	vsel vm11, v24, v28;
	vm12 =	vlt.s32 v19, v29  }
0x54: {  	vm1 =	vlt.s32 v23, v30;
	v32 =	vperm.xlane v22, v5;
	v19 =	vsel vm12, v19, v29  }
0x55: {  	v35 =	vperm.xlane v20, v7;
	v23 =	vsel vm1, v23, v30;
	v33 =	vperm.xlane v19, v5  }
0x56: {  	vm10 =	vnez.u8 v42;
	v34 =	vperm.xlane v23, v7;
	vm14 =	vlt.s32 v22, v32  }
0x57: {  	vm4 =	vlt.s32 v20, v35;
	v22 =	vsel vm14, v22, v32;
	vm15 =	vlt.s32 v19, v33  }
0x58: {  	vm1 =	vlt.s32 v23, v34;
	v36 =	vperm.xlane v22, v7;
	v19 =	vsel vm15, v19, v33  }
0x59: {  	v20 =	vsel vm4, v20, v35;
	v23 =	vsel vm1, v23, v34;
	v37 =	vperm.xlane v19, v7  }
0x5a: {  	vm11 =	vcmask $0x310;
	v38 =	vperm.xlane v23, v8;
	vm5 =	vlt.s32 v22, v36  }
0x5b: {  	v39 =	vperm.xlane v20, v8;
	v22 =	vsel vm5, v22, v36;
	vm6 =	vlt.s32 v19, v37  }
0x5c: {  	vm1 =	vlt.s32 v23, v38;
	v40 =	vperm.xlane v22, v8;
	v19 =	vsel vm6, v19, v37  }
0x5d: {  	vm7 =	vlt.s32 v20, v39;
	v23 =	vsel vm1, v23, v38;
	v41 =	vperm.xlane v19, v8  }
0x5e: {  	v20 =	vsel vm7, v20, v39;
	v23 =	vmul.u32 $0x33, v23;
	vm8 =	vlt.s32 v22, v40  }
0x5f: {  	v20 =	vmul.u32 $0x33, v20;
	v22 =	vsel vm8, v22, v40;
	vm9 =	vlt.s32 v19, v41  }
0x60: {  	v23 =	vadd.s32 v0, v23;
	v22 =	vmul.u32 $0x33, v22;
	v19 =	vsel vm9, v19, v41  }
0x61: {  	v20 =	vadd.s32 v1, v20;
	v23 =	vnsel vm10, $0x0, v23;
	v19 =	vmul.u32 $0x33, v19  }
0x62: {  	vm12 =	vcmask $0x710;
	v20 =	vsel vm11, v23, v20;
	v22 =	vadd.s32 v2, v22  }
0x63: {  	vm13 =	vcmask $0xB10;
	v20 =	vsel vm12, v20, v22;
	v19 =	vadd.s32 v3, v19  }
0x64: {  	v19 =	vsel vm13, v20, v19  }
0x65: {  	[tilespmem:$0x200] =	vst v19  }
0x66: {  	[tilespmem:s10], [sflag:$0x1] =	stream.indirect.gather [hbm4b:s3+s8], $0x1, s9, s8, $0xb8;
	[tilespmem:$0x500] =	vst v63  }
0x67: {  	_ =	swait.ge [sflag:s11], $0x10  }
0x68: {  	[sflag:s11] =	ssyncset.done $0x0  }
0x69: {  	[sflag:s11] =	ssyncadd.s32 $0xFFFFFFF0  }
0x6a: {  	v43 =	vld [tilespmem:$0x280];
	_ =	sdelay $0x4  }
0x6b: {  	vm14 =	vcmask $0x308;
	v44 =	vnsel vm10, $0xFF61B1E6, v43  }
0x6c: {  	vm15 =	vcmask $0x70C;
	v46 =	vsel vm14, $0xFF61B1E6, v43;
	v45 =	vperm.xlane v44, v4  }
0x6d: {  	v48 =	vsel vm15, $0xFF61B1E6, v43;
	v47 =	vperm.xlane v46, v4  }
0x6e: {  	v19 =	vsel vm13, $0xFF61B1E6, v43;
	v49 =	vperm.xlane v48, v4;
	v20 =	vmax.f32 v44, v45  }
0x6f: {  	v51 =	vperm.xlane v19, v4;
	v23 =	vmax.f32 v46, v47;
	v50 =	vperm.xlane v20, v5  }
0x70: {  	v22 =	vmax.f32 v48, v49;
	v52 =	vperm.xlane v23, v5  }
0x71: {  	v19 =	vmax.f32 v19, v51;
	v53 =	vperm.xlane v22, v5;
	v20 =	vmax.f32 v20, v50  }
0x72: {  	v55 =	vperm.xlane v19, v5;
	v23 =	vmax.f32 v23, v52;
	v54 =	vperm.xlane v20, v7  }
0x73: {  	v22 =	vmax.f32 v22, v53;
	v56 =	vperm.xlane v23, v7  }
0x74: {  	v19 =	vmax.f32 v19, v55;
	v57 =	vperm.xlane v22, v7;
	v20 =	vmax.f32 v20, v54  }
0x75: {  	v59 =	vperm.xlane v19, v7;
	v23 =	vmax.f32 v23, v56;
	v58 =	vperm.xlane v20, v8  }
0x76: {  	v22 =	vmax.f32 v22, v57;
	v60 =	vperm.xlane v23, v8  }
0x77: {  	v19 =	vmax.f32 v19, v59;
	v61 =	vperm.xlane v22, v8;
	v20 =	vmax.f32 v20, v58  }
0x78: {  	v62 =	vperm.xlane v19, v8;
	v23 =	vmax.f32 v23, v60;
	v20 =	vnsel vm10, $0x0, v20  }
0x79: {  	v22 =	vmax.f32 v22, v61;
	v63 =	vnsel vm10, $0x0, v23;
	v16 =	vsel vm14, v20, v16  }
0x7a: {  	v19 =	vmax.f32 v19, v62;
	[tilespmem:$0x300] =	vst v16;
	v16 =	vsel vm14, v63, v17;
	v17 =	vnsel vm10, $0x0, v22  }
0x7b: {  	[tilespmem:$0x380] =	vst v16;
	v16 =	vsel vm14, v17, v18;
	v17 =	vnsel vm10, $0x0, v19  }
0x7c: {  	p0 =	sne.s32 s6, $0x1;
	[tilespmem:$0x400] =	vst v16;
	v16 =	vsel vm14, v17, v21  }
.Ltmp0:
0x7d: {  	[tilespmem:$0x480] =	vst v16;
	(pc) =	sbr.rel @p0 .LBB2_1-.Ltmp0, $4  }
0x7e: {  	[hbm4b:s5+s2] =	stream.linear.scatter [tilespmem:s12], [sflag:$0x2], $0x200, $0x38;
	[tilespmem:$0x500] =	vst v63  }
0x7f: {  	_ =	swait.ge [sflag:s7], $0x200  }
0x80: {  	[sflag:s7] =	ssyncset.done $0x0  }
0x81: {  	s6 =	sadd.s32 $0xFFFFFFFF, s6;
	[sflag:s7] =	ssyncadd.s32 $0xFFFFFE00  }
0x82: {  	_ =	sfence.sel $0x180000  }
0x83: {  	[bflag:$0x0] =	sbarrier.arrive $0xFFFF  }
0x84: {  	p0 =	sne.s32 s0, $0x0;
	_ =	strace $0x90000047  }
0x85: {  	s0 =	sadd.s32 @!p0 $0x100000, s1;
	[bflag:$0x2] =	sbarrier.arrive $0xFFFF  }
0x86: {  	[sflag:s0] =	ssyncadd.tile.s32 @!p0 $0x1;
	_ =	shalt  }
.Lfunc_end2:
_tile_overlayer_lowered:
.L_overlay_start_2:
0x87: {  	(tag) =	ssettag $0x2  }
0x88: {  	s0 =	rddreg [dreg:$0x0];
	s2 =	stileid.u32  }
0x89: {  	s1 =	rddreg [dreg:$0x1];
	p0 =	sne.s32 s2, $0x0  }
0x8a: {  	s3 =	rddreg [dreg:$0x2];
	[bflag:$0x3] =	sbarrier.arrive $0xFFFF;
	s2 =	simm.s32 @!p0 $0x1C02  }
0x8b: {  	[timem:s3], [sflag:s2] =	dma.local @!p0 [hbm:s0], s1  }
0x8c: {  	s0 =	simm.s32 @!p0 $0x2  }
0x8d: {  	_ =	swait.ge @!p0 [sflag:s0], s1  }
0x8e: {  	s1 =	ssub.s32 @!p0 $0x0, s1;
	[sflag:s0] =	ssyncset.done @!p0 $0x0  }
0x8f: {  	[sflag:s0] =	ssyncadd.s32 @!p0 s1  }
0x90: {  	[bflag:$0x3] =	sbarrier.arrive $0xFFFF  }
0x91: {  	_ =	shalt  }

</sc_bundles>
